<compile_context>
chip_gen: v7x
topology: tpu7x:2x2x1
jax: 0.10.2.dev20260603
libtpu: 0.0.44.dev20260713+nightly
codegen_flags: <defaults>
</compile_context>

<pallas_src>
import functools

import jax
import jax.numpy as jnp
from jax import lax
from jax.experimental import pallas as pl
from jax.experimental.pallas import tpu as pltpu
from jax.experimental.pallas import tpu_sc as plsc

N = 10000
E = 320000
D = 128

NC = 2
NS = 16
NW = NC * NS
EPT = E // NW
RCH = 624
DEG_CH = 624


CH = 128
NCHG = E // CH
NCHT = NCHG // NW
NEXTRA = NCHG - NCHT * NW
RSC = 3
DZ = 208


def _make_sc_agg(with_deg: bool):
    out_type = [jax.ShapeDtypeStruct((N, NC * D), jnp.float32)]
    scratch = (
        [pltpu.VMEM((2, CH), jnp.int32) for _ in range(RSC)]
        + [pltpu.VMEM((CH, D), jnp.float32) for _ in range(RSC)]
        + [pltpu.VMEM_SHARED((N, D), jnp.float32)]
        + [pltpu.SemaphoreType.DMA for _ in range(3 * RSC)]
    )
    if with_deg:
        out_type.append(jax.ShapeDtypeStruct((N,), jnp.float32))
        out_type.append(jax.ShapeDtypeStruct((N,), jnp.float32))
        scratch += [
            pltpu.VMEM((CH,), jnp.float32),
            pltpu.VMEM((DZ,), jnp.float32),
            pltpu.VMEM((16,), jnp.float32),
            pltpu.VMEM_SHARED((N,), jnp.float32),
        ]

    mesh = plsc.VectorSubcoreMesh(core_axis_name="c", subcore_axis_name="s")

    @functools.partial(pl.kernel, out_type=tuple(out_type), mesh=mesh,
                       scratch_types=scratch)
    def sc_agg(h_hbm, e_hbm, out_sum, *rest):
        if with_deg:
            out_deg0, out_deg1 = rest[0], rest[1]
            rest = rest[2:]
        idx_v = rest[0:RSC]
        rows_v = rest[RSC:2 * RSC]
        acc = rest[2 * RSC]
        sem_i = rest[2 * RSC + 1:3 * RSC + 1]
        sem_g = rest[3 * RSC + 1:4 * RSC + 1]
        sem_s = rest[4 * RSC + 1:5 * RSC + 1]
        if with_deg:
            ones_v, dzero, dtail, dacc = rest[5 * RSC + 1:]
        c = lax.axis_index("c")
        s = lax.axis_index("s")
        wid = c * NS + s

        zero16 = jnp.zeros((16,), jnp.float32)

        def zrow(i, carry):
            for j in range(D // 16):
                rows_v[0][i, pl.ds(j * 16, 16)] = zero16
            return carry

        lax.fori_loop(0, CH, zrow, 0)
        for k in range(RCH // CH):
            pltpu.sync_copy(rows_v[0], acc.at[pl.ds(s * RCH + k * CH, CH)])
        rem = RCH % CH
        if rem:
            pltpu.sync_copy(rows_v[0].at[pl.ds(0, rem)],
                            acc.at[pl.ds(s * RCH + RCH - rem, rem)])

        @pl.when(s == NS - 1)
        def _():
            pltpu.sync_copy(rows_v[0].at[pl.ds(0, 16)],
                            acc.at[pl.ds(N - 16, 16)])

        if with_deg:
            for j in range(CH // 16):
                ones_v[pl.ds(j * 16, 16)] = jnp.ones((16,), jnp.float32)

            def dzrow(i, carry):
                dzero[pl.ds(i * 16, 16)] = zero16
                return carry

            lax.fori_loop(0, DZ // 16, dzrow, 0)
            for k in range(DEG_CH // DZ):
                pltpu.sync_copy(dzero,
                                dacc.at[pl.ds(s * DEG_CH + k * DZ, DZ)])

            @pl.when(s == NS - 1)
            def _():
                pltpu.sync_copy(dzero.at[pl.ds(0, 16)],
                                dacc.at[pl.ds(N - 16, 16)])

        plsc.subcore_barrier()

        def issue_idx(gl, j):
            pltpu.async_copy(e_hbm.at[:, pl.ds(gl * CH, CH)], idx_v[j],
                             sem_i[j])

        def wait_idx(j):
            pltpu.make_async_copy(e_hbm.at[:, pl.ds(0, CH)], idx_v[j],
                                  sem_i[j]).wait()

        def issue_gather(j):
            pltpu.async_copy(h_hbm.at[idx_v[j].at[0]], rows_v[j], sem_g[j])

        def wait_gather(j):
            pltpu.make_async_copy(h_hbm.at[idx_v[j].at[0]], rows_v[j],
                                  sem_g[j]).wait()

        def scatter(j):
            pltpu.async_copy(rows_v[j], acc.at[idx_v[j].at[1]], sem_s[j],
                             add=True)
            if with_deg:
                pltpu.async_copy(ones_v, dacc.at[idx_v[j].at[1]], sem_s[j],
                                 add=True)

        def wait_scatter(j):
            pltpu.make_async_copy(rows_v[j], acc.at[idx_v[j].at[1]],
                                  sem_s[j]).wait()
            if with_deg:
                pltpu.make_async_copy(ones_v, dacc.at[idx_v[j].at[1]],
                                      sem_s[j]).wait()

        gl0 = wid * NCHT

        for j in range(RSC):
            issue_idx(gl0 + j, j)
        for j in range(RSC):
            wait_idx(j)
            issue_gather(j)
        for j in range(RSC):
            wait_gather(j)
            scatter(j)

        NBODY = NCHT // RSC - 1

        def body(i, carry):
            gbase = gl0 + RSC * (i + 1)
            for j in range(RSC):
                wait_scatter(j)
                issue_idx(gbase + j, j)
            for j in range(RSC):
                wait_idx(j)
                issue_gather(j)
            for j in range(RSC):
                wait_gather(j)
                scatter(j)
            return carry

        lax.fori_loop(0, NBODY, body, 0)

        for t, g in enumerate(range(RSC * (NCHT // RSC), NCHT)):
            j = t % RSC
            wait_scatter(j)
            issue_idx(gl0 + g, j)
            wait_idx(j)
            issue_gather(j)
            wait_gather(j)
            scatter(j)
        for j in range(RSC):
            wait_scatter(j)

        @pl.when(wid < NEXTRA)
        def _():
            issue_idx(NCHT * NW + wid, 0)
            wait_idx(0)
            issue_gather(0)
            wait_gather(0)
            scatter(0)
            wait_scatter(0)

        plsc.subcore_barrier()

        pltpu.sync_copy(acc.at[pl.ds(s * RCH, RCH)],
                        out_sum.at[pl.ds(s * RCH, RCH), pl.ds(c * D, D)])

        @pl.when(s == NS - 1)
        def _():
            pltpu.sync_copy(acc.at[pl.ds(N - 16, 16)],
                            out_sum.at[pl.ds(N - 16, 16), pl.ds(c * D, D)])
        if with_deg:
            for core_id, out_deg in ((0, out_deg0), (1, out_deg1)):
                @pl.when(c == core_id)
                def _(out_deg=out_deg):
                    for k in range(DEG_CH // DZ):
                        pltpu.sync_copy(
                            dacc.at[pl.ds(s * DEG_CH + k * DZ, DZ)], dzero)
                        pltpu.sync_copy(
                            dzero, out_deg.at[pl.ds(s * DEG_CH + k * DZ, DZ)])

            @pl.when(s == NS - 1)
            def _():
                pltpu.sync_copy(dacc.at[pl.ds(N - 16, 16)], dtail)
                for core_id, out_deg in ((0, out_deg0), (1, out_deg1)):
                    @pl.when(c == core_id)
                    def _(out_deg=out_deg):
                        pltpu.sync_copy(dtail,
                                        out_deg.at[pl.ds(N - 16, 16)])

    return sc_agg


_sc_agg_deg = _make_sc_agg(True)
_sc_agg = _make_sc_agg(False)

BN = 2000


def _tc_body(sp, h, degt, wlt, wrt, out):
    d = degt[:, 0:1] + degt[:, 1:2] + 1.0
    hh = h[...]
    spb = sp[...]
    agg = (spb[:, :D] + spb[:, D:] + hh) / d
    acc = jnp.dot(hh, wlt[...], preferred_element_type=jnp.float32)
    acc = acc + jnp.dot(agg, wrt[...], preferred_element_type=jnp.float32)
    out[...] = jnp.tanh(acc)


_tc_combine = pl.pallas_call(
    _tc_body,
    grid=(N // BN,),
    in_specs=[
        pl.BlockSpec((BN, NC * D), lambda i: (i, 0)),
        pl.BlockSpec((BN, D), lambda i: (i, 0)),
        pl.BlockSpec((BN, 2), lambda i: (i, 0)),
        pl.BlockSpec((D, D), lambda i: (0, 0)),
        pl.BlockSpec((D, D), lambda i: (0, 0)),
    ],
    out_specs=pl.BlockSpec((BN, D), lambda i: (i, 0)),
    out_shape=jax.ShapeDtypeStruct((N, D), jnp.float32),
)


def kernel(x, edge_index, W1, W2):
    sums1, deg0, deg1 = _sc_agg_deg(x, edge_index)
    degt = jnp.stack([deg0, deg1], axis=1)
    h1 = _tc_combine(sums1, x, degt,
                     W1[:, :D].T, W1[:, D:].T)
    (sums2,) = _sc_agg(h1, edge_index)
    h2 = _tc_combine(sums2, h1, degt,
                     W2[:, :D].T, W2[:, D:].T)
    return h2

# --- scband reference (transcript-rebuilt; emitter-appended) ---
"""Pipeline reference for scband-graph-sage-4922032521470 (READ-ONLY COPY).

The authoritative reference and input builder live on the scoring server;
editing this copy changes nothing except your own understanding.
"""

import jax, jax.numpy as jnp
import numpy as np

N = 10000
E = 320000
D = 128

def setup_inputs(seed: int = 0) -> dict:
    key = jax.random.key(seed)
    k1, k2, k3, k4 = jax.random.split(key, 4)
    x = jax.random.normal(k1, (N, D), dtype=jnp.float32)
    edge_index = jax.random.randint(k2, (2, E), 0, N, dtype=jnp.int32)
    # SageLayer weights: weight[out_size, n*input_size] with n=2 (non-gcn MEAN path),
    # xavier_uniform init. Layer 1: [D, 2*D]; Layer 2: [D, 2*D] since out_size==input_size.
    bound = float(np.sqrt(6.0 / (D + 2 * D)))
    W1 = jax.random.uniform(k3, (D, 2 * D), dtype=jnp.float32, minval=-bound, maxval=bound)
    W2 = jax.random.uniform(k4, (D, 2 * D), dtype=jnp.float32, minval=-bound, maxval=bound)
    return {"x": x, "edge_index": edge_index, "W1": W1, "W2": W2}

def reference(x, edge_index, W1, W2):
    # GraphSage forward with agg_func='MEAN', gcn=False, num_layers=2.
    # Original builds a dense mask of sampled-neighbors-plus-self and does
    # mask.div(num_neigh).mm(embed_matrix) -> mean over (neighbors U {self}).
    # Here the same math is expressed as a scatter-add (segment_sum) over edges
    # plus an explicit self contribution, normalized by (degree + 1).
    # Then SageLayer: tanh(W @ concat([self_feats, aggregate_feats], 1).T).T,
    # and the result is written back over the node embeddings for the next layer.
    src = edge_index[0]
    dst = edge_index[1]
    h = x
    ones = jnp.ones((E,), dtype=x.dtype)
    for W in (W1, W2):
        msg = jnp.take(h, src, axis=0)                      # gather neighbor feats
        summed = jax.ops.segment_sum(msg, dst, num_segments=N)
        deg = jax.ops.segment_sum(ones, dst, num_segments=N)
        agg = (summed + h) / (deg[:, None] + 1.0)           # mean over neighs U self
        combined = jnp.concatenate([h, agg], axis=1)        # [N, 2D]
        h = jnp.tanh(combined @ W.T)                        # SageLayer
    return h

if __name__ == "__main__":
    import jax
    _d = setup_inputs()
    print(jax.jit(kernel)(*tuple(_d.values())))

</pallas_src>

<mosaic_0001>
#map = affine_map<(d0, d1) -> (0, 0)>
#map1 = affine_map<(d0, d1) -> (0)>
module attributes {stable_mosaic.version = 14 : i64} {
  func.func @sc_agg(%arg0: i32, %arg1: i32, %arg2: memref<10000x128xf32, #tpu.memory_space<hbm>>, %arg3: memref<2x320000xi32, #tpu.memory_space<hbm>>, %arg4: memref<10000x256xf32, #tpu.memory_space<hbm>>, %arg5: memref<10000xf32, #tpu.memory_space<hbm>>, %arg6: memref<10000xf32, #tpu.memory_space<hbm>>, %arg7: memref<2x128xi32, #tpu.memory_space<vmem>>, %arg8: memref<2x128xi32, #tpu.memory_space<vmem>>, %arg9: memref<2x128xi32, #tpu.memory_space<vmem>>, %arg10: memref<128x128xf32, #tpu.memory_space<vmem>>, %arg11: memref<128x128xf32, #tpu.memory_space<vmem>>, %arg12: memref<128x128xf32, #tpu.memory_space<vmem>>, %arg13: memref<10000x128xf32, #tpu.memory_space<vmem_shared>>, %arg14: memref<!tpu.dma_semaphore, #tpu.memory_space<semaphore_mem>>, %arg15: memref<!tpu.dma_semaphore, #tpu.memory_space<semaphore_mem>>, %arg16: memref<!tpu.dma_semaphore, #tpu.memory_space<semaphore_mem>>, %arg17: memref<!tpu.dma_semaphore, #tpu.memory_space<semaphore_mem>>, %arg18: memref<!tpu.dma_semaphore, #tpu.memory_space<semaphore_mem>>, %arg19: memref<!tpu.dma_semaphore, #tpu.memory_space<semaphore_mem>>, %arg20: memref<!tpu.dma_semaphore, #tpu.memory_space<semaphore_mem>>, %arg21: memref<!tpu.dma_semaphore, #tpu.memory_space<semaphore_mem>>, %arg22: memref<!tpu.dma_semaphore, #tpu.memory_space<semaphore_mem>>, %arg23: memref<128xf32, #tpu.memory_space<vmem>>, %arg24: memref<208xf32, #tpu.memory_space<vmem>>, %arg25: memref<16xf32, #tpu.memory_space<vmem>>, %arg26: memref<10000xf32, #tpu.memory_space<vmem_shared>>) attributes {dimension_semantics = [#tpu.dimension_semantics<core_parallel>, #tpu.dimension_semantics<subcore_parallel>], iteration_bounds = array<i64: 2, 16>, scalar_prefetch = 0 : i64, scratch_operands = 20 : i64, tpu.core_type = #tpu.core_type<sc_vector_subcore>, window_params = [{transform_indices = #map}, {transform_indices = #map}, {transform_indices = #map}, {transform_indices = #map1}, {transform_indices = #map1}]} {
    %mul3A = arith.constant 16 : i32
    %mul3A_0 = arith.muli %arg0, %mul3A : i32
    %add3A = arith.addi %mul3A_0, %arg1 : i32
    %broadcast_in_dim3A = arith.constant 0.000000e+00 : f32
    %broadcast_in_dim3A_1 = vector.broadcast %broadcast_in_dim3A : f32 to vector<16xf32>
    %scan3A = arith.constant 0 : i32
    %scan3A_2 = arith.constant 0 : i32
    %scan3A_3 = arith.constant 128 : i32
    %scan3A_4 = arith.addi %scan3A_2, %scan3A_3 : i32
    %scan3A_5 = arith.constant 1 : i32
    scf.for %scan3A_299 = %scan3A_2 to %scan3A_4 step %scan3A_5  : i32 {
      %swap3A_300 = arith.index_cast %scan3A_299 : i32 to index
      %swap3A_301 = arith.constant 0 : index
      %swap3A_302 = tpu.vector_load %arg10[%swap3A_300, %swap3A_301] {strides = array<i32>} : memref<128x128xf32, #tpu.memory_space<vmem>>, vector<1x16xf32>,
      %swap3A_303 = vector.shape_cast %swap3A_302 : vector<1x16xf32> to vector<16xf32>
      %swap3A_304 = vector.shape_cast %broadcast_in_dim3A_1 : vector<16xf32> to vector<1x16xf32>
      tpu.vector_store %arg10[%swap3A_300, %swap3A_301], %swap3A_304 {strides = array<i32>} : memref<128x128xf32, #tpu.memory_space<vmem>>, vector<1x16xf32>,
      %swap3A_305 = arith.index_cast %scan3A_299 : i32 to index
      %swap3A_306 = arith.constant 16 : index
      %swap3A_307 = tpu.vector_load %arg10[%swap3A_305, %swap3A_306] {strides = array<i32>} : memref<128x128xf32, #tpu.memory_space<vmem>>, vector<1x16xf32>,
      %swap3A_308 = vector.shape_cast %swap3A_307 : vector<1x16xf32> to vector<16xf32>
      %swap3A_309 = vector.shape_cast %broadcast_in_dim3A_1 : vector<16xf32> to vector<1x16xf32>
      tpu.vector_store %arg10[%swap3A_305, %swap3A_306], %swap3A_309 {strides = array<i32>} : memref<128x128xf32, #tpu.memory_space<vmem>>, vector<1x16xf32>,
      %swap3A_310 = arith.index_cast %scan3A_299 : i32 to index
      %swap3A_311 = arith.constant 32 : index
      %swap3A_312 = tpu.vector_load %arg10[%swap3A_310, %swap3A_311] {strides = array<i32>} : memref<128x128xf32, #tpu.memory_space<vmem>>, vector<1x16xf32>,
      %swap3A_313 = vector.shape_cast %swap3A_312 : vector<1x16xf32> to vector<16xf32>
      %swap3A_314 = vector.shape_cast %broadcast_in_dim3A_1 : vector<16xf32> to vector<1x16xf32>
      tpu.vector_store %arg10[%swap3A_310, %swap3A_311], %swap3A_314 {strides = array<i32>} : memref<128x128xf32, #tpu.memory_space<vmem>>, vector<1x16xf32>,
      %swap3A_315 = arith.index_cast %scan3A_299 : i32 to index
      %swap3A_316 = arith.constant 48 : index
      %swap3A_317 = tpu.vector_load %arg10[%swap3A_315, %swap3A_316] {strides = array<i32>} : memref<128x128xf32, #tpu.memory_space<vmem>>, vector<1x16xf32>,
      %swap3A_318 = vector.shape_cast %swap3A_317 : vector<1x16xf32> to vector<16xf32>
      %swap3A_319 = vector.shape_cast %broadcast_in_dim3A_1 : vector<16xf32> to vector<1x16xf32>
      tpu.vector_store %arg10[%swap3A_315, %swap3A_316], %swap3A_319 {strides = array<i32>} : memref<128x128xf32, #tpu.memory_space<vmem>>, vector<1x16xf32>,
      %swap3A_320 = arith.index_cast %scan3A_299 : i32 to index
      %swap3A_321 = arith.constant 64 : index
      %swap3A_322 = tpu.vector_load %arg10[%swap3A_320, %swap3A_321] {strides = array<i32>} : memref<128x128xf32, #tpu.memory_space<vmem>>, vector<1x16xf32>,
      %swap3A_323 = vector.shape_cast %swap3A_322 : vector<1x16xf32> to vector<16xf32>
      %swap3A_324 = vector.shape_cast %broadcast_in_dim3A_1 : vector<16xf32> to vector<1x16xf32>
      tpu.vector_store %arg10[%swap3A_320, %swap3A_321], %swap3A_324 {strides = array<i32>} : memref<128x128xf32, #tpu.memory_space<vmem>>, vector<1x16xf32>,
      %swap3A_325 = arith.index_cast %scan3A_299 : i32 to index
      %swap3A_326 = arith.constant 80 : index
      %swap3A_327 = tpu.vector_load %arg10[%swap3A_325, %swap3A_326] {strides = array<i32>} : memref<128x128xf32, #tpu.memory_space<vmem>>, vector<1x16xf32>,
      %swap3A_328 = vector.shape_cast %swap3A_327 : vector<1x16xf32> to vector<16xf32>
      %swap3A_329 = vector.shape_cast %broadcast_in_dim3A_1 : vector<16xf32> to vector<1x16xf32>
      tpu.vector_store %arg10[%swap3A_325, %swap3A_326], %swap3A_329 {strides = array<i32>} : memref<128x128xf32, #tpu.memory_space<vmem>>, vector<1x16xf32>,
      %swap3A_330 = arith.index_cast %scan3A_299 : i32 to index
      %swap3A_331 = arith.constant 96 : index
      %swap3A_332 = tpu.vector_load %arg10[%swap3A_330, %swap3A_331] {strides = array<i32>} : memref<128x128xf32, #tpu.memory_space<vmem>>, vector<1x16xf32>,
      %swap3A_333 = vector.shape_cast %swap3A_332 : vector<1x16xf32> to vector<16xf32>
      %swap3A_334 = vector.shape_cast %broadcast_in_dim3A_1 : vector<16xf32> to vector<1x16xf32>
      tpu.vector_store %arg10[%swap3A_330, %swap3A_331], %swap3A_334 {strides = array<i32>} : memref<128x128xf32, #tpu.memory_space<vmem>>, vector<1x16xf32>,
      %swap3A_335 = arith.index_cast %scan3A_299 : i32 to index
      %swap3A_336 = arith.constant 112 : index
      %swap3A_337 = tpu.vector_load %arg10[%swap3A_335, %swap3A_336] {strides = array<i32>} : memref<128x128xf32, #tpu.memory_space<vmem>>, vector<1x16xf32>,
      %swap3A_338 = vector.shape_cast %swap3A_337 : vector<1x16xf32> to vector<16xf32>
      %swap3A_339 = vector.shape_cast %broadcast_in_dim3A_1 : vector<16xf32> to vector<1x16xf32>
      tpu.vector_store %arg10[%swap3A_335, %swap3A_336], %swap3A_339 {strides = array<i32>} : memref<128x128xf32, #tpu.memory_space<vmem>>, vector<1x16xf32>,
    }
    %scan3A_6 = arith.constant 128 : i32
    %mul3A_7 = arith.constant 624 : i32
    %mul3A_8 = arith.muli %arg1, %mul3A_7 : i32
    %add3A_9 = arith.constant 0 : i32
    %add3A_10 = arith.addi %mul3A_8, %add3A_9 : i32
    "tpu.region"() ({
      %run_scoped3A = tpu.sem_alloc : memref<!tpu.dma_semaphore, #tpu.memory_space<semaphore_mem>>
      %dma_start3A_299 = arith.constant 0 : i32
      %dma_start3A_300 = tpu.memref_slice %arg13[%add3A_10, %dma_start3A_299] : memref<10000x128xf32, #tpu.memory_space<vmem_shared>> -> memref<128x128xf32, #tpu.memory_space<vmem_shared>>
      %dma_start3A_301 = arith.constant 0 : i32
      %dma_start3A_302 = tpu.memref_slice %arg13[%add3A_10, %dma_start3A_301] : memref<10000x128xf32, #tpu.memory_space<vmem_shared>> -> memref<128x128xf32, #tpu.memory_space<vmem_shared>>
      tpu.enqueue_dma source(%arg10 : memref<128x128xf32, #tpu.memory_space<vmem>>) target(%dma_start3A_302 : memref<128x128xf32, #tpu.memory_space<vmem_shared>>) target_semaphore(%run_scoped3A : memref<!tpu.dma_semaphore, #tpu.memory_space<semaphore_mem>>)
      %dma_wait3A_303 = arith.constant 0 : i32
      %dma_wait3A_304 = tpu.memref_slice %arg13[%add3A_10, %dma_wait3A_303] : memref<10000x128xf32, #tpu.memory_space<vmem_shared>> -> memref<128x128xf32, #tpu.memory_space<vmem_shared>>
      %dma_wait3A_305 = arith.constant 0 : i32
      %dma_wait3A_306 = tpu.memref_slice %arg13[%add3A_10, %dma_wait3A_305] : memref<10000x128xf32, #tpu.memory_space<vmem_shared>> -> memref<128x128xf32, #tpu.memory_space<vmem_shared>>
      tpu.wait_dma2 semaphore(%run_scoped3A : memref<!tpu.dma_semaphore, #tpu.memory_space<semaphore_mem>>) src(%arg10 : memref<128x128xf32, #tpu.memory_space<vmem>>) dst(%dma_wait3A_306 : memref<128x128xf32, #tpu.memory_space<vmem_shared>>)
      tpu.yield
    }) : () -> ()
    %mul3A_11 = arith.constant 624 : i32
    %mul3A_12 = arith.muli %arg1, %mul3A_11 : i32
    %add3A_13 = arith.constant 128 : i32
    %add3A_14 = arith.addi %mul3A_12, %add3A_13 : i32
    "tpu.region"() ({
      %run_scoped3A = tpu.sem_alloc : memref<!tpu.dma_semaphore, #tpu.memory_space<semaphore_mem>>
      %dma_start3A_299 = arith.constant 0 : i32
      %dma_start3A_300 = tpu.memref_slice %arg13[%add3A_14, %dma_start3A_299] : memref<10000x128xf32, #tpu.memory_space<vmem_shared>> -> memref<128x128xf32, #tpu.memory_space<vmem_shared>>
      %dma_start3A_301 = arith.constant 0 : i32
      %dma_start3A_302 = tpu.memref_slice %arg13[%add3A_14, %dma_start3A_301] : memref<10000x128xf32, #tpu.memory_space<vmem_shared>> -> memref<128x128xf32, #tpu.memory_space<vmem_shared>>
      tpu.enqueue_dma source(%arg10 : memref<128x128xf32, #tpu.memory_space<vmem>>) target(%dma_start3A_302 : memref<128x128xf32, #tpu.memory_space<vmem_shared>>) target_semaphore(%run_scoped3A : memref<!tpu.dma_semaphore, #tpu.memory_space<semaphore_mem>>)
      %dma_wait3A_303 = arith.constant 0 : i32
      %dma_wait3A_304 = tpu.memref_slice %arg13[%add3A_14, %dma_wait3A_303] : memref<10000x128xf32, #tpu.memory_space<vmem_shared>> -> memref<128x128xf32, #tpu.memory_space<vmem_shared>>
      %dma_wait3A_305 = arith.constant 0 : i32
      %dma_wait3A_306 = tpu.memref_slice %arg13[%add3A_14, %dma_wait3A_305] : memref<10000x128xf32, #tpu.memory_space<vmem_shared>> -> memref<128x128xf32, #tpu.memory_space<vmem_shared>>
      tpu.wait_dma2 semaphore(%run_scoped3A : memref<!tpu.dma_semaphore, #tpu.memory_space<semaphore_mem>>) src(%arg10 : memref<128x128xf32, #tpu.memory_space<vmem>>) dst(%dma_wait3A_306 : memref<128x128xf32, #tpu.memory_space<vmem_shared>>)
      tpu.yield
    }) : () -> ()
    %mul3A_15 = arith.constant 624 : i32
    %mul3A_16 = arith.muli %arg1, %mul3A_15 : i32
    %add3A_17 = arith.constant 256 : i32
    %add3A_18 = arith.addi %mul3A_16, %add3A_17 : i32
    "tpu.region"() ({
      %run_scoped3A = tpu.sem_alloc : memref<!tpu.dma_semaphore, #tpu.memory_space<semaphore_mem>>
      %dma_start3A_299 = arith.constant 0 : i32
      %dma_start3A_300 = tpu.memref_slice %arg13[%add3A_18, %dma_start3A_299] : memref<10000x128xf32, #tpu.memory_space<vmem_shared>> -> memref<128x128xf32, #tpu.memory_space<vmem_shared>>
      %dma_start3A_301 = arith.constant 0 : i32
      %dma_start3A_302 = tpu.memref_slice %arg13[%add3A_18, %dma_start3A_301] : memref<10000x128xf32, #tpu.memory_space<vmem_shared>> -> memref<128x128xf32, #tpu.memory_space<vmem_shared>>
      tpu.enqueue_dma source(%arg10 : memref<128x128xf32, #tpu.memory_space<vmem>>) target(%dma_start3A_302 : memref<128x128xf32, #tpu.memory_space<vmem_shared>>) target_semaphore(%run_scoped3A : memref<!tpu.dma_semaphore, #tpu.memory_space<semaphore_mem>>)
      %dma_wait3A_303 = arith.constant 0 : i32
      %dma_wait3A_304 = tpu.memref_slice %arg13[%add3A_18, %dma_wait3A_303] : memref<10000x128xf32, #tpu.memory_space<vmem_shared>> -> memref<128x128xf32, #tpu.memory_space<vmem_shared>>
      %dma_wait3A_305 = arith.constant 0 : i32
      %dma_wait3A_306 = tpu.memref_slice %arg13[%add3A_18, %dma_wait3A_305] : memref<10000x128xf32, #tpu.memory_space<vmem_shared>> -> memref<128x128xf32, #tpu.memory_space<vmem_shared>>
      tpu.wait_dma2 semaphore(%run_scoped3A : memref<!tpu.dma_semaphore, #tpu.memory_space<semaphore_mem>>) src(%arg10 : memref<128x128xf32, #tpu.memory_space<vmem>>) dst(%dma_wait3A_306 : memref<128x128xf32, #tpu.memory_space<vmem_shared>>)
      tpu.yield
    }) : () -> ()
    %mul3A_19 = arith.constant 624 : i32
    %mul3A_20 = arith.muli %arg1, %mul3A_19 : i32
    %add3A_21 = arith.constant 384 : i32
    %add3A_22 = arith.addi %mul3A_20, %add3A_21 : i32
    "tpu.region"() ({
      %run_scoped3A = tpu.sem_alloc : memref<!tpu.dma_semaphore, #tpu.memory_space<semaphore_mem>>
      %dma_start3A_299 = arith.constant 0 : i32
      %dma_start3A_300 = tpu.memref_slice %arg13[%add3A_22, %dma_start3A_299] : memref<10000x128xf32, #tpu.memory_space<vmem_shared>> -> memref<128x128xf32, #tpu.memory_space<vmem_shared>>
      %dma_start3A_301 = arith.constant 0 : i32
      %dma_start3A_302 = tpu.memref_slice %arg13[%add3A_22, %dma_start3A_301] : memref<10000x128xf32, #tpu.memory_space<vmem_shared>> -> memref<128x128xf32, #tpu.memory_space<vmem_shared>>
      tpu.enqueue_dma source(%arg10 : memref<128x128xf32, #tpu.memory_space<vmem>>) target(%dma_start3A_302 : memref<128x128xf32, #tpu.memory_space<vmem_shared>>) target_semaphore(%run_scoped3A : memref<!tpu.dma_semaphore, #tpu.memory_space<semaphore_mem>>)
      %dma_wait3A_303 = arith.constant 0 : i32
      %dma_wait3A_304 = tpu.memref_slice %arg13[%add3A_22, %dma_wait3A_303] : memref<10000x128xf32, #tpu.memory_space<vmem_shared>> -> memref<128x128xf32, #tpu.memory_space<vmem_shared>>
      %dma_wait3A_305 = arith.constant 0 : i32
      %dma_wait3A_306 = tpu.memref_slice %arg13[%add3A_22, %dma_wait3A_305] : memref<10000x128xf32, #tpu.memory_space<vmem_shared>> -> memref<128x128xf32, #tpu.memory_space<vmem_shared>>
      tpu.wait_dma2 semaphore(%run_scoped3A : memref<!tpu.dma_semaphore, #tpu.memory_space<semaphore_mem>>) src(%arg10 : memref<128x128xf32, #tpu.memory_space<vmem>>) dst(%dma_wait3A_306 : memref<128x128xf32, #tpu.memory_space<vmem_shared>>)
      tpu.yield
    }) : () -> ()
    %mul3A_23 = arith.constant 624 : i32
    %mul3A_24 = arith.muli %arg1, %mul3A_23 : i32
    %add3A_25 = arith.constant 624 : i32
    %add3A_26 = arith.addi %mul3A_24, %add3A_25 : i32
    %sub3A = arith.constant 112 : i32
    %sub3A_27 = arith.subi %add3A_26, %sub3A : i32
    "tpu.region"() ({
      %run_scoped3A = tpu.sem_alloc : memref<!tpu.dma_semaphore, #tpu.memory_space<semaphore_mem>>
      %dma_start3A_299 = arith.constant 0 : i32
      %dma_start3A_300 = arith.constant 0 : i32
      %dma_start3A_301 = tpu.memref_slice %arg10[%dma_start3A_299, %dma_start3A_300] : memref<128x128xf32, #tpu.memory_space<vmem>> -> memref<112x128xf32, #tpu.memory_space<vmem>>
      %dma_start3A_302 = arith.constant 0 : i32
      %dma_start3A_303 = tpu.memref_slice %arg13[%sub3A_27, %dma_start3A_302] : memref<10000x128xf32, #tpu.memory_space<vmem_shared>> -> memref<112x128xf32, #tpu.memory_space<vmem_shared>>
      %dma_start3A_304 = arith.constant 0 : i32
      %dma_start3A_305 = tpu.memref_slice %arg13[%sub3A_27, %dma_start3A_304] : memref<10000x128xf32, #tpu.memory_space<vmem_shared>> -> memref<112x128xf32, #tpu.memory_space<vmem_shared>>
      %dma_start3A_306 = arith.constant 0 : i32
      %dma_start3A_307 = arith.constant 0 : i32
      %dma_start3A_308 = tpu.memref_slice %arg10[%dma_start3A_306, %dma_start3A_307] : memref<128x128xf32, #tpu.memory_space<vmem>> -> memref<112x128xf32, #tpu.memory_space<vmem>>
      tpu.enqueue_dma source(%dma_start3A_308 : memref<112x128xf32, #tpu.memory_space<vmem>>) target(%dma_start3A_305 : memref<112x128xf32, #tpu.memory_space<vmem_shared>>) target_semaphore(%run_scoped3A : memref<!tpu.dma_semaphore, #tpu.memory_space<semaphore_mem>>)
      %dma_wait3A_309 = arith.constant 0 : i32
      %dma_wait3A_310 = arith.constant 0 : i32
      %dma_wait3A_311 = tpu.memref_slice %arg10[%dma_wait3A_309, %dma_wait3A_310] : memref<128x128xf32, #tpu.memory_space<vmem>> -> memref<112x128xf32, #tpu.memory_space<vmem>>
      %dma_wait3A_312 = arith.constant 0 : i32
      %dma_wait3A_313 = tpu.memref_slice %arg13[%sub3A_27, %dma_wait3A_312] : memref<10000x128xf32, #tpu.memory_space<vmem_shared>> -> memref<112x128xf32, #tpu.memory_space<vmem_shared>>
      %dma_wait3A_314 = arith.constant 0 : i32
      %dma_wait3A_315 = tpu.memref_slice %arg13[%sub3A_27, %dma_wait3A_314] : memref<10000x128xf32, #tpu.memory_space<vmem_shared>> -> memref<112x128xf32, #tpu.memory_space<vmem_shared>>
      %dma_wait3A_316 = arith.constant 0 : i32
      %dma_wait3A_317 = arith.constant 0 : i32
      %dma_wait3A_318 = tpu.memref_slice %arg10[%dma_wait3A_316, %dma_wait3A_317] : memref<128x128xf32, #tpu.memory_space<vmem>> -> memref<112x128xf32, #tpu.memory_space<vmem>>
      tpu.wait_dma2 semaphore(%run_scoped3A : memref<!tpu.dma_semaphore, #tpu.memory_space<semaphore_mem>>) src(%dma_wait3A_318 : memref<112x128xf32, #tpu.memory_space<vmem>>) dst(%dma_wait3A_315 : memref<112x128xf32, #tpu.memory_space<vmem_shared>>)
      tpu.yield
    }) : () -> ()
    %eq3A = arith.constant 15 : i32
    %eq3A_28 = arith.cmpi eq, %arg1, %eq3A : i32
    %convert_element_type3A = arith.extui %eq3A_28 : i1 to i32
    %cond3A = arith.constant 0 : i32
    %cond3A_29 = arith.cmpi ne, %convert_element_type3A, %cond3A : i32
    scf.if %cond3A_29 {
      "tpu.region"() ({
        %run_scoped3A = tpu.sem_alloc : memref<!tpu.dma_semaphore, #tpu.memory_space<semaphore_mem>>
        %dma_start3A_299 = arith.constant 0 : i32
        %dma_start3A_300 = arith.constant 0 : i32
        %dma_start3A_301 = tpu.memref_slice %arg10[%dma_start3A_299, %dma_start3A_300] : memref<128x128xf32, #tpu.memory_space<vmem>> -> memref<16x128xf32, #tpu.memory_space<vmem>>
        %dma_start3A_302 = arith.constant 9984 : i32
        %dma_start3A_303 = arith.constant 0 : i32
        %dma_start3A_304 = tpu.memref_slice %arg13[%dma_start3A_302, %dma_start3A_303] : memref<10000x128xf32, #tpu.memory_space<vmem_shared>> -> memref<16x128xf32, #tpu.memory_space<vmem_shared>>
        %dma_start3A_305 = arith.constant 9984 : i32
        %dma_start3A_306 = arith.constant 0 : i32
        %dma_start3A_307 = tpu.memref_slice %arg13[%dma_start3A_305, %dma_start3A_306] : memref<10000x128xf32, #tpu.memory_space<vmem_shared>> -> memref<16x128xf32, #tpu.memory_space<vmem_shared>>
        %dma_start3A_308 = arith.constant 0 : i32
        %dma_start3A_309 = arith.constant 0 : i32
        %dma_start3A_310 = tpu.memref_slice %arg10[%dma_start3A_308, %dma_start3A_309] : memref<128x128xf32, #tpu.memory_space<vmem>> -> memref<16x128xf32, #tpu.memory_space<vmem>>
        tpu.enqueue_dma source(%dma_start3A_310 : memref<16x128xf32, #tpu.memory_space<vmem>>) target(%dma_start3A_307 : memref<16x128xf32, #tpu.memory_space<vmem_shared>>) target_semaphore(%run_scoped3A : memref<!tpu.dma_semaphore, #tpu.memory_space<semaphore_mem>>)
        %dma_wait3A_311 = arith.constant 0 : i32
        %dma_wait3A_312 = arith.constant 0 : i32
        %dma_wait3A_313 = tpu.memref_slice %arg10[%dma_wait3A_311, %dma_wait3A_312] : memref<128x128xf32, #tpu.memory_space<vmem>> -> memref<16x128xf32, #tpu.memory_space<vmem>>
        %dma_wait3A_314 = arith.constant 9984 : i32
        %dma_wait3A_315 = arith.constant 0 : i32
        %dma_wait3A_316 = tpu.memref_slice %arg13[%dma_wait3A_314, %dma_wait3A_315] : memref<10000x128xf32, #tpu.memory_space<vmem_shared>> -> memref<16x128xf32, #tpu.memory_space<vmem_shared>>
        %dma_wait3A_317 = arith.constant 9984 : i32
        %dma_wait3A_318 = arith.constant 0 : i32
        %dma_wait3A_319 = tpu.memref_slice %arg13[%dma_wait3A_317, %dma_wait3A_318] : memref<10000x128xf32, #tpu.memory_space<vmem_shared>> -> memref<16x128xf32, #tpu.memory_space<vmem_shared>>
        %dma_wait3A_320 = arith.constant 0 : i32
        %dma_wait3A_321 = arith.constant 0 : i32
        %dma_wait3A_322 = tpu.memref_slice %arg10[%dma_wait3A_320, %dma_wait3A_321] : memref<128x128xf32, #tpu.memory_space<vmem>> -> memref<16x128xf32, #tpu.memory_space<vmem>>
        tpu.wait_dma2 semaphore(%run_scoped3A : memref<!tpu.dma_semaphore, #tpu.memory_space<semaphore_mem>>) src(%dma_wait3A_322 : memref<16x128xf32, #tpu.memory_space<vmem>>) dst(%dma_wait3A_319 : memref<16x128xf32, #tpu.memory_space<vmem_shared>>)
        tpu.yield
      }) : () -> ()
    } else {
    }
    %broadcast_in_dim3A_30 = arith.constant 1.000000e+00 : f32
    %broadcast_in_dim3A_31 = vector.broadcast %broadcast_in_dim3A_30 : f32 to vector<16xf32>
    %swap3A = arith.constant 0 : index
    %swap3A_32 = tpu.vector_load %arg23[%swap3A] {strides = array<i32>} : memref<128xf32, #tpu.memory_space<vmem>>, vector<16xf32>,
    %swap3A_33 = vector.shape_cast %swap3A_32 : vector<16xf32> to vector<16xf32>
    %swap3A_34 = vector.shape_cast %broadcast_in_dim3A_31 : vector<16xf32> to vector<16xf32>
    tpu.vector_store %arg23[%swap3A], %swap3A_34 {strides = array<i32>} : memref<128xf32, #tpu.memory_space<vmem>>, vector<16xf32>,
    %broadcast_in_dim3A_35 = arith.constant 1.000000e+00 : f32
    %broadcast_in_dim3A_36 = vector.broadcast %broadcast_in_dim3A_35 : f32 to vector<16xf32>
    %swap3A_37 = arith.constant 16 : index
    %swap3A_38 = tpu.vector_load %arg23[%swap3A_37] {strides = array<i32>} : memref<128xf32, #tpu.memory_space<vmem>>, vector<16xf32>,
    %swap3A_39 = vector.shape_cast %swap3A_38 : vector<16xf32> to vector<16xf32>
    %swap3A_40 = vector.shape_cast %broadcast_in_dim3A_36 : vector<16xf32> to vector<16xf32>
    tpu.vector_store %arg23[%swap3A_37], %swap3A_40 {strides = array<i32>} : memref<128xf32, #tpu.memory_space<vmem>>, vector<16xf32>,
    %broadcast_in_dim3A_41 = arith.constant 1.000000e+00 : f32
    %broadcast_in_dim3A_42 = vector.broadcast %broadcast_in_dim3A_41 : f32 to vector<16xf32>
    %swap3A_43 = arith.constant 32 : index
    %swap3A_44 = tpu.vector_load %arg23[%swap3A_43] {strides = array<i32>} : memref<128xf32, #tpu.memory_space<vmem>>, vector<16xf32>,
    %swap3A_45 = vector.shape_cast %swap3A_44 : vector<16xf32> to vector<16xf32>
    %swap3A_46 = vector.shape_cast %broadcast_in_dim3A_42 : vector<16xf32> to vector<16xf32>
    tpu.vector_store %arg23[%swap3A_43], %swap3A_46 {strides = array<i32>} : memref<128xf32, #tpu.memory_space<vmem>>, vector<16xf32>,
    %broadcast_in_dim3A_47 = arith.constant 1.000000e+00 : f32
    %broadcast_in_dim3A_48 = vector.broadcast %broadcast_in_dim3A_47 : f32 to vector<16xf32>
    %swap3A_49 = arith.constant 48 : index
    %swap3A_50 = tpu.vector_load %arg23[%swap3A_49] {strides = array<i32>} : memref<128xf32, #tpu.memory_space<vmem>>, vector<16xf32>,
    %swap3A_51 = vector.shape_cast %swap3A_50 : vector<16xf32> to vector<16xf32>
    %swap3A_52 = vector.shape_cast %broadcast_in_dim3A_48 : vector<16xf32> to vector<16xf32>
    tpu.vector_store %arg23[%swap3A_49], %swap3A_52 {strides = array<i32>} : memref<128xf32, #tpu.memory_space<vmem>>, vector<16xf32>,
    %broadcast_in_dim3A_53 = arith.constant 1.000000e+00 : f32
    %broadcast_in_dim3A_54 = vector.broadcast %broadcast_in_dim3A_53 : f32 to vector<16xf32>
    %swap3A_55 = arith.constant 64 : index
    %swap3A_56 = tpu.vector_load %arg23[%swap3A_55] {strides = array<i32>} : memref<128xf32, #tpu.memory_space<vmem>>, vector<16xf32>,
    %swap3A_57 = vector.shape_cast %swap3A_56 : vector<16xf32> to vector<16xf32>
    %swap3A_58 = vector.shape_cast %broadcast_in_dim3A_54 : vector<16xf32> to vector<16xf32>
    tpu.vector_store %arg23[%swap3A_55], %swap3A_58 {strides = array<i32>} : memref<128xf32, #tpu.memory_space<vmem>>, vector<16xf32>,
    %broadcast_in_dim3A_59 = arith.constant 1.000000e+00 : f32
    %broadcast_in_dim3A_60 = vector.broadcast %broadcast_in_dim3A_59 : f32 to vector<16xf32>
    %swap3A_61 = arith.constant 80 : index
    %swap3A_62 = tpu.vector_load %arg23[%swap3A_61] {strides = array<i32>} : memref<128xf32, #tpu.memory_space<vmem>>, vector<16xf32>,
    %swap3A_63 = vector.shape_cast %swap3A_62 : vector<16xf32> to vector<16xf32>
    %swap3A_64 = vector.shape_cast %broadcast_in_dim3A_60 : vector<16xf32> to vector<16xf32>
    tpu.vector_store %arg23[%swap3A_61], %swap3A_64 {strides = array<i32>} : memref<128xf32, #tpu.memory_space<vmem>>, vector<16xf32>,
    %broadcast_in_dim3A_65 = arith.constant 1.000000e+00 : f32
    %broadcast_in_dim3A_66 = vector.broadcast %broadcast_in_dim3A_65 : f32 to vector<16xf32>
    %swap3A_67 = arith.constant 96 : index
    %swap3A_68 = tpu.vector_load %arg23[%swap3A_67] {strides = array<i32>} : memref<128xf32, #tpu.memory_space<vmem>>, vector<16xf32>,
    %swap3A_69 = vector.shape_cast %swap3A_68 : vector<16xf32> to vector<16xf32>
    %swap3A_70 = vector.shape_cast %broadcast_in_dim3A_66 : vector<16xf32> to vector<16xf32>
    tpu.vector_store %arg23[%swap3A_67], %swap3A_70 {strides = array<i32>} : memref<128xf32, #tpu.memory_space<vmem>>, vector<16xf32>,
    %broadcast_in_dim3A_71 = arith.constant 1.000000e+00 : f32
    %broadcast_in_dim3A_72 = vector.broadcast %broadcast_in_dim3A_71 : f32 to vector<16xf32>
    %swap3A_73 = arith.constant 112 : index
    %swap3A_74 = tpu.vector_load %arg23[%swap3A_73] {strides = array<i32>} : memref<128xf32, #tpu.memory_space<vmem>>, vector<16xf32>,
    %swap3A_75 = vector.shape_cast %swap3A_74 : vector<16xf32> to vector<16xf32>
    %swap3A_76 = vector.shape_cast %broadcast_in_dim3A_72 : vector<16xf32> to vector<16xf32>
    tpu.vector_store %arg23[%swap3A_73], %swap3A_76 {strides = array<i32>} : memref<128xf32, #tpu.memory_space<vmem>>, vector<16xf32>,
    %scan3A_77 = arith.constant 0 : i32
    %scan3A_78 = arith.constant 0 : i32
    %scan3A_79 = arith.constant 13 : i32
    %scan3A_80 = arith.addi %scan3A_78, %scan3A_79 : i32
    %scan3A_81 = arith.constant 1 : i32
    scf.for %scan3A_299 = %scan3A_78 to %scan3A_80 step %scan3A_81  : i32 {
      %mul3A_300 = arith.constant 16 : i32
      %mul3A_301 = arith.muli %scan3A_299, %mul3A_300 : i32
      %swap3A_302 = arith.index_cast %mul3A_301 : i32 to index
      %swap3A_303 = tpu.vector_load %arg24[%swap3A_302] {strides = array<i32>} : memref<208xf32, #tpu.memory_space<vmem>>, vector<16xf32>,
      %swap3A_304 = vector.shape_cast %swap3A_303 : vector<16xf32> to vector<16xf32>
      %swap3A_305 = vector.shape_cast %broadcast_in_dim3A_1 : vector<16xf32> to vector<16xf32>
      tpu.vector_store %arg24[%swap3A_302], %swap3A_305 {strides = array<i32>} : memref<208xf32, #tpu.memory_space<vmem>>, vector<16xf32>,
    }
    %scan3A_82 = arith.constant 13 : i32
    %mul3A_83 = arith.constant 624 : i32
    %mul3A_84 = arith.muli %arg1, %mul3A_83 : i32
    %add3A_85 = arith.constant 0 : i32
    %add3A_86 = arith.addi %mul3A_84, %add3A_85 : i32
    "tpu.region"() ({
      %run_scoped3A = tpu.sem_alloc : memref<!tpu.dma_semaphore, #tpu.memory_space<semaphore_mem>>
      %dma_start3A_299 = tpu.memref_slice %arg26[%add3A_86] : memref<10000xf32, #tpu.memory_space<vmem_shared>> -> memref<208xf32, #tpu.memory_space<vmem_shared>>
      %dma_start3A_300 = tpu.memref_slice %arg26[%add3A_86] : memref<10000xf32, #tpu.memory_space<vmem_shared>> -> memref<208xf32, #tpu.memory_space<vmem_shared>>
      tpu.enqueue_dma source(%arg24 : memref<208xf32, #tpu.memory_space<vmem>>) target(%dma_start3A_300 : memref<208xf32, #tpu.memory_space<vmem_shared>>) target_semaphore(%run_scoped3A : memref<!tpu.dma_semaphore, #tpu.memory_space<semaphore_mem>>)
      %dma_wait3A_301 = tpu.memref_slice %arg26[%add3A_86] : memref<10000xf32, #tpu.memory_space<vmem_shared>> -> memref<208xf32, #tpu.memory_space<vmem_shared>>
      %dma_wait3A_302 = tpu.memref_slice %arg26[%add3A_86] : memref<10000xf32, #tpu.memory_space<vmem_shared>> -> memref<208xf32, #tpu.memory_space<vmem_shared>>
      tpu.wait_dma2 semaphore(%run_scoped3A : memref<!tpu.dma_semaphore, #tpu.memory_space<semaphore_mem>>) src(%arg24 : memref<208xf32, #tpu.memory_space<vmem>>) dst(%dma_wait3A_302 : memref<208xf32, #tpu.memory_space<vmem_shared>>)
      tpu.yield
    }) : () -> ()
    %mul3A_87 = arith.constant 624 : i32
    %mul3A_88 = arith.muli %arg1, %mul3A_87 : i32
    %add3A_89 = arith.constant 208 : i32
    %add3A_90 = arith.addi %mul3A_88, %add3A_89 : i32
    "tpu.region"() ({
      %run_scoped3A = tpu.sem_alloc : memref<!tpu.dma_semaphore, #tpu.memory_space<semaphore_mem>>
      %dma_start3A_299 = tpu.memref_slice %arg26[%add3A_90] : memref<10000xf32, #tpu.memory_space<vmem_shared>> -> memref<208xf32, #tpu.memory_space<vmem_shared>>
      %dma_start3A_300 = tpu.memref_slice %arg26[%add3A_90] : memref<10000xf32, #tpu.memory_space<vmem_shared>> -> memref<208xf32, #tpu.memory_space<vmem_shared>>
      tpu.enqueue_dma source(%arg24 : memref<208xf32, #tpu.memory_space<vmem>>) target(%dma_start3A_300 : memref<208xf32, #tpu.memory_space<vmem_shared>>) target_semaphore(%run_scoped3A : memref<!tpu.dma_semaphore, #tpu.memory_space<semaphore_mem>>)
      %dma_wait3A_301 = tpu.memref_slice %arg26[%add3A_90] : memref<10000xf32, #tpu.memory_space<vmem_shared>> -> memref<208xf32, #tpu.memory_space<vmem_shared>>
      %dma_wait3A_302 = tpu.memref_slice %arg26[%add3A_90] : memref<10000xf32, #tpu.memory_space<vmem_shared>> -> memref<208xf32, #tpu.memory_space<vmem_shared>>
      tpu.wait_dma2 semaphore(%run_scoped3A : memref<!tpu.dma_semaphore, #tpu.memory_space<semaphore_mem>>) src(%arg24 : memref<208xf32, #tpu.memory_space<vmem>>) dst(%dma_wait3A_302 : memref<208xf32, #tpu.memory_space<vmem_shared>>)
      tpu.yield
    }) : () -> ()
    %mul3A_91 = arith.constant 624 : i32
    %mul3A_92 = arith.muli %arg1, %mul3A_91 : i32
    %add3A_93 = arith.constant 416 : i32
    %add3A_94 = arith.addi %mul3A_92, %add3A_93 : i32
    "tpu.region"() ({
      %run_scoped3A = tpu.sem_alloc : memref<!tpu.dma_semaphore, #tpu.memory_space<semaphore_mem>>
      %dma_start3A_299 = tpu.memref_slice %arg26[%add3A_94] : memref<10000xf32, #tpu.memory_space<vmem_shared>> -> memref<208xf32, #tpu.memory_space<vmem_shared>>
      %dma_start3A_300 = tpu.memref_slice %arg26[%add3A_94] : memref<10000xf32, #tpu.memory_space<vmem_shared>> -> memref<208xf32, #tpu.memory_space<vmem_shared>>
      tpu.enqueue_dma source(%arg24 : memref<208xf32, #tpu.memory_space<vmem>>) target(%dma_start3A_300 : memref<208xf32, #tpu.memory_space<vmem_shared>>) target_semaphore(%run_scoped3A : memref<!tpu.dma_semaphore, #tpu.memory_space<semaphore_mem>>)
      %dma_wait3A_301 = tpu.memref_slice %arg26[%add3A_94] : memref<10000xf32, #tpu.memory_space<vmem_shared>> -> memref<208xf32, #tpu.memory_space<vmem_shared>>
      %dma_wait3A_302 = tpu.memref_slice %arg26[%add3A_94] : memref<10000xf32, #tpu.memory_space<vmem_shared>> -> memref<208xf32, #tpu.memory_space<vmem_shared>>
      tpu.wait_dma2 semaphore(%run_scoped3A : memref<!tpu.dma_semaphore, #tpu.memory_space<semaphore_mem>>) src(%arg24 : memref<208xf32, #tpu.memory_space<vmem>>) dst(%dma_wait3A_302 : memref<208xf32, #tpu.memory_space<vmem_shared>>)
      tpu.yield
    }) : () -> ()
    %eq3A_95 = arith.constant 15 : i32
    %eq3A_96 = arith.cmpi eq, %arg1, %eq3A_95 : i32
    %convert_element_type3A_97 = arith.extui %eq3A_96 : i1 to i32
    %cond3A_98 = arith.constant 0 : i32
    %cond3A_99 = arith.cmpi ne, %convert_element_type3A_97, %cond3A_98 : i32
    scf.if %cond3A_99 {
      "tpu.region"() ({
        %run_scoped3A = tpu.sem_alloc : memref<!tpu.dma_semaphore, #tpu.memory_space<semaphore_mem>>
        %dma_start3A_299 = arith.constant 0 : i32
        %dma_start3A_300 = tpu.memref_slice %arg24[%dma_start3A_299] : memref<208xf32, #tpu.memory_space<vmem>> -> memref<16xf32, #tpu.memory_space<vmem>>
        %dma_start3A_301 = arith.constant 9984 : i32
        %dma_start3A_302 = tpu.memref_slice %arg26[%dma_start3A_301] : memref<10000xf32, #tpu.memory_space<vmem_shared>> -> memref<16xf32, #tpu.memory_space<vmem_shared>>
        %dma_start3A_303 = arith.constant 9984 : i32
        %dma_start3A_304 = tpu.memref_slice %arg26[%dma_start3A_303] : memref<10000xf32, #tpu.memory_space<vmem_shared>> -> memref<16xf32, #tpu.memory_space<vmem_shared>>
        %dma_start3A_305 = arith.constant 0 : i32
        %dma_start3A_306 = tpu.memref_slice %arg24[%dma_start3A_305] : memref<208xf32, #tpu.memory_space<vmem>> -> memref<16xf32, #tpu.memory_space<vmem>>
        tpu.enqueue_dma source(%dma_start3A_306 : memref<16xf32, #tpu.memory_space<vmem>>) target(%dma_start3A_304 : memref<16xf32, #tpu.memory_space<vmem_shared>>) target_semaphore(%run_scoped3A : memref<!tpu.dma_semaphore, #tpu.memory_space<semaphore_mem>>)
        %dma_wait3A_307 = arith.constant 0 : i32
        %dma_wait3A_308 = tpu.memref_slice %arg24[%dma_wait3A_307] : memref<208xf32, #tpu.memory_space<vmem>> -> memref<16xf32, #tpu.memory_space<vmem>>
        %dma_wait3A_309 = arith.constant 9984 : i32
        %dma_wait3A_310 = tpu.memref_slice %arg26[%dma_wait3A_309] : memref<10000xf32, #tpu.memory_space<vmem_shared>> -> memref<16xf32, #tpu.memory_space<vmem_shared>>
        %dma_wait3A_311 = arith.constant 9984 : i32
        %dma_wait3A_312 = tpu.memref_slice %arg26[%dma_wait3A_311] : memref<10000xf32, #tpu.memory_space<vmem_shared>> -> memref<16xf32, #tpu.memory_space<vmem_shared>>
        %dma_wait3A_313 = arith.constant 0 : i32
        %dma_wait3A_314 = tpu.memref_slice %arg24[%dma_wait3A_313] : memref<208xf32, #tpu.memory_space<vmem>> -> memref<16xf32, #tpu.memory_space<vmem>>
        tpu.wait_dma2 semaphore(%run_scoped3A : memref<!tpu.dma_semaphore, #tpu.memory_space<semaphore_mem>>) src(%dma_wait3A_314 : memref<16xf32, #tpu.memory_space<vmem>>) dst(%dma_wait3A_312 : memref<16xf32, #tpu.memory_space<vmem_shared>>)
        tpu.yield
      }) : () -> ()
    } else {
    }
    %barrier3A = arith.constant 0 : index
    tpu.barrier barrier_id(%barrier3A)
    %mul3A_100 = arith.constant 78 : i32
    %mul3A_101 = arith.muli %add3A, %mul3A_100 : i32
    %add3A_102 = arith.constant 0 : i32
    %add3A_103 = arith.addi %mul3A_101, %add3A_102 : i32
    %mul3A_104 = arith.constant 128 : i32
    %mul3A_105 = arith.muli %add3A_103, %mul3A_104 : i32
    %dma_start3A = arith.constant 0 : i32
    %dma_start3A_106 = tpu.memref_slice %arg3[%dma_start3A, %mul3A_105] : memref<2x320000xi32, #tpu.memory_space<hbm>> -> memref<2x128xi32, #tpu.memory_space<hbm>>
    %dma_start3A_107 = arith.constant 0 : i32
    %dma_start3A_108 = tpu.memref_slice %arg3[%dma_start3A_107, %mul3A_105] : memref<2x320000xi32, #tpu.memory_space<hbm>> -> memref<2x128xi32, #tpu.memory_space<hbm>>
    tpu.enqueue_dma source(%dma_start3A_108 : memref<2x128xi32, #tpu.memory_space<hbm>>) target(%arg7 : memref<2x128xi32, #tpu.memory_space<vmem>>) target_semaphore(%arg14 : memref<!tpu.dma_semaphore, #tpu.memory_space<semaphore_mem>>)
    %add3A_109 = arith.constant 1 : i32
    %add3A_110 = arith.addi %mul3A_101, %add3A_109 : i32
    %mul3A_111 = arith.constant 128 : i32
    %mul3A_112 = arith.muli %add3A_110, %mul3A_111 : i32
    %dma_start3A_113 = arith.constant 0 : i32
    %dma_start3A_114 = tpu.memref_slice %arg3[%dma_start3A_113, %mul3A_112] : memref<2x320000xi32, #tpu.memory_space<hbm>> -> memref<2x128xi32, #tpu.memory_space<hbm>>
    %dma_start3A_115 = arith.constant 0 : i32
    %dma_start3A_116 = tpu.memref_slice %arg3[%dma_start3A_115, %mul3A_112] : memref<2x320000xi32, #tpu.memory_space<hbm>> -> memref<2x128xi32, #tpu.memory_space<hbm>>
    tpu.enqueue_dma source(%dma_start3A_116 : memref<2x128xi32, #tpu.memory_space<hbm>>) target(%arg8 : memref<2x128xi32, #tpu.memory_space<vmem>>) target_semaphore(%arg15 : memref<!tpu.dma_semaphore, #tpu.memory_space<semaphore_mem>>)
    %add3A_117 = arith.constant 2 : i32
    %add3A_118 = arith.addi %mul3A_101, %add3A_117 : i32
    %mul3A_119 = arith.constant 128 : i32
    %mul3A_120 = arith.muli %add3A_118, %mul3A_119 : i32
    %dma_start3A_121 = arith.constant 0 : i32
    %dma_start3A_122 = tpu.memref_slice %arg3[%dma_start3A_121, %mul3A_120] : memref<2x320000xi32, #tpu.memory_space<hbm>> -> memref<2x128xi32, #tpu.memory_space<hbm>>
    %dma_start3A_123 = arith.constant 0 : i32
    %dma_start3A_124 = tpu.memref_slice %arg3[%dma_start3A_123, %mul3A_120] : memref<2x320000xi32, #tpu.memory_space<hbm>> -> memref<2x128xi32, #tpu.memory_space<hbm>>
    tpu.enqueue_dma source(%dma_start3A_124 : memref<2x128xi32, #tpu.memory_space<hbm>>) target(%arg9 : memref<2x128xi32, #tpu.memory_space<vmem>>) target_semaphore(%arg16 : memref<!tpu.dma_semaphore, #tpu.memory_space<semaphore_mem>>)
    %dma_wait3A = arith.constant 0 : i32
    %dma_wait3A_125 = arith.constant 0 : i32
    %dma_wait3A_126 = tpu.memref_slice %arg3[%dma_wait3A, %dma_wait3A_125] : memref<2x320000xi32, #tpu.memory_space<hbm>> -> memref<2x128xi32, #tpu.memory_space<hbm>>
    %dma_wait3A_127 = arith.constant 0 : i32
    %dma_wait3A_128 = arith.constant 0 : i32
    %dma_wait3A_129 = tpu.memref_slice %arg3[%dma_wait3A_127, %dma_wait3A_128] : memref<2x320000xi32, #tpu.memory_space<hbm>> -> memref<2x128xi32, #tpu.memory_space<hbm>>
    tpu.wait_dma2 semaphore(%arg14 : memref<!tpu.dma_semaphore, #tpu.memory_space<semaphore_mem>>) src(%dma_wait3A_129 : memref<2x128xi32, #tpu.memory_space<hbm>>) dst(%arg7 : memref<2x128xi32, #tpu.memory_space<vmem>>)
    %dma_start3A_130 = arith.constant 0 : i32
    %dma_start3A_131 = arith.constant 0 : i32
    %dma_start3A_132 = tpu.memref_slice %arg7[%dma_start3A_130, %dma_start3A_131] : memref<2x128xi32, #tpu.memory_space<vmem>> -> memref<1x128xi32, #tpu.memory_space<vmem>>
    %dma_start3A_133 = tpu.memref_squeeze %dma_start3A_132 : memref<1x128xi32, #tpu.memory_space<vmem>> -> memref<128xi32, #tpu.memory_space<vmem>>
    %dma_start3A_134 = arith.constant 0 : i32
    %dma_start3A_135 = arith.constant 0 : i32
    %dma_start3A_136 = tpu.memref_slice %arg2[%dma_start3A_134, %dma_start3A_135] : memref<10000x128xf32, #tpu.memory_space<hbm>> -> memref<10000x128xf32, #tpu.memory_space<hbm>>
    tpu.enqueue_indirect_dma source(%dma_start3A_136 : memref<10000x128xf32, #tpu.memory_space<hbm>>) target(%arg10 : memref<128x128xf32, #tpu.memory_space<vmem>>) offsets(%dma_start3A_133 : memref<128xi32, #tpu.memory_space<vmem>>) semaphore(%arg17 : memref<!tpu.dma_semaphore, #tpu.memory_space<semaphore_mem>>)
    %dma_wait3A_137 = arith.constant 0 : i32
    %dma_wait3A_138 = arith.constant 0 : i32
    %dma_wait3A_139 = tpu.memref_slice %arg3[%dma_wait3A_137, %dma_wait3A_138] : memref<2x320000xi32, #tpu.memory_space<hbm>> -> memref<2x128xi32, #tpu.memory_space<hbm>>
    %dma_wait3A_140 = arith.constant 0 : i32
    %dma_wait3A_141 = arith.constant 0 : i32
    %dma_wait3A_142 = tpu.memref_slice %arg3[%dma_wait3A_140, %dma_wait3A_141] : memref<2x320000xi32, #tpu.memory_space<hbm>> -> memref<2x128xi32, #tpu.memory_space<hbm>>
    tpu.wait_dma2 semaphore(%arg15 : memref<!tpu.dma_semaphore, #tpu.memory_space<semaphore_mem>>) src(%dma_wait3A_142 : memref<2x128xi32, #tpu.memory_space<hbm>>) dst(%arg8 : memref<2x128xi32, #tpu.memory_space<vmem>>)
    %dma_start3A_143 = arith.constant 0 : i32
    %dma_start3A_144 = arith.constant 0 : i32
    %dma_start3A_145 = tpu.memref_slice %arg8[%dma_start3A_143, %dma_start3A_144] : memref<2x128xi32, #tpu.memory_space<vmem>> -> memref<1x128xi32, #tpu.memory_space<vmem>>
    %dma_start3A_146 = tpu.memref_squeeze %dma_start3A_145 : memref<1x128xi32, #tpu.memory_space<vmem>> -> memref<128xi32, #tpu.memory_space<vmem>>
    %dma_start3A_147 = arith.constant 0 : i32
    %dma_start3A_148 = arith.constant 0 : i32
    %dma_start3A_149 = tpu.memref_slice %arg2[%dma_start3A_147, %dma_start3A_148] : memref<10000x128xf32, #tpu.memory_space<hbm>> -> memref<10000x128xf32, #tpu.memory_space<hbm>>
    tpu.enqueue_indirect_dma source(%dma_start3A_149 : memref<10000x128xf32, #tpu.memory_space<hbm>>) target(%arg11 : memref<128x128xf32, #tpu.memory_space<vmem>>) offsets(%dma_start3A_146 : memref<128xi32, #tpu.memory_space<vmem>>) semaphore(%arg18 : memref<!tpu.dma_semaphore, #tpu.memory_space<semaphore_mem>>)
    %dma_wait3A_150 = arith.constant 0 : i32
    %dma_wait3A_151 = arith.constant 0 : i32
    %dma_wait3A_152 = tpu.memref_slice %arg3[%dma_wait3A_150, %dma_wait3A_151] : memref<2x320000xi32, #tpu.memory_space<hbm>> -> memref<2x128xi32, #tpu.memory_space<hbm>>
    %dma_wait3A_153 = arith.constant 0 : i32
    %dma_wait3A_154 = arith.constant 0 : i32
    %dma_wait3A_155 = tpu.memref_slice %arg3[%dma_wait3A_153, %dma_wait3A_154] : memref<2x320000xi32, #tpu.memory_space<hbm>> -> memref<2x128xi32, #tpu.memory_space<hbm>>
    tpu.wait_dma2 semaphore(%arg16 : memref<!tpu.dma_semaphore, #tpu.memory_space<semaphore_mem>>) src(%dma_wait3A_155 : memref<2x128xi32, #tpu.memory_space<hbm>>) dst(%arg9 : memref<2x128xi32, #tpu.memory_space<vmem>>)
    %dma_start3A_156 = arith.constant 0 : i32
    %dma_start3A_157 = arith.constant 0 : i32
    %dma_start3A_158 = tpu.memref_slice %arg9[%dma_start3A_156, %dma_start3A_157] : memref<2x128xi32, #tpu.memory_space<vmem>> -> memref<1x128xi32, #tpu.memory_space<vmem>>
    %dma_start3A_159 = tpu.memref_squeeze %dma_start3A_158 : memref<1x128xi32, #tpu.memory_space<vmem>> -> memref<128xi32, #tpu.memory_space<vmem>>
    %dma_start3A_160 = arith.constant 0 : i32
    %dma_start3A_161 = arith.constant 0 : i32
    %dma_start3A_162 = tpu.memref_slice %arg2[%dma_start3A_160, %dma_start3A_161] : memref<10000x128xf32, #tpu.memory_space<hbm>> -> memref<10000x128xf32, #tpu.memory_space<hbm>>
    tpu.enqueue_indirect_dma source(%dma_start3A_162 : memref<10000x128xf32, #tpu.memory_space<hbm>>) target(%arg12 : memref<128x128xf32, #tpu.memory_space<vmem>>) offsets(%dma_start3A_159 : memref<128xi32, #tpu.memory_space<vmem>>) semaphore(%arg19 : memref<!tpu.dma_semaphore, #tpu.memory_space<semaphore_mem>>)
    %dma_wait3A_163 = arith.constant 0 : i32
    %dma_wait3A_164 = arith.constant 0 : i32
    %dma_wait3A_165 = tpu.memref_slice %arg7[%dma_wait3A_163, %dma_wait3A_164] : memref<2x128xi32, #tpu.memory_space<vmem>> -> memref<1x128xi32, #tpu.memory_space<vmem>>
    %dma_wait3A_166 = tpu.memref_squeeze %dma_wait3A_165 : memref<1x128xi32, #tpu.memory_space<vmem>> -> memref<128xi32, #tpu.memory_space<vmem>>
    %dma_wait3A_167 = arith.constant 0 : i32
    %dma_wait3A_168 = arith.constant 0 : i32
    %dma_wait3A_169 = tpu.memref_slice %arg2[%dma_wait3A_167, %dma_wait3A_168] : memref<10000x128xf32, #tpu.memory_space<hbm>> -> memref<10000x128xf32, #tpu.memory_space<hbm>>
    tpu.wait_indirect_dma semaphore(%arg17 : memref<!tpu.dma_semaphore, #tpu.memory_space<semaphore_mem>>) src(%dma_wait3A_169 : memref<10000x128xf32, #tpu.memory_space<hbm>>) dst(%arg10 : memref<128x128xf32, #tpu.memory_space<vmem>>)
    %dma_start3A_170 = arith.constant 1 : i32
    %dma_start3A_171 = arith.constant 0 : i32
    %dma_start3A_172 = tpu.memref_slice %arg7[%dma_start3A_170, %dma_start3A_171] : memref<2x128xi32, #tpu.memory_space<vmem>> -> memref<1x128xi32, #tpu.memory_space<vmem>>
    %dma_start3A_173 = tpu.memref_squeeze %dma_start3A_172 : memref<1x128xi32, #tpu.memory_space<vmem>> -> memref<128xi32, #tpu.memory_space<vmem>>
    %dma_start3A_174 = arith.constant 0 : i32
    %dma_start3A_175 = arith.constant 0 : i32
    %dma_start3A_176 = tpu.memref_slice %arg13[%dma_start3A_174, %dma_start3A_175] : memref<10000x128xf32, #tpu.memory_space<vmem_shared>> -> memref<10000x128xf32, #tpu.memory_space<vmem_shared>>
    tpu.enqueue_indirect_dma source(%arg10 : memref<128x128xf32, #tpu.memory_space<vmem>>) target(%dma_start3A_176 : memref<10000x128xf32, #tpu.memory_space<vmem_shared>>) offsets(%dma_start3A_173 : memref<128xi32, #tpu.memory_space<vmem>>) semaphore(%arg20 : memref<!tpu.dma_semaphore, #tpu.memory_space<semaphore_mem>>) {add = true}
    %dma_start3A_177 = arith.constant 1 : i32
    %dma_start3A_178 = arith.constant 0 : i32
    %dma_start3A_179 = tpu.memref_slice %arg7[%dma_start3A_177, %dma_start3A_178] : memref<2x128xi32, #tpu.memory_space<vmem>> -> memref<1x128xi32, #tpu.memory_space<vmem>>
    %dma_start3A_180 = tpu.memref_squeeze %dma_start3A_179 : memref<1x128xi32, #tpu.memory_space<vmem>> -> memref<128xi32, #tpu.memory_space<vmem>>
    %dma_start3A_181 = arith.constant 0 : i32
    %dma_start3A_182 = tpu.memref_slice %arg26[%dma_start3A_181] : memref<10000xf32, #tpu.memory_space<vmem_shared>> -> memref<10000xf32, #tpu.memory_space<vmem_shared>>
    tpu.enqueue_indirect_dma source(%arg23 : memref<128xf32, #tpu.memory_space<vmem>>) target(%dma_start3A_182 : memref<10000xf32, #tpu.memory_space<vmem_shared>>) offsets(%dma_start3A_180 : memref<128xi32, #tpu.memory_space<vmem>>) semaphore(%arg20 : memref<!tpu.dma_semaphore, #tpu.memory_space<semaphore_mem>>) {add = true}
    %dma_wait3A_183 = arith.constant 0 : i32
    %dma_wait3A_184 = arith.constant 0 : i32
    %dma_wait3A_185 = tpu.memref_slice %arg8[%dma_wait3A_183, %dma_wait3A_184] : memref<2x128xi32, #tpu.memory_space<vmem>> -> memref<1x128xi32, #tpu.memory_space<vmem>>
    %dma_wait3A_186 = tpu.memref_squeeze %dma_wait3A_185 : memref<1x128xi32, #tpu.memory_space<vmem>> -> memref<128xi32, #tpu.memory_space<vmem>>
    %dma_wait3A_187 = arith.constant 0 : i32
    %dma_wait3A_188 = arith.constant 0 : i32
    %dma_wait3A_189 = tpu.memref_slice %arg2[%dma_wait3A_187, %dma_wait3A_188] : memref<10000x128xf32, #tpu.memory_space<hbm>> -> memref<10000x128xf32, #tpu.memory_space<hbm>>
    tpu.wait_indirect_dma semaphore(%arg18 : memref<!tpu.dma_semaphore, #tpu.memory_space<semaphore_mem>>) src(%dma_wait3A_189 : memref<10000x128xf32, #tpu.memory_space<hbm>>) dst(%arg11 : memref<128x128xf32, #tpu.memory_space<vmem>>)
    %dma_start3A_190 = arith.constant 1 : i32
    %dma_start3A_191 = arith.constant 0 : i32
    %dma_start3A_192 = tpu.memref_slice %arg8[%dma_start3A_190, %dma_start3A_191] : memref<2x128xi32, #tpu.memory_space<vmem>> -> memref<1x128xi32, #tpu.memory_space<vmem>>
    %dma_start3A_193 = tpu.memref_squeeze %dma_start3A_192 : memref<1x128xi32, #tpu.memory_space<vmem>> -> memref<128xi32, #tpu.memory_space<vmem>>
    %dma_start3A_194 = arith.constant 0 : i32
    %dma_start3A_195 = arith.constant 0 : i32
    %dma_start3A_196 = tpu.memref_slice %arg13[%dma_start3A_194, %dma_start3A_195] : memref<10000x128xf32, #tpu.memory_space<vmem_shared>> -> memref<10000x128xf32, #tpu.memory_space<vmem_shared>>
    tpu.enqueue_indirect_dma source(%arg11 : memref<128x128xf32, #tpu.memory_space<vmem>>) target(%dma_start3A_196 : memref<10000x128xf32, #tpu.memory_space<vmem_shared>>) offsets(%dma_start3A_193 : memref<128xi32, #tpu.memory_space<vmem>>) semaphore(%arg21 : memref<!tpu.dma_semaphore, #tpu.memory_space<semaphore_mem>>) {add = true}
    %dma_start3A_197 = arith.constant 1 : i32
    %dma_start3A_198 = arith.constant 0 : i32
    %dma_start3A_199 = tpu.memref_slice %arg8[%dma_start3A_197, %dma_start3A_198] : memref<2x128xi32, #tpu.memory_space<vmem>> -> memref<1x128xi32, #tpu.memory_space<vmem>>
    %dma_start3A_200 = tpu.memref_squeeze %dma_start3A_199 : memref<1x128xi32, #tpu.memory_space<vmem>> -> memref<128xi32, #tpu.memory_space<vmem>>
    %dma_start3A_201 = arith.constant 0 : i32
    %dma_start3A_202 = tpu.memref_slice %arg26[%dma_start3A_201] : memref<10000xf32, #tpu.memory_space<vmem_shared>> -> memref<10000xf32, #tpu.memory_space<vmem_shared>>
    tpu.enqueue_indirect_dma source(%arg23 : memref<128xf32, #tpu.memory_space<vmem>>) target(%dma_start3A_202 : memref<10000xf32, #tpu.memory_space<vmem_shared>>) offsets(%dma_start3A_200 : memref<128xi32, #tpu.memory_space<vmem>>) semaphore(%arg21 : memref<!tpu.dma_semaphore, #tpu.memory_space<semaphore_mem>>) {add = true}
    %dma_wait3A_203 = arith.constant 0 : i32
    %dma_wait3A_204 = arith.constant 0 : i32
    %dma_wait3A_205 = tpu.memref_slice %arg9[%dma_wait3A_203, %dma_wait3A_204] : memref<2x128xi32, #tpu.memory_space<vmem>> -> memref<1x128xi32, #tpu.memory_space<vmem>>
    %dma_wait3A_206 = tpu.memref_squeeze %dma_wait3A_205 : memref<1x128xi32, #tpu.memory_space<vmem>> -> memref<128xi32, #tpu.memory_space<vmem>>
    %dma_wait3A_207 = arith.constant 0 : i32
    %dma_wait3A_208 = arith.constant 0 : i32
    %dma_wait3A_209 = tpu.memref_slice %arg2[%dma_wait3A_207, %dma_wait3A_208] : memref<10000x128xf32, #tpu.memory_space<hbm>> -> memref<10000x128xf32, #tpu.memory_space<hbm>>
    tpu.wait_indirect_dma semaphore(%arg19 : memref<!tpu.dma_semaphore, #tpu.memory_space<semaphore_mem>>) src(%dma_wait3A_209 : memref<10000x128xf32, #tpu.memory_space<hbm>>) dst(%arg12 : memref<128x128xf32, #tpu.memory_space<vmem>>)
    %dma_start3A_210 = arith.constant 1 : i32
    %dma_start3A_211 = arith.constant 0 : i32
    %dma_start3A_212 = tpu.memref_slice %arg9[%dma_start3A_210, %dma_start3A_211] : memref<2x128xi32, #tpu.memory_space<vmem>> -> memref<1x128xi32, #tpu.memory_space<vmem>>
    %dma_start3A_213 = tpu.memref_squeeze %dma_start3A_212 : memref<1x128xi32, #tpu.memory_space<vmem>> -> memref<128xi32, #tpu.memory_space<vmem>>
    %dma_start3A_214 = arith.constant 0 : i32
    %dma_start3A_215 = arith.constant 0 : i32
    %dma_start3A_216 = tpu.memref_slice %arg13[%dma_start3A_214, %dma_start3A_215] : memref<10000x128xf32, #tpu.memory_space<vmem_shared>> -> memref<10000x128xf32, #tpu.memory_space<vmem_shared>>
    tpu.enqueue_indirect_dma source(%arg12 : memref<128x128xf32, #tpu.memory_space<vmem>>) target(%dma_start3A_216 : memref<10000x128xf32, #tpu.memory_space<vmem_shared>>) offsets(%dma_start3A_213 : memref<128xi32, #tpu.memory_space<vmem>>) semaphore(%arg22 : memref<!tpu.dma_semaphore, #tpu.memory_space<semaphore_mem>>) {add = true}
    %dma_start3A_217 = arith.constant 1 : i32
    %dma_start3A_218 = arith.constant 0 : i32
    %dma_start3A_219 = tpu.memref_slice %arg9[%dma_start3A_217, %dma_start3A_218] : memref<2x128xi32, #tpu.memory_space<vmem>> -> memref<1x128xi32, #tpu.memory_space<vmem>>
    %dma_start3A_220 = tpu.memref_squeeze %dma_start3A_219 : memref<1x128xi32, #tpu.memory_space<vmem>> -> memref<128xi32, #tpu.memory_space<vmem>>
    %dma_start3A_221 = arith.constant 0 : i32
    %dma_start3A_222 = tpu.memref_slice %arg26[%dma_start3A_221] : memref<10000xf32, #tpu.memory_space<vmem_shared>> -> memref<10000xf32, #tpu.memory_space<vmem_shared>>
    tpu.enqueue_indirect_dma source(%arg23 : memref<128xf32, #tpu.memory_space<vmem>>) target(%dma_start3A_222 : memref<10000xf32, #tpu.memory_space<vmem_shared>>) offsets(%dma_start3A_220 : memref<128xi32, #tpu.memory_space<vmem>>) semaphore(%arg22 : memref<!tpu.dma_semaphore, #tpu.memory_space<semaphore_mem>>) {add = true}
    %scan3A_223 = arith.constant 0 : i32
    %scan3A_224 = arith.constant 0 : i32
    %scan3A_225 = arith.constant 25 : i32
    %scan3A_226 = arith.addi %scan3A_224, %scan3A_225 : i32
    %scan3A_227 = arith.constant 1 : i32
    scf.for %scan3A_299 = %scan3A_224 to %scan3A_226 step %scan3A_227  : i32 {
      %add3A_300 = arith.constant 1 : i32
      %add3A_301 = arith.addi %scan3A_299, %add3A_300 : i32
      %mul3A_302 = arith.constant 3 : i32
      %mul3A_303 = arith.muli %mul3A_302, %add3A_301 : i32
      %add3A_304 = arith.addi %mul3A_101, %mul3A_303 : i32
      %dma_wait3A_305 = arith.constant 1 : i32
      %dma_wait3A_306 = arith.constant 0 : i32
      %dma_wait3A_307 = tpu.memref_slice %arg7[%dma_wait3A_305, %dma_wait3A_306] : memref<2x128xi32, #tpu.memory_space<vmem>> -> memref<1x128xi32, #tpu.memory_space<vmem>>
      %dma_wait3A_308 = tpu.memref_squeeze %dma_wait3A_307 : memref<1x128xi32, #tpu.memory_space<vmem>> -> memref<128xi32, #tpu.memory_space<vmem>>
      %dma_wait3A_309 = arith.constant 0 : i32
      %dma_wait3A_310 = arith.constant 0 : i32
      %dma_wait3A_311 = tpu.memref_slice %arg13[%dma_wait3A_309, %dma_wait3A_310] : memref<10000x128xf32, #tpu.memory_space<vmem_shared>> -> memref<10000x128xf32, #tpu.memory_space<vmem_shared>>
      tpu.wait_indirect_dma semaphore(%arg20 : memref<!tpu.dma_semaphore, #tpu.memory_space<semaphore_mem>>) src(%arg10 : memref<128x128xf32, #tpu.memory_space<vmem>>) dst(%dma_wait3A_311 : memref<10000x128xf32, #tpu.memory_space<vmem_shared>>)
      %dma_wait3A_312 = arith.constant 1 : i32
      %dma_wait3A_313 = arith.constant 0 : i32
      %dma_wait3A_314 = tpu.memref_slice %arg7[%dma_wait3A_312, %dma_wait3A_313] : memref<2x128xi32, #tpu.memory_space<vmem>> -> memref<1x128xi32, #tpu.memory_space<vmem>>
      %dma_wait3A_315 = tpu.memref_squeeze %dma_wait3A_314 : memref<1x128xi32, #tpu.memory_space<vmem>> -> memref<128xi32, #tpu.memory_space<vmem>>
      %dma_wait3A_316 = arith.constant 0 : i32
      %dma_wait3A_317 = tpu.memref_slice %arg26[%dma_wait3A_316] : memref<10000xf32, #tpu.memory_space<vmem_shared>> -> memref<10000xf32, #tpu.memory_space<vmem_shared>>
      tpu.wait_indirect_dma semaphore(%arg20 : memref<!tpu.dma_semaphore, #tpu.memory_space<semaphore_mem>>) src(%arg23 : memref<128xf32, #tpu.memory_space<vmem>>) dst(%dma_wait3A_317 : memref<10000xf32, #tpu.memory_space<vmem_shared>>)
      %add3A_318 = arith.constant 0 : i32
      %add3A_319 = arith.addi %add3A_304, %add3A_318 : i32
      %mul3A_320 = arith.constant 128 : i32
      %mul3A_321 = arith.muli %add3A_319, %mul3A_320 : i32
      %dma_start3A_322 = arith.constant 0 : i32
      %dma_start3A_323 = tpu.memref_slice %arg3[%dma_start3A_322, %mul3A_321] : memref<2x320000xi32, #tpu.memory_space<hbm>> -> memref<2x128xi32, #tpu.memory_space<hbm>>
      %dma_start3A_324 = arith.constant 0 : i32
      %dma_start3A_325 = tpu.memref_slice %arg3[%dma_start3A_324, %mul3A_321] : memref<2x320000xi32, #tpu.memory_space<hbm>> -> memref<2x128xi32, #tpu.memory_space<hbm>>
      tpu.enqueue_dma source(%dma_start3A_325 : memref<2x128xi32, #tpu.memory_space<hbm>>) target(%arg7 : memref<2x128xi32, #tpu.memory_space<vmem>>) target_semaphore(%arg14 : memref<!tpu.dma_semaphore, #tpu.memory_space<semaphore_mem>>)
      %dma_wait3A_326 = arith.constant 1 : i32
      %dma_wait3A_327 = arith.constant 0 : i32
      %dma_wait3A_328 = tpu.memref_slice %arg8[%dma_wait3A_326, %dma_wait3A_327] : memref<2x128xi32, #tpu.memory_space<vmem>> -> memref<1x128xi32, #tpu.memory_space<vmem>>
      %dma_wait3A_329 = tpu.memref_squeeze %dma_wait3A_328 : memref<1x128xi32, #tpu.memory_space<vmem>> -> memref<128xi32, #tpu.memory_space<vmem>>
      %dma_wait3A_330 = arith.constant 0 : i32
      %dma_wait3A_331 = arith.constant 0 : i32
      %dma_wait3A_332 = tpu.memref_slice %arg13[%dma_wait3A_330, %dma_wait3A_331] : memref<10000x128xf32, #tpu.memory_space<vmem_shared>> -> memref<10000x128xf32, #tpu.memory_space<vmem_shared>>
      tpu.wait_indirect_dma semaphore(%arg21 : memref<!tpu.dma_semaphore, #tpu.memory_space<semaphore_mem>>) src(%arg11 : memref<128x128xf32, #tpu.memory_space<vmem>>) dst(%dma_wait3A_332 : memref<10000x128xf32, #tpu.memory_space<vmem_shared>>)
      %dma_wait3A_333 = arith.constant 1 : i32
      %dma_wait3A_334 = arith.constant 0 : i32
      %dma_wait3A_335 = tpu.memref_slice %arg8[%dma_wait3A_333, %dma_wait3A_334] : memref<2x128xi32, #tpu.memory_space<vmem>> -> memref<1x128xi32, #tpu.memory_space<vmem>>
      %dma_wait3A_336 = tpu.memref_squeeze %dma_wait3A_335 : memref<1x128xi32, #tpu.memory_space<vmem>> -> memref<128xi32, #tpu.memory_space<vmem>>
      %dma_wait3A_337 = arith.constant 0 : i32
      %dma_wait3A_338 = tpu.memref_slice %arg26[%dma_wait3A_337] : memref<10000xf32, #tpu.memory_space<vmem_shared>> -> memref<10000xf32, #tpu.memory_space<vmem_shared>>
      tpu.wait_indirect_dma semaphore(%arg21 : memref<!tpu.dma_semaphore, #tpu.memory_space<semaphore_mem>>) src(%arg23 : memref<128xf32, #tpu.memory_space<vmem>>) dst(%dma_wait3A_338 : memref<10000xf32, #tpu.memory_space<vmem_shared>>)
      %add3A_339 = arith.constant 1 : i32
      %add3A_340 = arith.addi %add3A_304, %add3A_339 : i32
      %mul3A_341 = arith.constant 128 : i32
      %mul3A_342 = arith.muli %add3A_340, %mul3A_341 : i32
      %dma_start3A_343 = arith.constant 0 : i32
      %dma_start3A_344 = tpu.memref_slice %arg3[%dma_start3A_343, %mul3A_342] : memref<2x320000xi32, #tpu.memory_space<hbm>> -> memref<2x128xi32, #tpu.memory_space<hbm>>
      %dma_start3A_345 = arith.constant 0 : i32
      %dma_start3A_346 = tpu.memref_slice %arg3[%dma_start3A_345, %mul3A_342] : memref<2x320000xi32, #tpu.memory_space<hbm>> -> memref<2x128xi32, #tpu.memory_space<hbm>>
      tpu.enqueue_dma source(%dma_start3A_346 : memref<2x128xi32, #tpu.memory_space<hbm>>) target(%arg8 : memref<2x128xi32, #tpu.memory_space<vmem>>) target_semaphore(%arg15 : memref<!tpu.dma_semaphore, #tpu.memory_space<semaphore_mem>>)
      %dma_wait3A_347 = arith.constant 1 : i32
      %dma_wait3A_348 = arith.constant 0 : i32
      %dma_wait3A_349 = tpu.memref_slice %arg9[%dma_wait3A_347, %dma_wait3A_348] : memref<2x128xi32, #tpu.memory_space<vmem>> -> memref<1x128xi32, #tpu.memory_space<vmem>>
      %dma_wait3A_350 = tpu.memref_squeeze %dma_wait3A_349 : memref<1x128xi32, #tpu.memory_space<vmem>> -> memref<128xi32, #tpu.memory_space<vmem>>
      %dma_wait3A_351 = arith.constant 0 : i32
      %dma_wait3A_352 = arith.constant 0 : i32
      %dma_wait3A_353 = tpu.memref_slice %arg13[%dma_wait3A_351, %dma_wait3A_352] : memref<10000x128xf32, #tpu.memory_space<vmem_shared>> -> memref<10000x128xf32, #tpu.memory_space<vmem_shared>>
      tpu.wait_indirect_dma semaphore(%arg22 : memref<!tpu.dma_semaphore, #tpu.memory_space<semaphore_mem>>) src(%arg12 : memref<128x128xf32, #tpu.memory_space<vmem>>) dst(%dma_wait3A_353 : memref<10000x128xf32, #tpu.memory_space<vmem_shared>>)
      %dma_wait3A_354 = arith.constant 1 : i32
      %dma_wait3A_355 = arith.constant 0 : i32
      %dma_wait3A_356 = tpu.memref_slice %arg9[%dma_wait3A_354, %dma_wait3A_355] : memref<2x128xi32, #tpu.memory_space<vmem>> -> memref<1x128xi32, #tpu.memory_space<vmem>>
      %dma_wait3A_357 = tpu.memref_squeeze %dma_wait3A_356 : memref<1x128xi32, #tpu.memory_space<vmem>> -> memref<128xi32, #tpu.memory_space<vmem>>
      %dma_wait3A_358 = arith.constant 0 : i32
      %dma_wait3A_359 = tpu.memref_slice %arg26[%dma_wait3A_358] : memref<10000xf32, #tpu.memory_space<vmem_shared>> -> memref<10000xf32, #tpu.memory_space<vmem_shared>>
      tpu.wait_indirect_dma semaphore(%arg22 : memref<!tpu.dma_semaphore, #tpu.memory_space<semaphore_mem>>) src(%arg23 : memref<128xf32, #tpu.memory_space<vmem>>) dst(%dma_wait3A_359 : memref<10000xf32, #tpu.memory_space<vmem_shared>>)
      %add3A_360 = arith.constant 2 : i32
      %add3A_361 = arith.addi %add3A_304, %add3A_360 : i32
      %mul3A_362 = arith.constant 128 : i32
      %mul3A_363 = arith.muli %add3A_361, %mul3A_362 : i32
      %dma_start3A_364 = arith.constant 0 : i32
      %dma_start3A_365 = tpu.memref_slice %arg3[%dma_start3A_364, %mul3A_363] : memref<2x320000xi32, #tpu.memory_space<hbm>> -> memref<2x128xi32, #tpu.memory_space<hbm>>
      %dma_start3A_366 = arith.constant 0 : i32
      %dma_start3A_367 = tpu.memref_slice %arg3[%dma_start3A_366, %mul3A_363] : memref<2x320000xi32, #tpu.memory_space<hbm>> -> memref<2x128xi32, #tpu.memory_space<hbm>>
      tpu.enqueue_dma source(%dma_start3A_367 : memref<2x128xi32, #tpu.memory_space<hbm>>) target(%arg9 : memref<2x128xi32, #tpu.memory_space<vmem>>) target_semaphore(%arg16 : memref<!tpu.dma_semaphore, #tpu.memory_space<semaphore_mem>>)
      %dma_wait3A_368 = arith.constant 0 : i32
      %dma_wait3A_369 = arith.constant 0 : i32
      %dma_wait3A_370 = tpu.memref_slice %arg3[%dma_wait3A_368, %dma_wait3A_369] : memref<2x320000xi32, #tpu.memory_space<hbm>> -> memref<2x128xi32, #tpu.memory_space<hbm>>
      %dma_wait3A_371 = arith.constant 0 : i32
      %dma_wait3A_372 = arith.constant 0 : i32
      %dma_wait3A_373 = tpu.memref_slice %arg3[%dma_wait3A_371, %dma_wait3A_372] : memref<2x320000xi32, #tpu.memory_space<hbm>> -> memref<2x128xi32, #tpu.memory_space<hbm>>
      tpu.wait_dma2 semaphore(%arg14 : memref<!tpu.dma_semaphore, #tpu.memory_space<semaphore_mem>>) src(%dma_wait3A_373 : memref<2x128xi32, #tpu.memory_space<hbm>>) dst(%arg7 : memref<2x128xi32, #tpu.memory_space<vmem>>)
      %dma_start3A_374 = arith.constant 0 : i32
      %dma_start3A_375 = arith.constant 0 : i32
      %dma_start3A_376 = tpu.memref_slice %arg7[%dma_start3A_374, %dma_start3A_375] : memref<2x128xi32, #tpu.memory_space<vmem>> -> memref<1x128xi32, #tpu.memory_space<vmem>>
      %dma_start3A_377 = tpu.memref_squeeze %dma_start3A_376 : memref<1x128xi32, #tpu.memory_space<vmem>> -> memref<128xi32, #tpu.memory_space<vmem>>
      %dma_start3A_378 = arith.constant 0 : i32
      %dma_start3A_379 = arith.constant 0 : i32
      %dma_start3A_380 = tpu.memref_slice %arg2[%dma_start3A_378, %dma_start3A_379] : memref<10000x128xf32, #tpu.memory_space<hbm>> -> memref<10000x128xf32, #tpu.memory_space<hbm>>
      tpu.enqueue_indirect_dma source(%dma_start3A_380 : memref<10000x128xf32, #tpu.memory_space<hbm>>) target(%arg10 : memref<128x128xf32, #tpu.memory_space<vmem>>) offsets(%dma_start3A_377 : memref<128xi32, #tpu.memory_space<vmem>>) semaphore(%arg17 : memref<!tpu.dma_semaphore, #tpu.memory_space<semaphore_mem>>)
      %dma_wait3A_381 = arith.constant 0 : i32
      %dma_wait3A_382 = arith.constant 0 : i32
      %dma_wait3A_383 = tpu.memref_slice %arg3[%dma_wait3A_381, %dma_wait3A_382] : memref<2x320000xi32, #tpu.memory_space<hbm>> -> memref<2x128xi32, #tpu.memory_space<hbm>>
      %dma_wait3A_384 = arith.constant 0 : i32
      %dma_wait3A_385 = arith.constant 0 : i32
      %dma_wait3A_386 = tpu.memref_slice %arg3[%dma_wait3A_384, %dma_wait3A_385] : memref<2x320000xi32, #tpu.memory_space<hbm>> -> memref<2x128xi32, #tpu.memory_space<hbm>>
      tpu.wait_dma2 semaphore(%arg15 : memref<!tpu.dma_semaphore, #tpu.memory_space<semaphore_mem>>) src(%dma_wait3A_386 : memref<2x128xi32, #tpu.memory_space<hbm>>) dst(%arg8 : memref<2x128xi32, #tpu.memory_space<vmem>>)
      %dma_start3A_387 = arith.constant 0 : i32
      %dma_start3A_388 = arith.constant 0 : i32
      %dma_start3A_389 = tpu.memref_slice %arg8[%dma_start3A_387, %dma_start3A_388] : memref<2x128xi32, #tpu.memory_space<vmem>> -> memref<1x128xi32, #tpu.memory_space<vmem>>
      %dma_start3A_390 = tpu.memref_squeeze %dma_start3A_389 : memref<1x128xi32, #tpu.memory_space<vmem>> -> memref<128xi32, #tpu.memory_space<vmem>>
      %dma_start3A_391 = arith.constant 0 : i32
      %dma_start3A_392 = arith.constant 0 : i32
      %dma_start3A_393 = tpu.memref_slice %arg2[%dma_start3A_391, %dma_start3A_392] : memref<10000x128xf32, #tpu.memory_space<hbm>> -> memref<10000x128xf32, #tpu.memory_space<hbm>>
      tpu.enqueue_indirect_dma source(%dma_start3A_393 : memref<10000x128xf32, #tpu.memory_space<hbm>>) target(%arg11 : memref<128x128xf32, #tpu.memory_space<vmem>>) offsets(%dma_start3A_390 : memref<128xi32, #tpu.memory_space<vmem>>) semaphore(%arg18 : memref<!tpu.dma_semaphore, #tpu.memory_space<semaphore_mem>>)
      %dma_wait3A_394 = arith.constant 0 : i32
      %dma_wait3A_395 = arith.constant 0 : i32
      %dma_wait3A_396 = tpu.memref_slice %arg3[%dma_wait3A_394, %dma_wait3A_395] : memref<2x320000xi32, #tpu.memory_space<hbm>> -> memref<2x128xi32, #tpu.memory_space<hbm>>
      %dma_wait3A_397 = arith.constant 0 : i32
      %dma_wait3A_398 = arith.constant 0 : i32
      %dma_wait3A_399 = tpu.memref_slice %arg3[%dma_wait3A_397, %dma_wait3A_398] : memref<2x320000xi32, #tpu.memory_space<hbm>> -> memref<2x128xi32, #tpu.memory_space<hbm>>
      tpu.wait_dma2 semaphore(%arg16 : memref<!tpu.dma_semaphore, #tpu.memory_space<semaphore_mem>>) src(%dma_wait3A_399 : memref<2x128xi32, #tpu.memory_space<hbm>>) dst(%arg9 : memref<2x128xi32, #tpu.memory_space<vmem>>)
      %dma_start3A_400 = arith.constant 0 : i32
      %dma_start3A_401 = arith.constant 0 : i32
      %dma_start3A_402 = tpu.memref_slice %arg9[%dma_start3A_400, %dma_start3A_401] : memref<2x128xi32, #tpu.memory_space<vmem>> -> memref<1x128xi32, #tpu.memory_space<vmem>>
      %dma_start3A_403 = tpu.memref_squeeze %dma_start3A_402 : memref<1x128xi32, #tpu.memory_space<vmem>> -> memref<128xi32, #tpu.memory_space<vmem>>
      %dma_start3A_404 = arith.constant 0 : i32
      %dma_start3A_405 = arith.constant 0 : i32
      %dma_start3A_406 = tpu.memref_slice %arg2[%dma_start3A_404, %dma_start3A_405] : memref<10000x128xf32, #tpu.memory_space<hbm>> -> memref<10000x128xf32, #tpu.memory_space<hbm>>
      tpu.enqueue_indirect_dma source(%dma_start3A_406 : memref<10000x128xf32, #tpu.memory_space<hbm>>) target(%arg12 : memref<128x128xf32, #tpu.memory_space<vmem>>) offsets(%dma_start3A_403 : memref<128xi32, #tpu.memory_space<vmem>>) semaphore(%arg19 : memref<!tpu.dma_semaphore, #tpu.memory_space<semaphore_mem>>)
      %dma_wait3A_407 = arith.constant 0 : i32
      %dma_wait3A_408 = arith.constant 0 : i32
      %dma_wait3A_409 = tpu.memref_slice %arg7[%dma_wait3A_407, %dma_wait3A_408] : memref<2x128xi32, #tpu.memory_space<vmem>> -> memref<1x128xi32, #tpu.memory_space<vmem>>
      %dma_wait3A_410 = tpu.memref_squeeze %dma_wait3A_409 : memref<1x128xi32, #tpu.memory_space<vmem>> -> memref<128xi32, #tpu.memory_space<vmem>>
      %dma_wait3A_411 = arith.constant 0 : i32
      %dma_wait3A_412 = arith.constant 0 : i32
      %dma_wait3A_413 = tpu.memref_slice %arg2[%dma_wait3A_411, %dma_wait3A_412] : memref<10000x128xf32, #tpu.memory_space<hbm>> -> memref<10000x128xf32, #tpu.memory_space<hbm>>
      tpu.wait_indirect_dma semaphore(%arg17 : memref<!tpu.dma_semaphore, #tpu.memory_space<semaphore_mem>>) src(%dma_wait3A_413 : memref<10000x128xf32, #tpu.memory_space<hbm>>) dst(%arg10 : memref<128x128xf32, #tpu.memory_space<vmem>>)
      %dma_start3A_414 = arith.constant 1 : i32
      %dma_start3A_415 = arith.constant 0 : i32
      %dma_start3A_416 = tpu.memref_slice %arg7[%dma_start3A_414, %dma_start3A_415] : memref<2x128xi32, #tpu.memory_space<vmem>> -> memref<1x128xi32, #tpu.memory_space<vmem>>
      %dma_start3A_417 = tpu.memref_squeeze %dma_start3A_416 : memref<1x128xi32, #tpu.memory_space<vmem>> -> memref<128xi32, #tpu.memory_space<vmem>>
      %dma_start3A_418 = arith.constant 0 : i32
      %dma_start3A_419 = arith.constant 0 : i32
      %dma_start3A_420 = tpu.memref_slice %arg13[%dma_start3A_418, %dma_start3A_419] : memref<10000x128xf32, #tpu.memory_space<vmem_shared>> -> memref<10000x128xf32, #tpu.memory_space<vmem_shared>>
      tpu.enqueue_indirect_dma source(%arg10 : memref<128x128xf32, #tpu.memory_space<vmem>>) target(%dma_start3A_420 : memref<10000x128xf32, #tpu.memory_space<vmem_shared>>) offsets(%dma_start3A_417 : memref<128xi32, #tpu.memory_space<vmem>>) semaphore(%arg20 : memref<!tpu.dma_semaphore, #tpu.memory_space<semaphore_mem>>) {add = true}
      %dma_start3A_421 = arith.constant 1 : i32
      %dma_start3A_422 = arith.constant 0 : i32
      %dma_start3A_423 = tpu.memref_slice %arg7[%dma_start3A_421, %dma_start3A_422] : memref<2x128xi32, #tpu.memory_space<vmem>> -> memref<1x128xi32, #tpu.memory_space<vmem>>
      %dma_start3A_424 = tpu.memref_squeeze %dma_start3A_423 : memref<1x128xi32, #tpu.memory_space<vmem>> -> memref<128xi32, #tpu.memory_space<vmem>>
      %dma_start3A_425 = arith.constant 0 : i32
      %dma_start3A_426 = tpu.memref_slice %arg26[%dma_start3A_425] : memref<10000xf32, #tpu.memory_space<vmem_shared>> -> memref<10000xf32, #tpu.memory_space<vmem_shared>>
      tpu.enqueue_indirect_dma source(%arg23 : memref<128xf32, #tpu.memory_space<vmem>>) target(%dma_start3A_426 : memref<10000xf32, #tpu.memory_space<vmem_shared>>) offsets(%dma_start3A_424 : memref<128xi32, #tpu.memory_space<vmem>>) semaphore(%arg20 : memref<!tpu.dma_semaphore, #tpu.memory_space<semaphore_mem>>) {add = true}
      %dma_wait3A_427 = arith.constant 0 : i32
      %dma_wait3A_428 = arith.constant 0 : i32
      %dma_wait3A_429 = tpu.memref_slice %arg8[%dma_wait3A_427, %dma_wait3A_428] : memref<2x128xi32, #tpu.memory_space<vmem>> -> memref<1x128xi32, #tpu.memory_space<vmem>>
      %dma_wait3A_430 = tpu.memref_squeeze %dma_wait3A_429 : memref<1x128xi32, #tpu.memory_space<vmem>> -> memref<128xi32, #tpu.memory_space<vmem>>
      %dma_wait3A_431 = arith.constant 0 : i32
      %dma_wait3A_432 = arith.constant 0 : i32
      %dma_wait3A_433 = tpu.memref_slice %arg2[%dma_wait3A_431, %dma_wait3A_432] : memref<10000x128xf32, #tpu.memory_space<hbm>> -> memref<10000x128xf32, #tpu.memory_space<hbm>>
      tpu.wait_indirect_dma semaphore(%arg18 : memref<!tpu.dma_semaphore, #tpu.memory_space<semaphore_mem>>) src(%dma_wait3A_433 : memref<10000x128xf32, #tpu.memory_space<hbm>>) dst(%arg11 : memref<128x128xf32, #tpu.memory_space<vmem>>)
      %dma_start3A_434 = arith.constant 1 : i32
      %dma_start3A_435 = arith.constant 0 : i32
      %dma_start3A_436 = tpu.memref_slice %arg8[%dma_start3A_434, %dma_start3A_435] : memref<2x128xi32, #tpu.memory_space<vmem>> -> memref<1x128xi32, #tpu.memory_space<vmem>>
      %dma_start3A_437 = tpu.memref_squeeze %dma_start3A_436 : memref<1x128xi32, #tpu.memory_space<vmem>> -> memref<128xi32, #tpu.memory_space<vmem>>
      %dma_start3A_438 = arith.constant 0 : i32
      %dma_start3A_439 = arith.constant 0 : i32
      %dma_start3A_440 = tpu.memref_slice %arg13[%dma_start3A_438, %dma_start3A_439] : memref<10000x128xf32, #tpu.memory_space<vmem_shared>> -> memref<10000x128xf32, #tpu.memory_space<vmem_shared>>
      tpu.enqueue_indirect_dma source(%arg11 : memref<128x128xf32, #tpu.memory_space<vmem>>) target(%dma_start3A_440 : memref<10000x128xf32, #tpu.memory_space<vmem_shared>>) offsets(%dma_start3A_437 : memref<128xi32, #tpu.memory_space<vmem>>) semaphore(%arg21 : memref<!tpu.dma_semaphore, #tpu.memory_space<semaphore_mem>>) {add = true}
      %dma_start3A_441 = arith.constant 1 : i32
      %dma_start3A_442 = arith.constant 0 : i32
      %dma_start3A_443 = tpu.memref_slice %arg8[%dma_start3A_441, %dma_start3A_442] : memref<2x128xi32, #tpu.memory_space<vmem>> -> memref<1x128xi32, #tpu.memory_space<vmem>>
      %dma_start3A_444 = tpu.memref_squeeze %dma_start3A_443 : memref<1x128xi32, #tpu.memory_space<vmem>> -> memref<128xi32, #tpu.memory_space<vmem>>
      %dma_start3A_445 = arith.constant 0 : i32
      %dma_start3A_446 = tpu.memref_slice %arg26[%dma_start3A_445] : memref<10000xf32, #tpu.memory_space<vmem_shared>> -> memref<10000xf32, #tpu.memory_space<vmem_shared>>
      tpu.enqueue_indirect_dma source(%arg23 : memref<128xf32, #tpu.memory_space<vmem>>) target(%dma_start3A_446 : memref<10000xf32, #tpu.memory_space<vmem_shared>>) offsets(%dma_start3A_444 : memref<128xi32, #tpu.memory_space<vmem>>) semaphore(%arg21 : memref<!tpu.dma_semaphore, #tpu.memory_space<semaphore_mem>>) {add = true}
      %dma_wait3A_447 = arith.constant 0 : i32
      %dma_wait3A_448 = arith.constant 0 : i32
      %dma_wait3A_449 = tpu.memref_slice %arg9[%dma_wait3A_447, %dma_wait3A_448] : memref<2x128xi32, #tpu.memory_space<vmem>> -> memref<1x128xi32, #tpu.memory_space<vmem>>
      %dma_wait3A_450 = tpu.memref_squeeze %dma_wait3A_449 : memref<1x128xi32, #tpu.memory_space<vmem>> -> memref<128xi32, #tpu.memory_space<vmem>>
      %dma_wait3A_451 = arith.constant 0 : i32
      %dma_wait3A_452 = arith.constant 0 : i32
      %dma_wait3A_453 = tpu.memref_slice %arg2[%dma_wait3A_451, %dma_wait3A_452] : memref<10000x128xf32, #tpu.memory_space<hbm>> -> memref<10000x128xf32, #tpu.memory_space<hbm>>
      tpu.wait_indirect_dma semaphore(%arg19 : memref<!tpu.dma_semaphore, #tpu.memory_space<semaphore_mem>>) src(%dma_wait3A_453 : memref<10000x128xf32, #tpu.memory_space<hbm>>) dst(%arg12 : memref<128x128xf32, #tpu.memory_space<vmem>>)
      %dma_start3A_454 = arith.constant 1 : i32
      %dma_start3A_455 = arith.constant 0 : i32
      %dma_start3A_456 = tpu.memref_slice %arg9[%dma_start3A_454, %dma_start3A_455] : memref<2x128xi32, #tpu.memory_space<vmem>> -> memref<1x128xi32, #tpu.memory_space<vmem>>
      %dma_start3A_457 = tpu.memref_squeeze %dma_start3A_456 : memref<1x128xi32, #tpu.memory_space<vmem>> -> memref<128xi32, #tpu.memory_space<vmem>>
      %dma_start3A_458 = arith.constant 0 : i32
      %dma_start3A_459 = arith.constant 0 : i32
      %dma_start3A_460 = tpu.memref_slice %arg13[%dma_start3A_458, %dma_start3A_459] : memref<10000x128xf32, #tpu.memory_space<vmem_shared>> -> memref<10000x128xf32, #tpu.memory_space<vmem_shared>>
      tpu.enqueue_indirect_dma source(%arg12 : memref<128x128xf32, #tpu.memory_space<vmem>>) target(%dma_start3A_460 : memref<10000x128xf32, #tpu.memory_space<vmem_shared>>) offsets(%dma_start3A_457 : memref<128xi32, #tpu.memory_space<vmem>>) semaphore(%arg22 : memref<!tpu.dma_semaphore, #tpu.memory_space<semaphore_mem>>) {add = true}
      %dma_start3A_461 = arith.constant 1 : i32
      %dma_start3A_462 = arith.constant 0 : i32
      %dma_start3A_463 = tpu.memref_slice %arg9[%dma_start3A_461, %dma_start3A_462] : memref<2x128xi32, #tpu.memory_space<vmem>> -> memref<1x128xi32, #tpu.memory_space<vmem>>
      %dma_start3A_464 = tpu.memref_squeeze %dma_start3A_463 : memref<1x128xi32, #tpu.memory_space<vmem>> -> memref<128xi32, #tpu.memory_space<vmem>>
      %dma_start3A_465 = arith.constant 0 : i32
      %dma_start3A_466 = tpu.memref_slice %arg26[%dma_start3A_465] : memref<10000xf32, #tpu.memory_space<vmem_shared>> -> memref<10000xf32, #tpu.memory_space<vmem_shared>>
      tpu.enqueue_indirect_dma source(%arg23 : memref<128xf32, #tpu.memory_space<vmem>>) target(%dma_start3A_466 : memref<10000xf32, #tpu.memory_space<vmem_shared>>) offsets(%dma_start3A_464 : memref<128xi32, #tpu.memory_space<vmem>>) semaphore(%arg22 : memref<!tpu.dma_semaphore, #tpu.memory_space<semaphore_mem>>) {add = true}
    }
    %scan3A_228 = arith.constant 25 : i32
    %dma_wait3A_229 = arith.constant 1 : i32
    %dma_wait3A_230 = arith.constant 0 : i32
    %dma_wait3A_231 = tpu.memref_slice %arg7[%dma_wait3A_229, %dma_wait3A_230] : memref<2x128xi32, #tpu.memory_space<vmem>> -> memref<1x128xi32, #tpu.memory_space<vmem>>
    %dma_wait3A_232 = tpu.memref_squeeze %dma_wait3A_231 : memref<1x128xi32, #tpu.memory_space<vmem>> -> memref<128xi32, #tpu.memory_space<vmem>>
    %dma_wait3A_233 = arith.constant 0 : i32
    %dma_wait3A_234 = arith.constant 0 : i32
    %dma_wait3A_235 = tpu.memref_slice %arg13[%dma_wait3A_233, %dma_wait3A_234] : memref<10000x128xf32, #tpu.memory_space<vmem_shared>> -> memref<10000x128xf32, #tpu.memory_space<vmem_shared>>
    tpu.wait_indirect_dma semaphore(%arg20 : memref<!tpu.dma_semaphore, #tpu.memory_space<semaphore_mem>>) src(%arg10 : memref<128x128xf32, #tpu.memory_space<vmem>>) dst(%dma_wait3A_235 : memref<10000x128xf32, #tpu.memory_space<vmem_shared>>)
    %dma_wait3A_236 = arith.constant 1 : i32
    %dma_wait3A_237 = arith.constant 0 : i32
    %dma_wait3A_238 = tpu.memref_slice %arg7[%dma_wait3A_236, %dma_wait3A_237] : memref<2x128xi32, #tpu.memory_space<vmem>> -> memref<1x128xi32, #tpu.memory_space<vmem>>
    %dma_wait3A_239 = tpu.memref_squeeze %dma_wait3A_238 : memref<1x128xi32, #tpu.memory_space<vmem>> -> memref<128xi32, #tpu.memory_space<vmem>>
    %dma_wait3A_240 = arith.constant 0 : i32
    %dma_wait3A_241 = tpu.memref_slice %arg26[%dma_wait3A_240] : memref<10000xf32, #tpu.memory_space<vmem_shared>> -> memref<10000xf32, #tpu.memory_space<vmem_shared>>
    tpu.wait_indirect_dma semaphore(%arg20 : memref<!tpu.dma_semaphore, #tpu.memory_space<semaphore_mem>>) src(%arg23 : memref<128xf32, #tpu.memory_space<vmem>>) dst(%dma_wait3A_241 : memref<10000xf32, #tpu.memory_space<vmem_shared>>)
    %dma_wait3A_242 = arith.constant 1 : i32
    %dma_wait3A_243 = arith.constant 0 : i32
    %dma_wait3A_244 = tpu.memref_slice %arg8[%dma_wait3A_242, %dma_wait3A_243] : memref<2x128xi32, #tpu.memory_space<vmem>> -> memref<1x128xi32, #tpu.memory_space<vmem>>
    %dma_wait3A_245 = tpu.memref_squeeze %dma_wait3A_244 : memref<1x128xi32, #tpu.memory_space<vmem>> -> memref<128xi32, #tpu.memory_space<vmem>>
    %dma_wait3A_246 = arith.constant 0 : i32
    %dma_wait3A_247 = arith.constant 0 : i32
    %dma_wait3A_248 = tpu.memref_slice %arg13[%dma_wait3A_246, %dma_wait3A_247] : memref<10000x128xf32, #tpu.memory_space<vmem_shared>> -> memref<10000x128xf32, #tpu.memory_space<vmem_shared>>
    tpu.wait_indirect_dma semaphore(%arg21 : memref<!tpu.dma_semaphore, #tpu.memory_space<semaphore_mem>>) src(%arg11 : memref<128x128xf32, #tpu.memory_space<vmem>>) dst(%dma_wait3A_248 : memref<10000x128xf32, #tpu.memory_space<vmem_shared>>)
    %dma_wait3A_249 = arith.constant 1 : i32
    %dma_wait3A_250 = arith.constant 0 : i32
    %dma_wait3A_251 = tpu.memref_slice %arg8[%dma_wait3A_249, %dma_wait3A_250] : memref<2x128xi32, #tpu.memory_space<vmem>> -> memref<1x128xi32, #tpu.memory_space<vmem>>
    %dma_wait3A_252 = tpu.memref_squeeze %dma_wait3A_251 : memref<1x128xi32, #tpu.memory_space<vmem>> -> memref<128xi32, #tpu.memory_space<vmem>>
    %dma_wait3A_253 = arith.constant 0 : i32
    %dma_wait3A_254 = tpu.memref_slice %arg26[%dma_wait3A_253] : memref<10000xf32, #tpu.memory_space<vmem_shared>> -> memref<10000xf32, #tpu.memory_space<vmem_shared>>
    tpu.wait_indirect_dma semaphore(%arg21 : memref<!tpu.dma_semaphore, #tpu.memory_space<semaphore_mem>>) src(%arg23 : memref<128xf32, #tpu.memory_space<vmem>>) dst(%dma_wait3A_254 : memref<10000xf32, #tpu.memory_space<vmem_shared>>)
    %dma_wait3A_255 = arith.constant 1 : i32
    %dma_wait3A_256 = arith.constant 0 : i32
    %dma_wait3A_257 = tpu.memref_slice %arg9[%dma_wait3A_255, %dma_wait3A_256] : memref<2x128xi32, #tpu.memory_space<vmem>> -> memref<1x128xi32, #tpu.memory_space<vmem>>
    %dma_wait3A_258 = tpu.memref_squeeze %dma_wait3A_257 : memref<1x128xi32, #tpu.memory_space<vmem>> -> memref<128xi32, #tpu.memory_space<vmem>>
    %dma_wait3A_259 = arith.constant 0 : i32
    %dma_wait3A_260 = arith.constant 0 : i32
    %dma_wait3A_261 = tpu.memref_slice %arg13[%dma_wait3A_259, %dma_wait3A_260] : memref<10000x128xf32, #tpu.memory_space<vmem_shared>> -> memref<10000x128xf32, #tpu.memory_space<vmem_shared>>
    tpu.wait_indirect_dma semaphore(%arg22 : memref<!tpu.dma_semaphore, #tpu.memory_space<semaphore_mem>>) src(%arg12 : memref<128x128xf32, #tpu.memory_space<vmem>>) dst(%dma_wait3A_261 : memref<10000x128xf32, #tpu.memory_space<vmem_shared>>)
    %dma_wait3A_262 = arith.constant 1 : i32
    %dma_wait3A_263 = arith.constant 0 : i32
    %dma_wait3A_264 = tpu.memref_slice %arg9[%dma_wait3A_262, %dma_wait3A_263] : memref<2x128xi32, #tpu.memory_space<vmem>> -> memref<1x128xi32, #tpu.memory_space<vmem>>
    %dma_wait3A_265 = tpu.memref_squeeze %dma_wait3A_264 : memref<1x128xi32, #tpu.memory_space<vmem>> -> memref<128xi32, #tpu.memory_space<vmem>>
    %dma_wait3A_266 = arith.constant 0 : i32
    %dma_wait3A_267 = tpu.memref_slice %arg26[%dma_wait3A_266] : memref<10000xf32, #tpu.memory_space<vmem_shared>> -> memref<10000xf32, #tpu.memory_space<vmem_shared>>
    tpu.wait_indirect_dma semaphore(%arg22 : memref<!tpu.dma_semaphore, #tpu.memory_space<semaphore_mem>>) src(%arg23 : memref<128xf32, #tpu.memory_space<vmem>>) dst(%dma_wait3A_267 : memref<10000xf32, #tpu.memory_space<vmem_shared>>)
    %lt3A = arith.constant 4 : i32
    %lt3A_268 = arith.cmpi slt, %add3A, %lt3A : i32
    %convert_element_type3A_269 = arith.extui %lt3A_268 : i1 to i32
    %cond3A_270 = arith.constant 0 : i32
    %cond3A_271 = arith.cmpi ne, %convert_element_type3A_269, %cond3A_270 : i32
    scf.if %cond3A_271 {
      %add3A_299 = arith.constant 2496 : i32
      %add3A_300 = arith.addi %add3A_299, %add3A : i32
      %mul3A_301 = arith.constant 128 : i32
      %mul3A_302 = arith.muli %add3A_300, %mul3A_301 : i32
      %dma_start3A_303 = arith.constant 0 : i32
      %dma_start3A_304 = tpu.memref_slice %arg3[%dma_start3A_303, %mul3A_302] : memref<2x320000xi32, #tpu.memory_space<hbm>> -> memref<2x128xi32, #tpu.memory_space<hbm>>
      %dma_start3A_305 = arith.constant 0 : i32
      %dma_start3A_306 = tpu.memref_slice %arg3[%dma_start3A_305, %mul3A_302] : memref<2x320000xi32, #tpu.memory_space<hbm>> -> memref<2x128xi32, #tpu.memory_space<hbm>>
      tpu.enqueue_dma source(%dma_start3A_306 : memref<2x128xi32, #tpu.memory_space<hbm>>) target(%arg7 : memref<2x128xi32, #tpu.memory_space<vmem>>) target_semaphore(%arg14 : memref<!tpu.dma_semaphore, #tpu.memory_space<semaphore_mem>>)
      %dma_wait3A_307 = arith.constant 0 : i32
      %dma_wait3A_308 = arith.constant 0 : i32
      %dma_wait3A_309 = tpu.memref_slice %arg3[%dma_wait3A_307, %dma_wait3A_308] : memref<2x320000xi32, #tpu.memory_space<hbm>> -> memref<2x128xi32, #tpu.memory_space<hbm>>
      %dma_wait3A_310 = arith.constant 0 : i32
      %dma_wait3A_311 = arith.constant 0 : i32
      %dma_wait3A_312 = tpu.memref_slice %arg3[%dma_wait3A_310, %dma_wait3A_311] : memref<2x320000xi32, #tpu.memory_space<hbm>> -> memref<2x128xi32, #tpu.memory_space<hbm>>
      tpu.wait_dma2 semaphore(%arg14 : memref<!tpu.dma_semaphore, #tpu.memory_space<semaphore_mem>>) src(%dma_wait3A_312 : memref<2x128xi32, #tpu.memory_space<hbm>>) dst(%arg7 : memref<2x128xi32, #tpu.memory_space<vmem>>)
      %dma_start3A_313 = arith.constant 0 : i32
      %dma_start3A_314 = arith.constant 0 : i32
      %dma_start3A_315 = tpu.memref_slice %arg7[%dma_start3A_313, %dma_start3A_314] : memref<2x128xi32, #tpu.memory_space<vmem>> -> memref<1x128xi32, #tpu.memory_space<vmem>>
      %dma_start3A_316 = tpu.memref_squeeze %dma_start3A_315 : memref<1x128xi32, #tpu.memory_space<vmem>> -> memref<128xi32, #tpu.memory_space<vmem>>
      %dma_start3A_317 = arith.constant 0 : i32
      %dma_start3A_318 = arith.constant 0 : i32
      %dma_start3A_319 = tpu.memref_slice %arg2[%dma_start3A_317, %dma_start3A_318] : memref<10000x128xf32, #tpu.memory_space<hbm>> -> memref<10000x128xf32, #tpu.memory_space<hbm>>
      tpu.enqueue_indirect_dma source(%dma_start3A_319 : memref<10000x128xf32, #tpu.memory_space<hbm>>) target(%arg10 : memref<128x128xf32, #tpu.memory_space<vmem>>) offsets(%dma_start3A_316 : memref<128xi32, #tpu.memory_space<vmem>>) semaphore(%arg17 : memref<!tpu.dma_semaphore, #tpu.memory_space<semaphore_mem>>)
      %dma_wait3A_320 = arith.constant 0 : i32
      %dma_wait3A_321 = arith.constant 0 : i32
      %dma_wait3A_322 = tpu.memref_slice %arg7[%dma_wait3A_320, %dma_wait3A_321] : memref<2x128xi32, #tpu.memory_space<vmem>> -> memref<1x128xi32, #tpu.memory_space<vmem>>
      %dma_wait3A_323 = tpu.memref_squeeze %dma_wait3A_322 : memref<1x128xi32, #tpu.memory_space<vmem>> -> memref<128xi32, #tpu.memory_space<vmem>>
      %dma_wait3A_324 = arith.constant 0 : i32
      %dma_wait3A_325 = arith.constant 0 : i32
      %dma_wait3A_326 = tpu.memref_slice %arg2[%dma_wait3A_324, %dma_wait3A_325] : memref<10000x128xf32, #tpu.memory_space<hbm>> -> memref<10000x128xf32, #tpu.memory_space<hbm>>
      tpu.wait_indirect_dma semaphore(%arg17 : memref<!tpu.dma_semaphore, #tpu.memory_space<semaphore_mem>>) src(%dma_wait3A_326 : memref<10000x128xf32, #tpu.memory_space<hbm>>) dst(%arg10 : memref<128x128xf32, #tpu.memory_space<vmem>>)
      %dma_start3A_327 = arith.constant 1 : i32
      %dma_start3A_328 = arith.constant 0 : i32
      %dma_start3A_329 = tpu.memref_slice %arg7[%dma_start3A_327, %dma_start3A_328] : memref<2x128xi32, #tpu.memory_space<vmem>> -> memref<1x128xi32, #tpu.memory_space<vmem>>
      %dma_start3A_330 = tpu.memref_squeeze %dma_start3A_329 : memref<1x128xi32, #tpu.memory_space<vmem>> -> memref<128xi32, #tpu.memory_space<vmem>>
      %dma_start3A_331 = arith.constant 0 : i32
      %dma_start3A_332 = arith.constant 0 : i32
      %dma_start3A_333 = tpu.memref_slice %arg13[%dma_start3A_331, %dma_start3A_332] : memref<10000x128xf32, #tpu.memory_space<vmem_shared>> -> memref<10000x128xf32, #tpu.memory_space<vmem_shared>>
      tpu.enqueue_indirect_dma source(%arg10 : memref<128x128xf32, #tpu.memory_space<vmem>>) target(%dma_start3A_333 : memref<10000x128xf32, #tpu.memory_space<vmem_shared>>) offsets(%dma_start3A_330 : memref<128xi32, #tpu.memory_space<vmem>>) semaphore(%arg20 : memref<!tpu.dma_semaphore, #tpu.memory_space<semaphore_mem>>) {add = true}
      %dma_start3A_334 = arith.constant 1 : i32
      %dma_start3A_335 = arith.constant 0 : i32
      %dma_start3A_336 = tpu.memref_slice %arg7[%dma_start3A_334, %dma_start3A_335] : memref<2x128xi32, #tpu.memory_space<vmem>> -> memref<1x128xi32, #tpu.memory_space<vmem>>
      %dma_start3A_337 = tpu.memref_squeeze %dma_start3A_336 : memref<1x128xi32, #tpu.memory_space<vmem>> -> memref<128xi32, #tpu.memory_space<vmem>>
      %dma_start3A_338 = arith.constant 0 : i32
      %dma_start3A_339 = tpu.memref_slice %arg26[%dma_start3A_338] : memref<10000xf32, #tpu.memory_space<vmem_shared>> -> memref<10000xf32, #tpu.memory_space<vmem_shared>>
      tpu.enqueue_indirect_dma source(%arg23 : memref<128xf32, #tpu.memory_space<vmem>>) target(%dma_start3A_339 : memref<10000xf32, #tpu.memory_space<vmem_shared>>) offsets(%dma_start3A_337 : memref<128xi32, #tpu.memory_space<vmem>>) semaphore(%arg20 : memref<!tpu.dma_semaphore, #tpu.memory_space<semaphore_mem>>) {add = true}
      %dma_wait3A_340 = arith.constant 1 : i32
      %dma_wait3A_341 = arith.constant 0 : i32
      %dma_wait3A_342 = tpu.memref_slice %arg7[%dma_wait3A_340, %dma_wait3A_341] : memref<2x128xi32, #tpu.memory_space<vmem>> -> memref<1x128xi32, #tpu.memory_space<vmem>>
      %dma_wait3A_343 = tpu.memref_squeeze %dma_wait3A_342 : memref<1x128xi32, #tpu.memory_space<vmem>> -> memref<128xi32, #tpu.memory_space<vmem>>
      %dma_wait3A_344 = arith.constant 0 : i32
      %dma_wait3A_345 = arith.constant 0 : i32
      %dma_wait3A_346 = tpu.memref_slice %arg13[%dma_wait3A_344, %dma_wait3A_345] : memref<10000x128xf32, #tpu.memory_space<vmem_shared>> -> memref<10000x128xf32, #tpu.memory_space<vmem_shared>>
      tpu.wait_indirect_dma semaphore(%arg20 : memref<!tpu.dma_semaphore, #tpu.memory_space<semaphore_mem>>) src(%arg10 : memref<128x128xf32, #tpu.memory_space<vmem>>) dst(%dma_wait3A_346 : memref<10000x128xf32, #tpu.memory_space<vmem_shared>>)
      %dma_wait3A_347 = arith.constant 1 : i32
      %dma_wait3A_348 = arith.constant 0 : i32
      %dma_wait3A_349 = tpu.memref_slice %arg7[%dma_wait3A_347, %dma_wait3A_348] : memref<2x128xi32, #tpu.memory_space<vmem>> -> memref<1x128xi32, #tpu.memory_space<vmem>>
      %dma_wait3A_350 = tpu.memref_squeeze %dma_wait3A_349 : memref<1x128xi32, #tpu.memory_space<vmem>> -> memref<128xi32, #tpu.memory_space<vmem>>
      %dma_wait3A_351 = arith.constant 0 : i32
      %dma_wait3A_352 = tpu.memref_slice %arg26[%dma_wait3A_351] : memref<10000xf32, #tpu.memory_space<vmem_shared>> -> memref<10000xf32, #tpu.memory_space<vmem_shared>>
      tpu.wait_indirect_dma semaphore(%arg20 : memref<!tpu.dma_semaphore, #tpu.memory_space<semaphore_mem>>) src(%arg23 : memref<128xf32, #tpu.memory_space<vmem>>) dst(%dma_wait3A_352 : memref<10000xf32, #tpu.memory_space<vmem_shared>>)
    } else {
    }
    %barrier3A_272 = arith.constant 0 : index
    tpu.barrier barrier_id(%barrier3A_272)
    %mul3A_273 = arith.constant 624 : i32
    %mul3A_274 = arith.muli %arg1, %mul3A_273 : i32
    %mul3A_275 = arith.constant 624 : i32
    %mul3A_276 = arith.muli %arg1, %mul3A_275 : i32
    %mul3A_277 = arith.constant 128 : i32
    %mul3A_278 = arith.muli %arg0, %mul3A_277 : i32
    "tpu.region"() ({
      %run_scoped3A = tpu.sem_alloc : memref<!tpu.dma_semaphore, #tpu.memory_space<semaphore_mem>>
      %dma_start3A_299 = tpu.memref_slice %arg4[%mul3A_276, %mul3A_278] : memref<10000x256xf32, #tpu.memory_space<hbm>> -> memref<624x128xf32, #tpu.memory_space<hbm>>
      %dma_start3A_300 = arith.constant 0 : i32
      %dma_start3A_301 = tpu.memref_slice %arg13[%mul3A_274, %dma_start3A_300] : memref<10000x128xf32, #tpu.memory_space<vmem_shared>> -> memref<624x128xf32, #tpu.memory_space<vmem_shared>>
      tpu.enqueue_dma source(%dma_start3A_301 : memref<624x128xf32, #tpu.memory_space<vmem_shared>>) target(%dma_start3A_299 : memref<624x128xf32, #tpu.memory_space<hbm>>) target_semaphore(%run_scoped3A : memref<!tpu.dma_semaphore, #tpu.memory_space<semaphore_mem>>)
      %dma_wait3A_302 = tpu.memref_slice %arg4[%mul3A_276, %mul3A_278] : memref<10000x256xf32, #tpu.memory_space<hbm>> -> memref<624x128xf32, #tpu.memory_space<hbm>>
      %dma_wait3A_303 = arith.constant 0 : i32
      %dma_wait3A_304 = tpu.memref_slice %arg13[%mul3A_274, %dma_wait3A_303] : memref<10000x128xf32, #tpu.memory_space<vmem_shared>> -> memref<624x128xf32, #tpu.memory_space<vmem_shared>>
      tpu.wait_dma2 semaphore(%run_scoped3A : memref<!tpu.dma_semaphore, #tpu.memory_space<semaphore_mem>>) src(%dma_wait3A_304 : memref<624x128xf32, #tpu.memory_space<vmem_shared>>) dst(%dma_wait3A_302 : memref<624x128xf32, #tpu.memory_space<hbm>>)
      tpu.yield
    }) : () -> ()
    %eq3A_279 = arith.constant 15 : i32
    %eq3A_280 = arith.cmpi eq, %arg1, %eq3A_279 : i32
    %convert_element_type3A_281 = arith.extui %eq3A_280 : i1 to i32
    %cond3A_282 = arith.constant 0 : i32
    %cond3A_283 = arith.cmpi ne, %convert_element_type3A_281, %cond3A_282 : i32
    scf.if %cond3A_283 {
      %mul3A_299 = arith.constant 128 : i32
      %mul3A_300 = arith.muli %arg0, %mul3A_299 : i32
      "tpu.region"() ({
        %run_scoped3A = tpu.sem_alloc : memref<!tpu.dma_semaphore, #tpu.memory_space<semaphore_mem>>
        %dma_start3A_301 = arith.constant 9984 : i32
        %dma_start3A_302 = tpu.memref_slice %arg4[%dma_start3A_301, %mul3A_300] : memref<10000x256xf32, #tpu.memory_space<hbm>> -> memref<16x128xf32, #tpu.memory_space<hbm>>
        %dma_start3A_303 = arith.constant 9984 : i32
        %dma_start3A_304 = arith.constant 0 : i32
        %dma_start3A_305 = tpu.memref_slice %arg13[%dma_start3A_303, %dma_start3A_304] : memref<10000x128xf32, #tpu.memory_space<vmem_shared>> -> memref<16x128xf32, #tpu.memory_space<vmem_shared>>
        tpu.enqueue_dma source(%dma_start3A_305 : memref<16x128xf32, #tpu.memory_space<vmem_shared>>) target(%dma_start3A_302 : memref<16x128xf32, #tpu.memory_space<hbm>>) target_semaphore(%run_scoped3A : memref<!tpu.dma_semaphore, #tpu.memory_space<semaphore_mem>>)
        %dma_wait3A_306 = arith.constant 9984 : i32
        %dma_wait3A_307 = tpu.memref_slice %arg4[%dma_wait3A_306, %mul3A_300] : memref<10000x256xf32, #tpu.memory_space<hbm>> -> memref<16x128xf32, #tpu.memory_space<hbm>>
        %dma_wait3A_308 = arith.constant 9984 : i32
        %dma_wait3A_309 = arith.constant 0 : i32
        %dma_wait3A_310 = tpu.memref_slice %arg13[%dma_wait3A_308, %dma_wait3A_309] : memref<10000x128xf32, #tpu.memory_space<vmem_shared>> -> memref<16x128xf32, #tpu.memory_space<vmem_shared>>
        tpu.wait_dma2 semaphore(%run_scoped3A : memref<!tpu.dma_semaphore, #tpu.memory_space<semaphore_mem>>) src(%dma_wait3A_310 : memref<16x128xf32, #tpu.memory_space<vmem_shared>>) dst(%dma_wait3A_307 : memref<16x128xf32, #tpu.memory_space<hbm>>)
        tpu.yield
      }) : () -> ()
    } else {
    }
    %eq3A_284 = arith.constant 0 : i32
    %eq3A_285 = arith.cmpi eq, %arg0, %eq3A_284 : i32
    %convert_element_type3A_286 = arith.extui %eq3A_285 : i1 to i32
    %cond3A_287 = arith.constant 0 : i32
    %cond3A_288 = arith.cmpi ne, %convert_element_type3A_286, %cond3A_287 : i32
    scf.if %cond3A_288 {
      %mul3A_299 = arith.constant 624 : i32
      %mul3A_300 = arith.muli %arg1, %mul3A_299 : i32
      %add3A_301 = arith.constant 0 : i32
      %add3A_302 = arith.addi %mul3A_300, %add3A_301 : i32
      "tpu.region"() ({
        %run_scoped3A = tpu.sem_alloc : memref<!tpu.dma_semaphore, #tpu.memory_space<semaphore_mem>>
        %dma_start3A_323 = tpu.memref_slice %arg26[%add3A_302] : memref<10000xf32, #tpu.memory_space<vmem_shared>> -> memref<208xf32, #tpu.memory_space<vmem_shared>>
        %dma_start3A_324 = tpu.memref_slice %arg26[%add3A_302] : memref<10000xf32, #tpu.memory_space<vmem_shared>> -> memref<208xf32, #tpu.memory_space<vmem_shared>>
        tpu.enqueue_dma source(%dma_start3A_324 : memref<208xf32, #tpu.memory_space<vmem_shared>>) target(%arg24 : memref<208xf32, #tpu.memory_space<vmem>>) target_semaphore(%run_scoped3A : memref<!tpu.dma_semaphore, #tpu.memory_space<semaphore_mem>>)
        %dma_wait3A_325 = tpu.memref_slice %arg26[%add3A_302] : memref<10000xf32, #tpu.memory_space<vmem_shared>> -> memref<208xf32, #tpu.memory_space<vmem_shared>>
        %dma_wait3A_326 = tpu.memref_slice %arg26[%add3A_302] : memref<10000xf32, #tpu.memory_space<vmem_shared>> -> memref<208xf32, #tpu.memory_space<vmem_shared>>
        tpu.wait_dma2 semaphore(%run_scoped3A : memref<!tpu.dma_semaphore, #tpu.memory_space<semaphore_mem>>) src(%dma_wait3A_326 : memref<208xf32, #tpu.memory_space<vmem_shared>>) dst(%arg24 : memref<208xf32, #tpu.memory_space<vmem>>)
        tpu.yield
      }) : () -> ()
      %mul3A_303 = arith.constant 624 : i32
      %mul3A_304 = arith.muli %arg1, %mul3A_303 : i32
      %add3A_305 = arith.constant 0 : i32
      %add3A_306 = arith.addi %mul3A_304, %add3A_305 : i32
      "tpu.region"() ({
        %run_scoped3A = tpu.sem_alloc : memref<!tpu.dma_semaphore, #tpu.memory_space<semaphore_mem>>
        %dma_start3A_323 = tpu.memref_slice %arg5[%add3A_306] : memref<10000xf32, #tpu.memory_space<hbm>> -> memref<208xf32, #tpu.memory_space<hbm>>
        %dma_start3A_324 = tpu.memref_slice %arg5[%add3A_306] : memref<10000xf32, #tpu.memory_space<hbm>> -> memref<208xf32, #tpu.memory_space<hbm>>
        tpu.enqueue_dma source(%arg24 : memref<208xf32, #tpu.memory_space<vmem>>) target(%dma_start3A_324 : memref<208xf32, #tpu.memory_space<hbm>>) target_semaphore(%run_scoped3A : memref<!tpu.dma_semaphore, #tpu.memory_space<semaphore_mem>>)
        %dma_wait3A_325 = tpu.memref_slice %arg5[%add3A_306] : memref<10000xf32, #tpu.memory_space<hbm>> -> memref<208xf32, #tpu.memory_space<hbm>>
        %dma_wait3A_326 = tpu.memref_slice %arg5[%add3A_306] : memref<10000xf32, #tpu.memory_space<hbm>> -> memref<208xf32, #tpu.memory_space<hbm>>
        tpu.wait_dma2 semaphore(%run_scoped3A : memref<!tpu.dma_semaphore, #tpu.memory_space<semaphore_mem>>) src(%arg24 : memref<208xf32, #tpu.memory_space<vmem>>) dst(%dma_wait3A_326 : memref<208xf32, #tpu.memory_space<hbm>>)
        tpu.yield
      }) : () -> ()
      %mul3A_307 = arith.constant 624 : i32
      %mul3A_308 = arith.muli %arg1, %mul3A_307 : i32
      %add3A_309 = arith.constant 208 : i32
      %add3A_310 = arith.addi %mul3A_308, %add3A_309 : i32
      "tpu.region"() ({
        %run_scoped3A = tpu.sem_alloc : memref<!tpu.dma_semaphore, #tpu.memory_space<semaphore_mem>>
        %dma_start3A_323 = tpu.memref_slice %arg26[%add3A_310] : memref<10000xf32, #tpu.memory_space<vmem_shared>> -> memref<208xf32, #tpu.memory_space<vmem_shared>>
        %dma_start3A_324 = tpu.memref_slice %arg26[%add3A_310] : memref<10000xf32, #tpu.memory_space<vmem_shared>> -> memref<208xf32, #tpu.memory_space<vmem_shared>>
        tpu.enqueue_dma source(%dma_start3A_324 : memref<208xf32, #tpu.memory_space<vmem_shared>>) target(%arg24 : memref<208xf32, #tpu.memory_space<vmem>>) target_semaphore(%run_scoped3A : memref<!tpu.dma_semaphore, #tpu.memory_space<semaphore_mem>>)
        %dma_wait3A_325 = tpu.memref_slice %arg26[%add3A_310] : memref<10000xf32, #tpu.memory_space<vmem_shared>> -> memref<208xf32, #tpu.memory_space<vmem_shared>>
        %dma_wait3A_326 = tpu.memref_slice %arg26[%add3A_310] : memref<10000xf32, #tpu.memory_space<vmem_shared>> -> memref<208xf32, #tpu.memory_space<vmem_shared>>
        tpu.wait_dma2 semaphore(%run_scoped3A : memref<!tpu.dma_semaphore, #tpu.memory_space<semaphore_mem>>) src(%dma_wait3A_326 : memref<208xf32, #tpu.memory_space<vmem_shared>>) dst(%arg24 : memref<208xf32, #tpu.memory_space<vmem>>)
        tpu.yield
      }) : () -> ()
      %mul3A_311 = arith.constant 624 : i32
      %mul3A_312 = arith.muli %arg1, %mul3A_311 : i32
      %add3A_313 = arith.constant 208 : i32
      %add3A_314 = arith.addi %mul3A_312, %add3A_313 : i32
      "tpu.region"() ({
        %run_scoped3A = tpu.sem_alloc : memref<!tpu.dma_semaphore, #tpu.memory_space<semaphore_mem>>
        %dma_start3A_323 = tpu.memref_slice %arg5[%add3A_314] : memref<10000xf32, #tpu.memory_space<hbm>> -> memref<208xf32, #tpu.memory_space<hbm>>
        %dma_start3A_324 = tpu.memref_slice %arg5[%add3A_314] : memref<10000xf32, #tpu.memory_space<hbm>> -> memref<208xf32, #tpu.memory_space<hbm>>
        tpu.enqueue_dma source(%arg24 : memref<208xf32, #tpu.memory_space<vmem>>) target(%dma_start3A_324 : memref<208xf32, #tpu.memory_space<hbm>>) target_semaphore(%run_scoped3A : memref<!tpu.dma_semaphore, #tpu.memory_space<semaphore_mem>>)
        %dma_wait3A_325 = tpu.memref_slice %arg5[%add3A_314] : memref<10000xf32, #tpu.memory_space<hbm>> -> memref<208xf32, #tpu.memory_space<hbm>>
        %dma_wait3A_326 = tpu.memref_slice %arg5[%add3A_314] : memref<10000xf32, #tpu.memory_space<hbm>> -> memref<208xf32, #tpu.memory_space<hbm>>
        tpu.wait_dma2 semaphore(%run_scoped3A : memref<!tpu.dma_semaphore, #tpu.memory_space<semaphore_mem>>) src(%arg24 : memref<208xf32, #tpu.memory_space<vmem>>) dst(%dma_wait3A_326 : memref<208xf32, #tpu.memory_space<hbm>>)
        tpu.yield
      }) : () -> ()
      %mul3A_315 = arith.constant 624 : i32
      %mul3A_316 = arith.muli %arg1, %mul3A_315 : i32
      %add3A_317 = arith.constant 416 : i32
      %add3A_318 = arith.addi %mul3A_316, %add3A_317 : i32
      "tpu.region"() ({
        %run_scoped3A = tpu.sem_alloc : memref<!tpu.dma_semaphore, #tpu.memory_space<semaphore_mem>>
        %dma_start3A_323 = tpu.memref_slice %arg26[%add3A_318] : memref<10000xf32, #tpu.memory_space<vmem_shared>> -> memref<208xf32, #tpu.memory_space<vmem_shared>>
        %dma_start3A_324 = tpu.memref_slice %arg26[%add3A_318] : memref<10000xf32, #tpu.memory_space<vmem_shared>> -> memref<208xf32, #tpu.memory_space<vmem_shared>>
        tpu.enqueue_dma source(%dma_start3A_324 : memref<208xf32, #tpu.memory_space<vmem_shared>>) target(%arg24 : memref<208xf32, #tpu.memory_space<vmem>>) target_semaphore(%run_scoped3A : memref<!tpu.dma_semaphore, #tpu.memory_space<semaphore_mem>>)
        %dma_wait3A_325 = tpu.memref_slice %arg26[%add3A_318] : memref<10000xf32, #tpu.memory_space<vmem_shared>> -> memref<208xf32, #tpu.memory_space<vmem_shared>>
        %dma_wait3A_326 = tpu.memref_slice %arg26[%add3A_318] : memref<10000xf32, #tpu.memory_space<vmem_shared>> -> memref<208xf32, #tpu.memory_space<vmem_shared>>
        tpu.wait_dma2 semaphore(%run_scoped3A : memref<!tpu.dma_semaphore, #tpu.memory_space<semaphore_mem>>) src(%dma_wait3A_326 : memref<208xf32, #tpu.memory_space<vmem_shared>>) dst(%arg24 : memref<208xf32, #tpu.memory_space<vmem>>)
        tpu.yield
      }) : () -> ()
      %mul3A_319 = arith.constant 624 : i32
      %mul3A_320 = arith.muli %arg1, %mul3A_319 : i32
      %add3A_321 = arith.constant 416 : i32
      %add3A_322 = arith.addi %mul3A_320, %add3A_321 : i32
      "tpu.region"() ({
        %run_scoped3A = tpu.sem_alloc : memref<!tpu.dma_semaphore, #tpu.memory_space<semaphore_mem>>
        %dma_start3A_323 = tpu.memref_slice %arg5[%add3A_322] : memref<10000xf32, #tpu.memory_space<hbm>> -> memref<208xf32, #tpu.memory_space<hbm>>
        %dma_start3A_324 = tpu.memref_slice %arg5[%add3A_322] : memref<10000xf32, #tpu.memory_space<hbm>> -> memref<208xf32, #tpu.memory_space<hbm>>
        tpu.enqueue_dma source(%arg24 : memref<208xf32, #tpu.memory_space<vmem>>) target(%dma_start3A_324 : memref<208xf32, #tpu.memory_space<hbm>>) target_semaphore(%run_scoped3A : memref<!tpu.dma_semaphore, #tpu.memory_space<semaphore_mem>>)
        %dma_wait3A_325 = tpu.memref_slice %arg5[%add3A_322] : memref<10000xf32, #tpu.memory_space<hbm>> -> memref<208xf32, #tpu.memory_space<hbm>>
        %dma_wait3A_326 = tpu.memref_slice %arg5[%add3A_322] : memref<10000xf32, #tpu.memory_space<hbm>> -> memref<208xf32, #tpu.memory_space<hbm>>
        tpu.wait_dma2 semaphore(%run_scoped3A : memref<!tpu.dma_semaphore, #tpu.memory_space<semaphore_mem>>) src(%arg24 : memref<208xf32, #tpu.memory_space<vmem>>) dst(%dma_wait3A_326 : memref<208xf32, #tpu.memory_space<hbm>>)
        tpu.yield
      }) : () -> ()
    } else {
    }
    %eq3A_289 = arith.constant 1 : i32
    %eq3A_290 = arith.cmpi eq, %arg0, %eq3A_289 : i32
    %convert_element_type3A_291 = arith.extui %eq3A_290 : i1 to i32
    %cond3A_292 = arith.constant 0 : i32
    %cond3A_293 = arith.cmpi ne, %convert_element_type3A_291, %cond3A_292 : i32
    scf.if %cond3A_293 {
      %mul3A_299 = arith.constant 624 : i32
      %mul3A_300 = arith.muli %arg1, %mul3A_299 : i32
      %add3A_301 = arith.constant 0 : i32
      %add3A_302 = arith.addi %mul3A_300, %add3A_301 : i32
      "tpu.region"() ({
        %run_scoped3A = tpu.sem_alloc : memref<!tpu.dma_semaphore, #tpu.memory_space<semaphore_mem>>
        %dma_start3A_323 = tpu.memref_slice %arg26[%add3A_302] : memref<10000xf32, #tpu.memory_space<vmem_shared>> -> memref<208xf32, #tpu.memory_space<vmem_shared>>
        %dma_start3A_324 = tpu.memref_slice %arg26[%add3A_302] : memref<10000xf32, #tpu.memory_space<vmem_shared>> -> memref<208xf32, #tpu.memory_space<vmem_shared>>
        tpu.enqueue_dma source(%dma_start3A_324 : memref<208xf32, #tpu.memory_space<vmem_shared>>) target(%arg24 : memref<208xf32, #tpu.memory_space<vmem>>) target_semaphore(%run_scoped3A : memref<!tpu.dma_semaphore, #tpu.memory_space<semaphore_mem>>)
        %dma_wait3A_325 = tpu.memref_slice %arg26[%add3A_302] : memref<10000xf32, #tpu.memory_space<vmem_shared>> -> memref<208xf32, #tpu.memory_space<vmem_shared>>
        %dma_wait3A_326 = tpu.memref_slice %arg26[%add3A_302] : memref<10000xf32, #tpu.memory_space<vmem_shared>> -> memref<208xf32, #tpu.memory_space<vmem_shared>>
        tpu.wait_dma2 semaphore(%run_scoped3A : memref<!tpu.dma_semaphore, #tpu.memory_space<semaphore_mem>>) src(%dma_wait3A_326 : memref<208xf32, #tpu.memory_space<vmem_shared>>) dst(%arg24 : memref<208xf32, #tpu.memory_space<vmem>>)
        tpu.yield
      }) : () -> ()
      %mul3A_303 = arith.constant 624 : i32
      %mul3A_304 = arith.muli %arg1, %mul3A_303 : i32
      %add3A_305 = arith.constant 0 : i32
      %add3A_306 = arith.addi %mul3A_304, %add3A_305 : i32
      "tpu.region"() ({
        %run_scoped3A = tpu.sem_alloc : memref<!tpu.dma_semaphore, #tpu.memory_space<semaphore_mem>>
        %dma_start3A_323 = tpu.memref_slice %arg6[%add3A_306] : memref<10000xf32, #tpu.memory_space<hbm>> -> memref<208xf32, #tpu.memory_space<hbm>>
        %dma_start3A_324 = tpu.memref_slice %arg6[%add3A_306] : memref<10000xf32, #tpu.memory_space<hbm>> -> memref<208xf32, #tpu.memory_space<hbm>>
        tpu.enqueue_dma source(%arg24 : memref<208xf32, #tpu.memory_space<vmem>>) target(%dma_start3A_324 : memref<208xf32, #tpu.memory_space<hbm>>) target_semaphore(%run_scoped3A : memref<!tpu.dma_semaphore, #tpu.memory_space<semaphore_mem>>)
        %dma_wait3A_325 = tpu.memref_slice %arg6[%add3A_306] : memref<10000xf32, #tpu.memory_space<hbm>> -> memref<208xf32, #tpu.memory_space<hbm>>
        %dma_wait3A_326 = tpu.memref_slice %arg6[%add3A_306] : memref<10000xf32, #tpu.memory_space<hbm>> -> memref<208xf32, #tpu.memory_space<hbm>>
        tpu.wait_dma2 semaphore(%run_scoped3A : memref<!tpu.dma_semaphore, #tpu.memory_space<semaphore_mem>>) src(%arg24 : memref<208xf32, #tpu.memory_space<vmem>>) dst(%dma_wait3A_326 : memref<208xf32, #tpu.memory_space<hbm>>)
        tpu.yield
      }) : () -> ()
      %mul3A_307 = arith.constant 624 : i32
      %mul3A_308 = arith.muli %arg1, %mul3A_307 : i32
      %add3A_309 = arith.constant 208 : i32
      %add3A_310 = arith.addi %mul3A_308, %add3A_309 : i32
      "tpu.region"() ({
        %run_scoped3A = tpu.sem_alloc : memref<!tpu.dma_semaphore, #tpu.memory_space<semaphore_mem>>
        %dma_start3A_323 = tpu.memref_slice %arg26[%add3A_310] : memref<10000xf32, #tpu.memory_space<vmem_shared>> -> memref<208xf32, #tpu.memory_space<vmem_shared>>
        %dma_start3A_324 = tpu.memref_slice %arg26[%add3A_310] : memref<10000xf32, #tpu.memory_space<vmem_shared>> -> memref<208xf32, #tpu.memory_space<vmem_shared>>
        tpu.enqueue_dma source(%dma_start3A_324 : memref<208xf32, #tpu.memory_space<vmem_shared>>) target(%arg24 : memref<208xf32, #tpu.memory_space<vmem>>) target_semaphore(%run_scoped3A : memref<!tpu.dma_semaphore, #tpu.memory_space<semaphore_mem>>)
        %dma_wait3A_325 = tpu.memref_slice %arg26[%add3A_310] : memref<10000xf32, #tpu.memory_space<vmem_shared>> -> memref<208xf32, #tpu.memory_space<vmem_shared>>
        %dma_wait3A_326 = tpu.memref_slice %arg26[%add3A_310] : memref<10000xf32, #tpu.memory_space<vmem_shared>> -> memref<208xf32, #tpu.memory_space<vmem_shared>>
        tpu.wait_dma2 semaphore(%run_scoped3A : memref<!tpu.dma_semaphore, #tpu.memory_space<semaphore_mem>>) src(%dma_wait3A_326 : memref<208xf32, #tpu.memory_space<vmem_shared>>) dst(%arg24 : memref<208xf32, #tpu.memory_space<vmem>>)
        tpu.yield
      }) : () -> ()
      %mul3A_311 = arith.constant 624 : i32
      %mul3A_312 = arith.muli %arg1, %mul3A_311 : i32
      %add3A_313 = arith.constant 208 : i32
      %add3A_314 = arith.addi %mul3A_312, %add3A_313 : i32
      "tpu.region"() ({
        %run_scoped3A = tpu.sem_alloc : memref<!tpu.dma_semaphore, #tpu.memory_space<semaphore_mem>>
        %dma_start3A_323 = tpu.memref_slice %arg6[%add3A_314] : memref<10000xf32, #tpu.memory_space<hbm>> -> memref<208xf32, #tpu.memory_space<hbm>>
        %dma_start3A_324 = tpu.memref_slice %arg6[%add3A_314] : memref<10000xf32, #tpu.memory_space<hbm>> -> memref<208xf32, #tpu.memory_space<hbm>>
        tpu.enqueue_dma source(%arg24 : memref<208xf32, #tpu.memory_space<vmem>>) target(%dma_start3A_324 : memref<208xf32, #tpu.memory_space<hbm>>) target_semaphore(%run_scoped3A : memref<!tpu.dma_semaphore, #tpu.memory_space<semaphore_mem>>)
        %dma_wait3A_325 = tpu.memref_slice %arg6[%add3A_314] : memref<10000xf32, #tpu.memory_space<hbm>> -> memref<208xf32, #tpu.memory_space<hbm>>
        %dma_wait3A_326 = tpu.memref_slice %arg6[%add3A_314] : memref<10000xf32, #tpu.memory_space<hbm>> -> memref<208xf32, #tpu.memory_space<hbm>>
        tpu.wait_dma2 semaphore(%run_scoped3A : memref<!tpu.dma_semaphore, #tpu.memory_space<semaphore_mem>>) src(%arg24 : memref<208xf32, #tpu.memory_space<vmem>>) dst(%dma_wait3A_326 : memref<208xf32, #tpu.memory_space<hbm>>)
        tpu.yield
      }) : () -> ()
      %mul3A_315 = arith.constant 624 : i32
      %mul3A_316 = arith.muli %arg1, %mul3A_315 : i32
      %add3A_317 = arith.constant 416 : i32
      %add3A_318 = arith.addi %mul3A_316, %add3A_317 : i32
      "tpu.region"() ({
        %run_scoped3A = tpu.sem_alloc : memref<!tpu.dma_semaphore, #tpu.memory_space<semaphore_mem>>
        %dma_start3A_323 = tpu.memref_slice %arg26[%add3A_318] : memref<10000xf32, #tpu.memory_space<vmem_shared>> -> memref<208xf32, #tpu.memory_space<vmem_shared>>
        %dma_start3A_324 = tpu.memref_slice %arg26[%add3A_318] : memref<10000xf32, #tpu.memory_space<vmem_shared>> -> memref<208xf32, #tpu.memory_space<vmem_shared>>
        tpu.enqueue_dma source(%dma_start3A_324 : memref<208xf32, #tpu.memory_space<vmem_shared>>) target(%arg24 : memref<208xf32, #tpu.memory_space<vmem>>) target_semaphore(%run_scoped3A : memref<!tpu.dma_semaphore, #tpu.memory_space<semaphore_mem>>)
        %dma_wait3A_325 = tpu.memref_slice %arg26[%add3A_318] : memref<10000xf32, #tpu.memory_space<vmem_shared>> -> memref<208xf32, #tpu.memory_space<vmem_shared>>
        %dma_wait3A_326 = tpu.memref_slice %arg26[%add3A_318] : memref<10000xf32, #tpu.memory_space<vmem_shared>> -> memref<208xf32, #tpu.memory_space<vmem_shared>>
        tpu.wait_dma2 semaphore(%run_scoped3A : memref<!tpu.dma_semaphore, #tpu.memory_space<semaphore_mem>>) src(%dma_wait3A_326 : memref<208xf32, #tpu.memory_space<vmem_shared>>) dst(%arg24 : memref<208xf32, #tpu.memory_space<vmem>>)
        tpu.yield
      }) : () -> ()
      %mul3A_319 = arith.constant 624 : i32
      %mul3A_320 = arith.muli %arg1, %mul3A_319 : i32
      %add3A_321 = arith.constant 416 : i32
      %add3A_322 = arith.addi %mul3A_320, %add3A_321 : i32
      "tpu.region"() ({
        %run_scoped3A = tpu.sem_alloc : memref<!tpu.dma_semaphore, #tpu.memory_space<semaphore_mem>>
        %dma_start3A_323 = tpu.memref_slice %arg6[%add3A_322] : memref<10000xf32, #tpu.memory_space<hbm>> -> memref<208xf32, #tpu.memory_space<hbm>>
        %dma_start3A_324 = tpu.memref_slice %arg6[%add3A_322] : memref<10000xf32, #tpu.memory_space<hbm>> -> memref<208xf32, #tpu.memory_space<hbm>>
        tpu.enqueue_dma source(%arg24 : memref<208xf32, #tpu.memory_space<vmem>>) target(%dma_start3A_324 : memref<208xf32, #tpu.memory_space<hbm>>) target_semaphore(%run_scoped3A : memref<!tpu.dma_semaphore, #tpu.memory_space<semaphore_mem>>)
        %dma_wait3A_325 = tpu.memref_slice %arg6[%add3A_322] : memref<10000xf32, #tpu.memory_space<hbm>> -> memref<208xf32, #tpu.memory_space<hbm>>
        %dma_wait3A_326 = tpu.memref_slice %arg6[%add3A_322] : memref<10000xf32, #tpu.memory_space<hbm>> -> memref<208xf32, #tpu.memory_space<hbm>>
        tpu.wait_dma2 semaphore(%run_scoped3A : memref<!tpu.dma_semaphore, #tpu.memory_space<semaphore_mem>>) src(%arg24 : memref<208xf32, #tpu.memory_space<vmem>>) dst(%dma_wait3A_326 : memref<208xf32, #tpu.memory_space<hbm>>)
        tpu.yield
      }) : () -> ()
    } else {
    }
    %eq3A_294 = arith.constant 15 : i32
    %eq3A_295 = arith.cmpi eq, %arg1, %eq3A_294 : i32
    %convert_element_type3A_296 = arith.extui %eq3A_295 : i1 to i32
    %cond3A_297 = arith.constant 0 : i32
    %cond3A_298 = arith.cmpi ne, %convert_element_type3A_296, %cond3A_297 : i32
    scf.if %cond3A_298 {
      "tpu.region"() ({
        %run_scoped3A = tpu.sem_alloc : memref<!tpu.dma_semaphore, #tpu.memory_space<semaphore_mem>>
        %dma_start3A_309 = arith.constant 9984 : i32
        %dma_start3A_310 = tpu.memref_slice %arg26[%dma_start3A_309] : memref<10000xf32, #tpu.memory_space<vmem_shared>> -> memref<16xf32, #tpu.memory_space<vmem_shared>>
        %dma_start3A_311 = arith.constant 9984 : i32
        %dma_start3A_312 = tpu.memref_slice %arg26[%dma_start3A_311] : memref<10000xf32, #tpu.memory_space<vmem_shared>> -> memref<16xf32, #tpu.memory_space<vmem_shared>>
        tpu.enqueue_dma source(%dma_start3A_312 : memref<16xf32, #tpu.memory_space<vmem_shared>>) target(%arg25 : memref<16xf32, #tpu.memory_space<vmem>>) target_semaphore(%run_scoped3A : memref<!tpu.dma_semaphore, #tpu.memory_space<semaphore_mem>>)
        %dma_wait3A_313 = arith.constant 9984 : i32
        %dma_wait3A_314 = tpu.memref_slice %arg26[%dma_wait3A_313] : memref<10000xf32, #tpu.memory_space<vmem_shared>> -> memref<16xf32, #tpu.memory_space<vmem_shared>>
        %dma_wait3A_315 = arith.constant 9984 : i32
        %dma_wait3A_316 = tpu.memref_slice %arg26[%dma_wait3A_315] : memref<10000xf32, #tpu.memory_space<vmem_shared>> -> memref<16xf32, #tpu.memory_space<vmem_shared>>
        tpu.wait_dma2 semaphore(%run_scoped3A : memref<!tpu.dma_semaphore, #tpu.memory_space<semaphore_mem>>) src(%dma_wait3A_316 : memref<16xf32, #tpu.memory_space<vmem_shared>>) dst(%arg25 : memref<16xf32, #tpu.memory_space<vmem>>)
        tpu.yield
      }) : () -> ()
      %eq3A_299 = arith.constant 0 : i32
      %eq3A_300 = arith.cmpi eq, %arg0, %eq3A_299 : i32
      %convert_element_type3A_301 = arith.extui %eq3A_300 : i1 to i32
      %cond3A_302 = arith.constant 0 : i32
      %cond3A_303 = arith.cmpi ne, %convert_element_type3A_301, %cond3A_302 : i32
      scf.if %cond3A_303 {
        "tpu.region"() ({
          %run_scoped3A = tpu.sem_alloc : memref<!tpu.dma_semaphore, #tpu.memory_space<semaphore_mem>>
          %dma_start3A_309 = arith.constant 9984 : i32
          %dma_start3A_310 = tpu.memref_slice %arg5[%dma_start3A_309] : memref<10000xf32, #tpu.memory_space<hbm>> -> memref<16xf32, #tpu.memory_space<hbm>>
          %dma_start3A_311 = arith.constant 9984 : i32
          %dma_start3A_312 = tpu.memref_slice %arg5[%dma_start3A_311] : memref<10000xf32, #tpu.memory_space<hbm>> -> memref<16xf32, #tpu.memory_space<hbm>>
          tpu.enqueue_dma source(%arg25 : memref<16xf32, #tpu.memory_space<vmem>>) target(%dma_start3A_312 : memref<16xf32, #tpu.memory_space<hbm>>) target_semaphore(%run_scoped3A : memref<!tpu.dma_semaphore, #tpu.memory_space<semaphore_mem>>)
          %dma_wait3A_313 = arith.constant 9984 : i32
          %dma_wait3A_314 = tpu.memref_slice %arg5[%dma_wait3A_313] : memref<10000xf32, #tpu.memory_space<hbm>> -> memref<16xf32, #tpu.memory_space<hbm>>
          %dma_wait3A_315 = arith.constant 9984 : i32
          %dma_wait3A_316 = tpu.memref_slice %arg5[%dma_wait3A_315] : memref<10000xf32, #tpu.memory_space<hbm>> -> memref<16xf32, #tpu.memory_space<hbm>>
          tpu.wait_dma2 semaphore(%run_scoped3A : memref<!tpu.dma_semaphore, #tpu.memory_space<semaphore_mem>>) src(%arg25 : memref<16xf32, #tpu.memory_space<vmem>>) dst(%dma_wait3A_316 : memref<16xf32, #tpu.memory_space<hbm>>)
          tpu.yield
        }) : () -> ()
      } else {
      }
      %eq3A_304 = arith.constant 1 : i32
      %eq3A_305 = arith.cmpi eq, %arg0, %eq3A_304 : i32
      %convert_element_type3A_306 = arith.extui %eq3A_305 : i1 to i32
      %cond3A_307 = arith.constant 0 : i32
      %cond3A_308 = arith.cmpi ne, %convert_element_type3A_306, %cond3A_307 : i32
      scf.if %cond3A_308 {
        "tpu.region"() ({
          %run_scoped3A = tpu.sem_alloc : memref<!tpu.dma_semaphore, #tpu.memory_space<semaphore_mem>>
          %dma_start3A_309 = arith.constant 9984 : i32
          %dma_start3A_310 = tpu.memref_slice %arg6[%dma_start3A_309] : memref<10000xf32, #tpu.memory_space<hbm>> -> memref<16xf32, #tpu.memory_space<hbm>>
          %dma_start3A_311 = arith.constant 9984 : i32
          %dma_start3A_312 = tpu.memref_slice %arg6[%dma_start3A_311] : memref<10000xf32, #tpu.memory_space<hbm>> -> memref<16xf32, #tpu.memory_space<hbm>>
          tpu.enqueue_dma source(%arg25 : memref<16xf32, #tpu.memory_space<vmem>>) target(%dma_start3A_312 : memref<16xf32, #tpu.memory_space<hbm>>) target_semaphore(%run_scoped3A : memref<!tpu.dma_semaphore, #tpu.memory_space<semaphore_mem>>)
          %dma_wait3A_313 = arith.constant 9984 : i32
          %dma_wait3A_314 = tpu.memref_slice %arg6[%dma_wait3A_313] : memref<10000xf32, #tpu.memory_space<hbm>> -> memref<16xf32, #tpu.memory_space<hbm>>
          %dma_wait3A_315 = arith.constant 9984 : i32
          %dma_wait3A_316 = tpu.memref_slice %arg6[%dma_wait3A_315] : memref<10000xf32, #tpu.memory_space<hbm>> -> memref<16xf32, #tpu.memory_space<hbm>>
          tpu.wait_dma2 semaphore(%run_scoped3A : memref<!tpu.dma_semaphore, #tpu.memory_space<semaphore_mem>>) src(%arg25 : memref<16xf32, #tpu.memory_space<vmem>>) dst(%dma_wait3A_316 : memref<16xf32, #tpu.memory_space<hbm>>)
          tpu.yield
        }) : () -> ()
      } else {
      }
    } else {
    }
    return
  }
}

#map = affine_map<(d0, d1) -> (0, 0)>
module attributes {stable_mosaic.version = 14 : i64} {
  func.func @sc_agg(%arg0: i32, %arg1: i32, %arg2: memref<10000x128xf32, #tpu.memory_space<hbm>>, %arg3: memref<2x320000xi32, #tpu.memory_space<hbm>>, %arg4: memref<10000x256xf32, #tpu.memory_space<hbm>>, %arg5: memref<2x128xi32, #tpu.memory_space<vmem>>, %arg6: memref<2x128xi32, #tpu.memory_space<vmem>>, %arg7: memref<2x128xi32, #tpu.memory_space<vmem>>, %arg8: memref<128x128xf32, #tpu.memory_space<vmem>>, %arg9: memref<128x128xf32, #tpu.memory_space<vmem>>, %arg10: memref<128x128xf32, #tpu.memory_space<vmem>>, %arg11: memref<10000x128xf32, #tpu.memory_space<vmem_shared>>, %arg12: memref<!tpu.dma_semaphore, #tpu.memory_space<semaphore_mem>>, %arg13: memref<!tpu.dma_semaphore, #tpu.memory_space<semaphore_mem>>, %arg14: memref<!tpu.dma_semaphore, #tpu.memory_space<semaphore_mem>>, %arg15: memref<!tpu.dma_semaphore, #tpu.memory_space<semaphore_mem>>, %arg16: memref<!tpu.dma_semaphore, #tpu.memory_space<semaphore_mem>>, %arg17: memref<!tpu.dma_semaphore, #tpu.memory_space<semaphore_mem>>, %arg18: memref<!tpu.dma_semaphore, #tpu.memory_space<semaphore_mem>>, %arg19: memref<!tpu.dma_semaphore, #tpu.memory_space<semaphore_mem>>, %arg20: memref<!tpu.dma_semaphore, #tpu.memory_space<semaphore_mem>>) attributes {dimension_semantics = [#tpu.dimension_semantics<core_parallel>, #tpu.dimension_semantics<subcore_parallel>], iteration_bounds = array<i64: 2, 16>, scalar_prefetch = 0 : i64, scratch_operands = 16 : i64, tpu.core_type = #tpu.core_type<sc_vector_subcore>, window_params = [{transform_indices = #map}, {transform_indices = #map}, {transform_indices = #map}]} {
    %mul3A = arith.constant 16 : i32
    %mul3A_0 = arith.muli %arg0, %mul3A : i32
    %add3A = arith.addi %mul3A_0, %arg1 : i32
    %broadcast_in_dim3A = arith.constant 0.000000e+00 : f32
    %broadcast_in_dim3A_1 = vector.broadcast %broadcast_in_dim3A : f32 to vector<16xf32>
    %scan3A = arith.constant 0 : i32
    %scan3A_2 = arith.constant 0 : i32
    %scan3A_3 = arith.constant 128 : i32
    %scan3A_4 = arith.addi %scan3A_2, %scan3A_3 : i32
    %scan3A_5 = arith.constant 1 : i32
    scf.for %scan3A_178 = %scan3A_2 to %scan3A_4 step %scan3A_5  : i32 {
      %swap3A = arith.index_cast %scan3A_178 : i32 to index
      %swap3A_179 = arith.constant 0 : index
      %swap3A_180 = tpu.vector_load %arg8[%swap3A, %swap3A_179] {strides = array<i32>} : memref<128x128xf32, #tpu.memory_space<vmem>>, vector<1x16xf32>,
      %swap3A_181 = vector.shape_cast %swap3A_180 : vector<1x16xf32> to vector<16xf32>
      %swap3A_182 = vector.shape_cast %broadcast_in_dim3A_1 : vector<16xf32> to vector<1x16xf32>
      tpu.vector_store %arg8[%swap3A, %swap3A_179], %swap3A_182 {strides = array<i32>} : memref<128x128xf32, #tpu.memory_space<vmem>>, vector<1x16xf32>,
      %swap3A_183 = arith.index_cast %scan3A_178 : i32 to index
      %swap3A_184 = arith.constant 16 : index
      %swap3A_185 = tpu.vector_load %arg8[%swap3A_183, %swap3A_184] {strides = array<i32>} : memref<128x128xf32, #tpu.memory_space<vmem>>, vector<1x16xf32>,
      %swap3A_186 = vector.shape_cast %swap3A_185 : vector<1x16xf32> to vector<16xf32>
      %swap3A_187 = vector.shape_cast %broadcast_in_dim3A_1 : vector<16xf32> to vector<1x16xf32>
      tpu.vector_store %arg8[%swap3A_183, %swap3A_184], %swap3A_187 {strides = array<i32>} : memref<128x128xf32, #tpu.memory_space<vmem>>, vector<1x16xf32>,
      %swap3A_188 = arith.index_cast %scan3A_178 : i32 to index
      %swap3A_189 = arith.constant 32 : index
      %swap3A_190 = tpu.vector_load %arg8[%swap3A_188, %swap3A_189] {strides = array<i32>} : memref<128x128xf32, #tpu.memory_space<vmem>>, vector<1x16xf32>,
      %swap3A_191 = vector.shape_cast %swap3A_190 : vector<1x16xf32> to vector<16xf32>
      %swap3A_192 = vector.shape_cast %broadcast_in_dim3A_1 : vector<16xf32> to vector<1x16xf32>
      tpu.vector_store %arg8[%swap3A_188, %swap3A_189], %swap3A_192 {strides = array<i32>} : memref<128x128xf32, #tpu.memory_space<vmem>>, vector<1x16xf32>,
      %swap3A_193 = arith.index_cast %scan3A_178 : i32 to index
      %swap3A_194 = arith.constant 48 : index
      %swap3A_195 = tpu.vector_load %arg8[%swap3A_193, %swap3A_194] {strides = array<i32>} : memref<128x128xf32, #tpu.memory_space<vmem>>, vector<1x16xf32>,
      %swap3A_196 = vector.shape_cast %swap3A_195 : vector<1x16xf32> to vector<16xf32>
      %swap3A_197 = vector.shape_cast %broadcast_in_dim3A_1 : vector<16xf32> to vector<1x16xf32>
      tpu.vector_store %arg8[%swap3A_193, %swap3A_194], %swap3A_197 {strides = array<i32>} : memref<128x128xf32, #tpu.memory_space<vmem>>, vector<1x16xf32>,
      %swap3A_198 = arith.index_cast %scan3A_178 : i32 to index
      %swap3A_199 = arith.constant 64 : index
      %swap3A_200 = tpu.vector_load %arg8[%swap3A_198, %swap3A_199] {strides = array<i32>} : memref<128x128xf32, #tpu.memory_space<vmem>>, vector<1x16xf32>,
      %swap3A_201 = vector.shape_cast %swap3A_200 : vector<1x16xf32> to vector<16xf32>
      %swap3A_202 = vector.shape_cast %broadcast_in_dim3A_1 : vector<16xf32> to vector<1x16xf32>
      tpu.vector_store %arg8[%swap3A_198, %swap3A_199], %swap3A_202 {strides = array<i32>} : memref<128x128xf32, #tpu.memory_space<vmem>>, vector<1x16xf32>,
      %swap3A_203 = arith.index_cast %scan3A_178 : i32 to index
      %swap3A_204 = arith.constant 80 : index
      %swap3A_205 = tpu.vector_load %arg8[%swap3A_203, %swap3A_204] {strides = array<i32>} : memref<128x128xf32, #tpu.memory_space<vmem>>, vector<1x16xf32>,
      %swap3A_206 = vector.shape_cast %swap3A_205 : vector<1x16xf32> to vector<16xf32>
      %swap3A_207 = vector.shape_cast %broadcast_in_dim3A_1 : vector<16xf32> to vector<1x16xf32>
      tpu.vector_store %arg8[%swap3A_203, %swap3A_204], %swap3A_207 {strides = array<i32>} : memref<128x128xf32, #tpu.memory_space<vmem>>, vector<1x16xf32>,
      %swap3A_208 = arith.index_cast %scan3A_178 : i32 to index
      %swap3A_209 = arith.constant 96 : index
      %swap3A_210 = tpu.vector_load %arg8[%swap3A_208, %swap3A_209] {strides = array<i32>} : memref<128x128xf32, #tpu.memory_space<vmem>>, vector<1x16xf32>,
      %swap3A_211 = vector.shape_cast %swap3A_210 : vector<1x16xf32> to vector<16xf32>
      %swap3A_212 = vector.shape_cast %broadcast_in_dim3A_1 : vector<16xf32> to vector<1x16xf32>
      tpu.vector_store %arg8[%swap3A_208, %swap3A_209], %swap3A_212 {strides = array<i32>} : memref<128x128xf32, #tpu.memory_space<vmem>>, vector<1x16xf32>,
      %swap3A_213 = arith.index_cast %scan3A_178 : i32 to index
      %swap3A_214 = arith.constant 112 : index
      %swap3A_215 = tpu.vector_load %arg8[%swap3A_213, %swap3A_214] {strides = array<i32>} : memref<128x128xf32, #tpu.memory_space<vmem>>, vector<1x16xf32>,
      %swap3A_216 = vector.shape_cast %swap3A_215 : vector<1x16xf32> to vector<16xf32>
      %swap3A_217 = vector.shape_cast %broadcast_in_dim3A_1 : vector<16xf32> to vector<1x16xf32>
      tpu.vector_store %arg8[%swap3A_213, %swap3A_214], %swap3A_217 {strides = array<i32>} : memref<128x128xf32, #tpu.memory_space<vmem>>, vector<1x16xf32>,
    }
    %scan3A_6 = arith.constant 128 : i32
    %mul3A_7 = arith.constant 624 : i32
    %mul3A_8 = arith.muli %arg1, %mul3A_7 : i32
    %add3A_9 = arith.constant 0 : i32
    %add3A_10 = arith.addi %mul3A_8, %add3A_9 : i32
    "tpu.region"() ({
      %run_scoped3A = tpu.sem_alloc : memref<!tpu.dma_semaphore, #tpu.memory_space<semaphore_mem>>
      %dma_start3A_178 = arith.constant 0 : i32
      %dma_start3A_179 = tpu.memref_slice %arg11[%add3A_10, %dma_start3A_178] : memref<10000x128xf32, #tpu.memory_space<vmem_shared>> -> memref<128x128xf32, #tpu.memory_space<vmem_shared>>
      %dma_start3A_180 = arith.constant 0 : i32
      %dma_start3A_181 = tpu.memref_slice %arg11[%add3A_10, %dma_start3A_180] : memref<10000x128xf32, #tpu.memory_space<vmem_shared>> -> memref<128x128xf32, #tpu.memory_space<vmem_shared>>
      tpu.enqueue_dma source(%arg8 : memref<128x128xf32, #tpu.memory_space<vmem>>) target(%dma_start3A_181 : memref<128x128xf32, #tpu.memory_space<vmem_shared>>) target_semaphore(%run_scoped3A : memref<!tpu.dma_semaphore, #tpu.memory_space<semaphore_mem>>)
      %dma_wait3A_182 = arith.constant 0 : i32
      %dma_wait3A_183 = tpu.memref_slice %arg11[%add3A_10, %dma_wait3A_182] : memref<10000x128xf32, #tpu.memory_space<vmem_shared>> -> memref<128x128xf32, #tpu.memory_space<vmem_shared>>
      %dma_wait3A_184 = arith.constant 0 : i32
      %dma_wait3A_185 = tpu.memref_slice %arg11[%add3A_10, %dma_wait3A_184] : memref<10000x128xf32, #tpu.memory_space<vmem_shared>> -> memref<128x128xf32, #tpu.memory_space<vmem_shared>>
      tpu.wait_dma2 semaphore(%run_scoped3A : memref<!tpu.dma_semaphore, #tpu.memory_space<semaphore_mem>>) src(%arg8 : memref<128x128xf32, #tpu.memory_space<vmem>>) dst(%dma_wait3A_185 : memref<128x128xf32, #tpu.memory_space<vmem_shared>>)
      tpu.yield
    }) : () -> ()
    %mul3A_11 = arith.constant 624 : i32
    %mul3A_12 = arith.muli %arg1, %mul3A_11 : i32
    %add3A_13 = arith.constant 128 : i32
    %add3A_14 = arith.addi %mul3A_12, %add3A_13 : i32
    "tpu.region"() ({
      %run_scoped3A = tpu.sem_alloc : memref<!tpu.dma_semaphore, #tpu.memory_space<semaphore_mem>>
      %dma_start3A_178 = arith.constant 0 : i32
      %dma_start3A_179 = tpu.memref_slice %arg11[%add3A_14, %dma_start3A_178] : memref<10000x128xf32, #tpu.memory_space<vmem_shared>> -> memref<128x128xf32, #tpu.memory_space<vmem_shared>>
      %dma_start3A_180 = arith.constant 0 : i32
      %dma_start3A_181 = tpu.memref_slice %arg11[%add3A_14, %dma_start3A_180] : memref<10000x128xf32, #tpu.memory_space<vmem_shared>> -> memref<128x128xf32, #tpu.memory_space<vmem_shared>>
      tpu.enqueue_dma source(%arg8 : memref<128x128xf32, #tpu.memory_space<vmem>>) target(%dma_start3A_181 : memref<128x128xf32, #tpu.memory_space<vmem_shared>>) target_semaphore(%run_scoped3A : memref<!tpu.dma_semaphore, #tpu.memory_space<semaphore_mem>>)
      %dma_wait3A_182 = arith.constant 0 : i32
      %dma_wait3A_183 = tpu.memref_slice %arg11[%add3A_14, %dma_wait3A_182] : memref<10000x128xf32, #tpu.memory_space<vmem_shared>> -> memref<128x128xf32, #tpu.memory_space<vmem_shared>>
      %dma_wait3A_184 = arith.constant 0 : i32
      %dma_wait3A_185 = tpu.memref_slice %arg11[%add3A_14, %dma_wait3A_184] : memref<10000x128xf32, #tpu.memory_space<vmem_shared>> -> memref<128x128xf32, #tpu.memory_space<vmem_shared>>
      tpu.wait_dma2 semaphore(%run_scoped3A : memref<!tpu.dma_semaphore, #tpu.memory_space<semaphore_mem>>) src(%arg8 : memref<128x128xf32, #tpu.memory_space<vmem>>) dst(%dma_wait3A_185 : memref<128x128xf32, #tpu.memory_space<vmem_shared>>)
      tpu.yield
    }) : () -> ()
    %mul3A_15 = arith.constant 624 : i32
    %mul3A_16 = arith.muli %arg1, %mul3A_15 : i32
    %add3A_17 = arith.constant 256 : i32
    %add3A_18 = arith.addi %mul3A_16, %add3A_17 : i32
    "tpu.region"() ({
      %run_scoped3A = tpu.sem_alloc : memref<!tpu.dma_semaphore, #tpu.memory_space<semaphore_mem>>
      %dma_start3A_178 = arith.constant 0 : i32
      %dma_start3A_179 = tpu.memref_slice %arg11[%add3A_18, %dma_start3A_178] : memref<10000x128xf32, #tpu.memory_space<vmem_shared>> -> memref<128x128xf32, #tpu.memory_space<vmem_shared>>
      %dma_start3A_180 = arith.constant 0 : i32
      %dma_start3A_181 = tpu.memref_slice %arg11[%add3A_18, %dma_start3A_180] : memref<10000x128xf32, #tpu.memory_space<vmem_shared>> -> memref<128x128xf32, #tpu.memory_space<vmem_shared>>
      tpu.enqueue_dma source(%arg8 : memref<128x128xf32, #tpu.memory_space<vmem>>) target(%dma_start3A_181 : memref<128x128xf32, #tpu.memory_space<vmem_shared>>) target_semaphore(%run_scoped3A : memref<!tpu.dma_semaphore, #tpu.memory_space<semaphore_mem>>)
      %dma_wait3A_182 = arith.constant 0 : i32
      %dma_wait3A_183 = tpu.memref_slice %arg11[%add3A_18, %dma_wait3A_182] : memref<10000x128xf32, #tpu.memory_space<vmem_shared>> -> memref<128x128xf32, #tpu.memory_space<vmem_shared>>
      %dma_wait3A_184 = arith.constant 0 : i32
      %dma_wait3A_185 = tpu.memref_slice %arg11[%add3A_18, %dma_wait3A_184] : memref<10000x128xf32, #tpu.memory_space<vmem_shared>> -> memref<128x128xf32, #tpu.memory_space<vmem_shared>>
      tpu.wait_dma2 semaphore(%run_scoped3A : memref<!tpu.dma_semaphore, #tpu.memory_space<semaphore_mem>>) src(%arg8 : memref<128x128xf32, #tpu.memory_space<vmem>>) dst(%dma_wait3A_185 : memref<128x128xf32, #tpu.memory_space<vmem_shared>>)
      tpu.yield
    }) : () -> ()
    %mul3A_19 = arith.constant 624 : i32
    %mul3A_20 = arith.muli %arg1, %mul3A_19 : i32
    %add3A_21 = arith.constant 384 : i32
    %add3A_22 = arith.addi %mul3A_20, %add3A_21 : i32
    "tpu.region"() ({
      %run_scoped3A = tpu.sem_alloc : memref<!tpu.dma_semaphore, #tpu.memory_space<semaphore_mem>>
      %dma_start3A_178 = arith.constant 0 : i32
      %dma_start3A_179 = tpu.memref_slice %arg11[%add3A_22, %dma_start3A_178] : memref<10000x128xf32, #tpu.memory_space<vmem_shared>> -> memref<128x128xf32, #tpu.memory_space<vmem_shared>>
      %dma_start3A_180 = arith.constant 0 : i32
      %dma_start3A_181 = tpu.memref_slice %arg11[%add3A_22, %dma_start3A_180] : memref<10000x128xf32, #tpu.memory_space<vmem_shared>> -> memref<128x128xf32, #tpu.memory_space<vmem_shared>>
      tpu.enqueue_dma source(%arg8 : memref<128x128xf32, #tpu.memory_space<vmem>>) target(%dma_start3A_181 : memref<128x128xf32, #tpu.memory_space<vmem_shared>>) target_semaphore(%run_scoped3A : memref<!tpu.dma_semaphore, #tpu.memory_space<semaphore_mem>>)
      %dma_wait3A_182 = arith.constant 0 : i32
      %dma_wait3A_183 = tpu.memref_slice %arg11[%add3A_22, %dma_wait3A_182] : memref<10000x128xf32, #tpu.memory_space<vmem_shared>> -> memref<128x128xf32, #tpu.memory_space<vmem_shared>>
      %dma_wait3A_184 = arith.constant 0 : i32
      %dma_wait3A_185 = tpu.memref_slice %arg11[%add3A_22, %dma_wait3A_184] : memref<10000x128xf32, #tpu.memory_space<vmem_shared>> -> memref<128x128xf32, #tpu.memory_space<vmem_shared>>
      tpu.wait_dma2 semaphore(%run_scoped3A : memref<!tpu.dma_semaphore, #tpu.memory_space<semaphore_mem>>) src(%arg8 : memref<128x128xf32, #tpu.memory_space<vmem>>) dst(%dma_wait3A_185 : memref<128x128xf32, #tpu.memory_space<vmem_shared>>)
      tpu.yield
    }) : () -> ()
    %mul3A_23 = arith.constant 624 : i32
    %mul3A_24 = arith.muli %arg1, %mul3A_23 : i32
    %add3A_25 = arith.constant 624 : i32
    %add3A_26 = arith.addi %mul3A_24, %add3A_25 : i32
    %sub3A = arith.constant 112 : i32
    %sub3A_27 = arith.subi %add3A_26, %sub3A : i32
    "tpu.region"() ({
      %run_scoped3A = tpu.sem_alloc : memref<!tpu.dma_semaphore, #tpu.memory_space<semaphore_mem>>
      %dma_start3A_178 = arith.constant 0 : i32
      %dma_start3A_179 = arith.constant 0 : i32
      %dma_start3A_180 = tpu.memref_slice %arg8[%dma_start3A_178, %dma_start3A_179] : memref<128x128xf32, #tpu.memory_space<vmem>> -> memref<112x128xf32, #tpu.memory_space<vmem>>
      %dma_start3A_181 = arith.constant 0 : i32
      %dma_start3A_182 = tpu.memref_slice %arg11[%sub3A_27, %dma_start3A_181] : memref<10000x128xf32, #tpu.memory_space<vmem_shared>> -> memref<112x128xf32, #tpu.memory_space<vmem_shared>>
      %dma_start3A_183 = arith.constant 0 : i32
      %dma_start3A_184 = tpu.memref_slice %arg11[%sub3A_27, %dma_start3A_183] : memref<10000x128xf32, #tpu.memory_space<vmem_shared>> -> memref<112x128xf32, #tpu.memory_space<vmem_shared>>
      %dma_start3A_185 = arith.constant 0 : i32
      %dma_start3A_186 = arith.constant 0 : i32
      %dma_start3A_187 = tpu.memref_slice %arg8[%dma_start3A_185, %dma_start3A_186] : memref<128x128xf32, #tpu.memory_space<vmem>> -> memref<112x128xf32, #tpu.memory_space<vmem>>
      tpu.enqueue_dma source(%dma_start3A_187 : memref<112x128xf32, #tpu.memory_space<vmem>>) target(%dma_start3A_184 : memref<112x128xf32, #tpu.memory_space<vmem_shared>>) target_semaphore(%run_scoped3A : memref<!tpu.dma_semaphore, #tpu.memory_space<semaphore_mem>>)
      %dma_wait3A_188 = arith.constant 0 : i32
      %dma_wait3A_189 = arith.constant 0 : i32
      %dma_wait3A_190 = tpu.memref_slice %arg8[%dma_wait3A_188, %dma_wait3A_189] : memref<128x128xf32, #tpu.memory_space<vmem>> -> memref<112x128xf32, #tpu.memory_space<vmem>>
      %dma_wait3A_191 = arith.constant 0 : i32
      %dma_wait3A_192 = tpu.memref_slice %arg11[%sub3A_27, %dma_wait3A_191] : memref<10000x128xf32, #tpu.memory_space<vmem_shared>> -> memref<112x128xf32, #tpu.memory_space<vmem_shared>>
      %dma_wait3A_193 = arith.constant 0 : i32
      %dma_wait3A_194 = tpu.memref_slice %arg11[%sub3A_27, %dma_wait3A_193] : memref<10000x128xf32, #tpu.memory_space<vmem_shared>> -> memref<112x128xf32, #tpu.memory_space<vmem_shared>>
      %dma_wait3A_195 = arith.constant 0 : i32
      %dma_wait3A_196 = arith.constant 0 : i32
      %dma_wait3A_197 = tpu.memref_slice %arg8[%dma_wait3A_195, %dma_wait3A_196] : memref<128x128xf32, #tpu.memory_space<vmem>> -> memref<112x128xf32, #tpu.memory_space<vmem>>
      tpu.wait_dma2 semaphore(%run_scoped3A : memref<!tpu.dma_semaphore, #tpu.memory_space<semaphore_mem>>) src(%dma_wait3A_197 : memref<112x128xf32, #tpu.memory_space<vmem>>) dst(%dma_wait3A_194 : memref<112x128xf32, #tpu.memory_space<vmem_shared>>)
      tpu.yield
    }) : () -> ()
    %eq3A = arith.constant 15 : i32
    %eq3A_28 = arith.cmpi eq, %arg1, %eq3A : i32
    %convert_element_type3A = arith.extui %eq3A_28 : i1 to i32
    %cond3A = arith.constant 0 : i32
    %cond3A_29 = arith.cmpi ne, %convert_element_type3A, %cond3A : i32
    scf.if %cond3A_29 {
      "tpu.region"() ({
        %run_scoped3A = tpu.sem_alloc : memref<!tpu.dma_semaphore, #tpu.memory_space<semaphore_mem>>
        %dma_start3A_178 = arith.constant 0 : i32
        %dma_start3A_179 = arith.constant 0 : i32
        %dma_start3A_180 = tpu.memref_slice %arg8[%dma_start3A_178, %dma_start3A_179] : memref<128x128xf32, #tpu.memory_space<vmem>> -> memref<16x128xf32, #tpu.memory_space<vmem>>
        %dma_start3A_181 = arith.constant 9984 : i32
        %dma_start3A_182 = arith.constant 0 : i32
        %dma_start3A_183 = tpu.memref_slice %arg11[%dma_start3A_181, %dma_start3A_182] : memref<10000x128xf32, #tpu.memory_space<vmem_shared>> -> memref<16x128xf32, #tpu.memory_space<vmem_shared>>
        %dma_start3A_184 = arith.constant 9984 : i32
        %dma_start3A_185 = arith.constant 0 : i32
        %dma_start3A_186 = tpu.memref_slice %arg11[%dma_start3A_184, %dma_start3A_185] : memref<10000x128xf32, #tpu.memory_space<vmem_shared>> -> memref<16x128xf32, #tpu.memory_space<vmem_shared>>
        %dma_start3A_187 = arith.constant 0 : i32
        %dma_start3A_188 = arith.constant 0 : i32
        %dma_start3A_189 = tpu.memref_slice %arg8[%dma_start3A_187, %dma_start3A_188] : memref<128x128xf32, #tpu.memory_space<vmem>> -> memref<16x128xf32, #tpu.memory_space<vmem>>
        tpu.enqueue_dma source(%dma_start3A_189 : memref<16x128xf32, #tpu.memory_space<vmem>>) target(%dma_start3A_186 : memref<16x128xf32, #tpu.memory_space<vmem_shared>>) target_semaphore(%run_scoped3A : memref<!tpu.dma_semaphore, #tpu.memory_space<semaphore_mem>>)
        %dma_wait3A_190 = arith.constant 0 : i32
        %dma_wait3A_191 = arith.constant 0 : i32
        %dma_wait3A_192 = tpu.memref_slice %arg8[%dma_wait3A_190, %dma_wait3A_191] : memref<128x128xf32, #tpu.memory_space<vmem>> -> memref<16x128xf32, #tpu.memory_space<vmem>>
        %dma_wait3A_193 = arith.constant 9984 : i32
        %dma_wait3A_194 = arith.constant 0 : i32
        %dma_wait3A_195 = tpu.memref_slice %arg11[%dma_wait3A_193, %dma_wait3A_194] : memref<10000x128xf32, #tpu.memory_space<vmem_shared>> -> memref<16x128xf32, #tpu.memory_space<vmem_shared>>
        %dma_wait3A_196 = arith.constant 9984 : i32
        %dma_wait3A_197 = arith.constant 0 : i32
        %dma_wait3A_198 = tpu.memref_slice %arg11[%dma_wait3A_196, %dma_wait3A_197] : memref<10000x128xf32, #tpu.memory_space<vmem_shared>> -> memref<16x128xf32, #tpu.memory_space<vmem_shared>>
        %dma_wait3A_199 = arith.constant 0 : i32
        %dma_wait3A_200 = arith.constant 0 : i32
        %dma_wait3A_201 = tpu.memref_slice %arg8[%dma_wait3A_199, %dma_wait3A_200] : memref<128x128xf32, #tpu.memory_space<vmem>> -> memref<16x128xf32, #tpu.memory_space<vmem>>
        tpu.wait_dma2 semaphore(%run_scoped3A : memref<!tpu.dma_semaphore, #tpu.memory_space<semaphore_mem>>) src(%dma_wait3A_201 : memref<16x128xf32, #tpu.memory_space<vmem>>) dst(%dma_wait3A_198 : memref<16x128xf32, #tpu.memory_space<vmem_shared>>)
        tpu.yield
      }) : () -> ()
    } else {
    }
    %barrier3A = arith.constant 0 : index
    tpu.barrier barrier_id(%barrier3A)
    %mul3A_30 = arith.constant 78 : i32
    %mul3A_31 = arith.muli %add3A, %mul3A_30 : i32
    %add3A_32 = arith.constant 0 : i32
    %add3A_33 = arith.addi %mul3A_31, %add3A_32 : i32
    %mul3A_34 = arith.constant 128 : i32
    %mul3A_35 = arith.muli %add3A_33, %mul3A_34 : i32
    %dma_start3A = arith.constant 0 : i32
    %dma_start3A_36 = tpu.memref_slice %arg3[%dma_start3A, %mul3A_35] : memref<2x320000xi32, #tpu.memory_space<hbm>> -> memref<2x128xi32, #tpu.memory_space<hbm>>
    %dma_start3A_37 = arith.constant 0 : i32
    %dma_start3A_38 = tpu.memref_slice %arg3[%dma_start3A_37, %mul3A_35] : memref<2x320000xi32, #tpu.memory_space<hbm>> -> memref<2x128xi32, #tpu.memory_space<hbm>>
    tpu.enqueue_dma source(%dma_start3A_38 : memref<2x128xi32, #tpu.memory_space<hbm>>) target(%arg5 : memref<2x128xi32, #tpu.memory_space<vmem>>) target_semaphore(%arg12 : memref<!tpu.dma_semaphore, #tpu.memory_space<semaphore_mem>>)
    %add3A_39 = arith.constant 1 : i32
    %add3A_40 = arith.addi %mul3A_31, %add3A_39 : i32
    %mul3A_41 = arith.constant 128 : i32
    %mul3A_42 = arith.muli %add3A_40, %mul3A_41 : i32
    %dma_start3A_43 = arith.constant 0 : i32
    %dma_start3A_44 = tpu.memref_slice %arg3[%dma_start3A_43, %mul3A_42] : memref<2x320000xi32, #tpu.memory_space<hbm>> -> memref<2x128xi32, #tpu.memory_space<hbm>>
    %dma_start3A_45 = arith.constant 0 : i32
    %dma_start3A_46 = tpu.memref_slice %arg3[%dma_start3A_45, %mul3A_42] : memref<2x320000xi32, #tpu.memory_space<hbm>> -> memref<2x128xi32, #tpu.memory_space<hbm>>
    tpu.enqueue_dma source(%dma_start3A_46 : memref<2x128xi32, #tpu.memory_space<hbm>>) target(%arg6 : memref<2x128xi32, #tpu.memory_space<vmem>>) target_semaphore(%arg13 : memref<!tpu.dma_semaphore, #tpu.memory_space<semaphore_mem>>)
    %add3A_47 = arith.constant 2 : i32
    %add3A_48 = arith.addi %mul3A_31, %add3A_47 : i32
    %mul3A_49 = arith.constant 128 : i32
    %mul3A_50 = arith.muli %add3A_48, %mul3A_49 : i32
    %dma_start3A_51 = arith.constant 0 : i32
    %dma_start3A_52 = tpu.memref_slice %arg3[%dma_start3A_51, %mul3A_50] : memref<2x320000xi32, #tpu.memory_space<hbm>> -> memref<2x128xi32, #tpu.memory_space<hbm>>
    %dma_start3A_53 = arith.constant 0 : i32
    %dma_start3A_54 = tpu.memref_slice %arg3[%dma_start3A_53, %mul3A_50] : memref<2x320000xi32, #tpu.memory_space<hbm>> -> memref<2x128xi32, #tpu.memory_space<hbm>>
    tpu.enqueue_dma source(%dma_start3A_54 : memref<2x128xi32, #tpu.memory_space<hbm>>) target(%arg7 : memref<2x128xi32, #tpu.memory_space<vmem>>) target_semaphore(%arg14 : memref<!tpu.dma_semaphore, #tpu.memory_space<semaphore_mem>>)
    %dma_wait3A = arith.constant 0 : i32
    %dma_wait3A_55 = arith.constant 0 : i32
    %dma_wait3A_56 = tpu.memref_slice %arg3[%dma_wait3A, %dma_wait3A_55] : memref<2x320000xi32, #tpu.memory_space<hbm>> -> memref<2x128xi32, #tpu.memory_space<hbm>>
    %dma_wait3A_57 = arith.constant 0 : i32
    %dma_wait3A_58 = arith.constant 0 : i32
    %dma_wait3A_59 = tpu.memref_slice %arg3[%dma_wait3A_57, %dma_wait3A_58] : memref<2x320000xi32, #tpu.memory_space<hbm>> -> memref<2x128xi32, #tpu.memory_space<hbm>>
    tpu.wait_dma2 semaphore(%arg12 : memref<!tpu.dma_semaphore, #tpu.memory_space<semaphore_mem>>) src(%dma_wait3A_59 : memref<2x128xi32, #tpu.memory_space<hbm>>) dst(%arg5 : memref<2x128xi32, #tpu.memory_space<vmem>>)
    %dma_start3A_60 = arith.constant 0 : i32
    %dma_start3A_61 = arith.constant 0 : i32
    %dma_start3A_62 = tpu.memref_slice %arg5[%dma_start3A_60, %dma_start3A_61] : memref<2x128xi32, #tpu.memory_space<vmem>> -> memref<1x128xi32, #tpu.memory_space<vmem>>
    %dma_start3A_63 = tpu.memref_squeeze %dma_start3A_62 : memref<1x128xi32, #tpu.memory_space<vmem>> -> memref<128xi32, #tpu.memory_space<vmem>>
    %dma_start3A_64 = arith.constant 0 : i32
    %dma_start3A_65 = arith.constant 0 : i32
    %dma_start3A_66 = tpu.memref_slice %arg2[%dma_start3A_64, %dma_start3A_65] : memref<10000x128xf32, #tpu.memory_space<hbm>> -> memref<10000x128xf32, #tpu.memory_space<hbm>>
    tpu.enqueue_indirect_dma source(%dma_start3A_66 : memref<10000x128xf32, #tpu.memory_space<hbm>>) target(%arg8 : memref<128x128xf32, #tpu.memory_space<vmem>>) offsets(%dma_start3A_63 : memref<128xi32, #tpu.memory_space<vmem>>) semaphore(%arg15 : memref<!tpu.dma_semaphore, #tpu.memory_space<semaphore_mem>>)
    %dma_wait3A_67 = arith.constant 0 : i32
    %dma_wait3A_68 = arith.constant 0 : i32
    %dma_wait3A_69 = tpu.memref_slice %arg3[%dma_wait3A_67, %dma_wait3A_68] : memref<2x320000xi32, #tpu.memory_space<hbm>> -> memref<2x128xi32, #tpu.memory_space<hbm>>
    %dma_wait3A_70 = arith.constant 0 : i32
    %dma_wait3A_71 = arith.constant 0 : i32
    %dma_wait3A_72 = tpu.memref_slice %arg3[%dma_wait3A_70, %dma_wait3A_71] : memref<2x320000xi32, #tpu.memory_space<hbm>> -> memref<2x128xi32, #tpu.memory_space<hbm>>
    tpu.wait_dma2 semaphore(%arg13 : memref<!tpu.dma_semaphore, #tpu.memory_space<semaphore_mem>>) src(%dma_wait3A_72 : memref<2x128xi32, #tpu.memory_space<hbm>>) dst(%arg6 : memref<2x128xi32, #tpu.memory_space<vmem>>)
    %dma_start3A_73 = arith.constant 0 : i32
    %dma_start3A_74 = arith.constant 0 : i32
    %dma_start3A_75 = tpu.memref_slice %arg6[%dma_start3A_73, %dma_start3A_74] : memref<2x128xi32, #tpu.memory_space<vmem>> -> memref<1x128xi32, #tpu.memory_space<vmem>>
    %dma_start3A_76 = tpu.memref_squeeze %dma_start3A_75 : memref<1x128xi32, #tpu.memory_space<vmem>> -> memref<128xi32, #tpu.memory_space<vmem>>
    %dma_start3A_77 = arith.constant 0 : i32
    %dma_start3A_78 = arith.constant 0 : i32
    %dma_start3A_79 = tpu.memref_slice %arg2[%dma_start3A_77, %dma_start3A_78] : memref<10000x128xf32, #tpu.memory_space<hbm>> -> memref<10000x128xf32, #tpu.memory_space<hbm>>
    tpu.enqueue_indirect_dma source(%dma_start3A_79 : memref<10000x128xf32, #tpu.memory_space<hbm>>) target(%arg9 : memref<128x128xf32, #tpu.memory_space<vmem>>) offsets(%dma_start3A_76 : memref<128xi32, #tpu.memory_space<vmem>>) semaphore(%arg16 : memref<!tpu.dma_semaphore, #tpu.memory_space<semaphore_mem>>)
    %dma_wait3A_80 = arith.constant 0 : i32
    %dma_wait3A_81 = arith.constant 0 : i32
    %dma_wait3A_82 = tpu.memref_slice %arg3[%dma_wait3A_80, %dma_wait3A_81] : memref<2x320000xi32, #tpu.memory_space<hbm>> -> memref<2x128xi32, #tpu.memory_space<hbm>>
    %dma_wait3A_83 = arith.constant 0 : i32
    %dma_wait3A_84 = arith.constant 0 : i32
    %dma_wait3A_85 = tpu.memref_slice %arg3[%dma_wait3A_83, %dma_wait3A_84] : memref<2x320000xi32, #tpu.memory_space<hbm>> -> memref<2x128xi32, #tpu.memory_space<hbm>>
    tpu.wait_dma2 semaphore(%arg14 : memref<!tpu.dma_semaphore, #tpu.memory_space<semaphore_mem>>) src(%dma_wait3A_85 : memref<2x128xi32, #tpu.memory_space<hbm>>) dst(%arg7 : memref<2x128xi32, #tpu.memory_space<vmem>>)
    %dma_start3A_86 = arith.constant 0 : i32
    %dma_start3A_87 = arith.constant 0 : i32
    %dma_start3A_88 = tpu.memref_slice %arg7[%dma_start3A_86, %dma_start3A_87] : memref<2x128xi32, #tpu.memory_space<vmem>> -> memref<1x128xi32, #tpu.memory_space<vmem>>
    %dma_start3A_89 = tpu.memref_squeeze %dma_start3A_88 : memref<1x128xi32, #tpu.memory_space<vmem>> -> memref<128xi32, #tpu.memory_space<vmem>>
    %dma_start3A_90 = arith.constant 0 : i32
    %dma_start3A_91 = arith.constant 0 : i32
    %dma_start3A_92 = tpu.memref_slice %arg2[%dma_start3A_90, %dma_start3A_91] : memref<10000x128xf32, #tpu.memory_space<hbm>> -> memref<10000x128xf32, #tpu.memory_space<hbm>>
    tpu.enqueue_indirect_dma source(%dma_start3A_92 : memref<10000x128xf32, #tpu.memory_space<hbm>>) target(%arg10 : memref<128x128xf32, #tpu.memory_space<vmem>>) offsets(%dma_start3A_89 : memref<128xi32, #tpu.memory_space<vmem>>) semaphore(%arg17 : memref<!tpu.dma_semaphore, #tpu.memory_space<semaphore_mem>>)
    %dma_wait3A_93 = arith.constant 0 : i32
    %dma_wait3A_94 = arith.constant 0 : i32
    %dma_wait3A_95 = tpu.memref_slice %arg5[%dma_wait3A_93, %dma_wait3A_94] : memref<2x128xi32, #tpu.memory_space<vmem>> -> memref<1x128xi32, #tpu.memory_space<vmem>>
    %dma_wait3A_96 = tpu.memref_squeeze %dma_wait3A_95 : memref<1x128xi32, #tpu.memory_space<vmem>> -> memref<128xi32, #tpu.memory_space<vmem>>
    %dma_wait3A_97 = arith.constant 0 : i32
    %dma_wait3A_98 = arith.constant 0 : i32
    %dma_wait3A_99 = tpu.memref_slice %arg2[%dma_wait3A_97, %dma_wait3A_98] : memref<10000x128xf32, #tpu.memory_space<hbm>> -> memref<10000x128xf32, #tpu.memory_space<hbm>>
    tpu.wait_indirect_dma semaphore(%arg15 : memref<!tpu.dma_semaphore, #tpu.memory_space<semaphore_mem>>) src(%dma_wait3A_99 : memref<10000x128xf32, #tpu.memory_space<hbm>>) dst(%arg8 : memref<128x128xf32, #tpu.memory_space<vmem>>)
    %dma_start3A_100 = arith.constant 1 : i32
    %dma_start3A_101 = arith.constant 0 : i32
    %dma_start3A_102 = tpu.memref_slice %arg5[%dma_start3A_100, %dma_start3A_101] : memref<2x128xi32, #tpu.memory_space<vmem>> -> memref<1x128xi32, #tpu.memory_space<vmem>>
    %dma_start3A_103 = tpu.memref_squeeze %dma_start3A_102 : memref<1x128xi32, #tpu.memory_space<vmem>> -> memref<128xi32, #tpu.memory_space<vmem>>
    %dma_start3A_104 = arith.constant 0 : i32
    %dma_start3A_105 = arith.constant 0 : i32
    %dma_start3A_106 = tpu.memref_slice %arg11[%dma_start3A_104, %dma_start3A_105] : memref<10000x128xf32, #tpu.memory_space<vmem_shared>> -> memref<10000x128xf32, #tpu.memory_space<vmem_shared>>
    tpu.enqueue_indirect_dma source(%arg8 : memref<128x128xf32, #tpu.memory_space<vmem>>) target(%dma_start3A_106 : memref<10000x128xf32, #tpu.memory_space<vmem_shared>>) offsets(%dma_start3A_103 : memref<128xi32, #tpu.memory_space<vmem>>) semaphore(%arg18 : memref<!tpu.dma_semaphore, #tpu.memory_space<semaphore_mem>>) {add = true}
    %dma_wait3A_107 = arith.constant 0 : i32
    %dma_wait3A_108 = arith.constant 0 : i32
    %dma_wait3A_109 = tpu.memref_slice %arg6[%dma_wait3A_107, %dma_wait3A_108] : memref<2x128xi32, #tpu.memory_space<vmem>> -> memref<1x128xi32, #tpu.memory_space<vmem>>
    %dma_wait3A_110 = tpu.memref_squeeze %dma_wait3A_109 : memref<1x128xi32, #tpu.memory_space<vmem>> -> memref<128xi32, #tpu.memory_space<vmem>>
    %dma_wait3A_111 = arith.constant 0 : i32
    %dma_wait3A_112 = arith.constant 0 : i32
    %dma_wait3A_113 = tpu.memref_slice %arg2[%dma_wait3A_111, %dma_wait3A_112] : memref<10000x128xf32, #tpu.memory_space<hbm>> -> memref<10000x128xf32, #tpu.memory_space<hbm>>
    tpu.wait_indirect_dma semaphore(%arg16 : memref<!tpu.dma_semaphore, #tpu.memory_space<semaphore_mem>>) src(%dma_wait3A_113 : memref<10000x128xf32, #tpu.memory_space<hbm>>) dst(%arg9 : memref<128x128xf32, #tpu.memory_space<vmem>>)
    %dma_start3A_114 = arith.constant 1 : i32
    %dma_start3A_115 = arith.constant 0 : i32
    %dma_start3A_116 = tpu.memref_slice %arg6[%dma_start3A_114, %dma_start3A_115] : memref<2x128xi32, #tpu.memory_space<vmem>> -> memref<1x128xi32, #tpu.memory_space<vmem>>
    %dma_start3A_117 = tpu.memref_squeeze %dma_start3A_116 : memref<1x128xi32, #tpu.memory_space<vmem>> -> memref<128xi32, #tpu.memory_space<vmem>>
    %dma_start3A_118 = arith.constant 0 : i32
    %dma_start3A_119 = arith.constant 0 : i32
    %dma_start3A_120 = tpu.memref_slice %arg11[%dma_start3A_118, %dma_start3A_119] : memref<10000x128xf32, #tpu.memory_space<vmem_shared>> -> memref<10000x128xf32, #tpu.memory_space<vmem_shared>>
    tpu.enqueue_indirect_dma source(%arg9 : memref<128x128xf32, #tpu.memory_space<vmem>>) target(%dma_start3A_120 : memref<10000x128xf32, #tpu.memory_space<vmem_shared>>) offsets(%dma_start3A_117 : memref<128xi32, #tpu.memory_space<vmem>>) semaphore(%arg19 : memref<!tpu.dma_semaphore, #tpu.memory_space<semaphore_mem>>) {add = true}
    %dma_wait3A_121 = arith.constant 0 : i32
    %dma_wait3A_122 = arith.constant 0 : i32
    %dma_wait3A_123 = tpu.memref_slice %arg7[%dma_wait3A_121, %dma_wait3A_122] : memref<2x128xi32, #tpu.memory_space<vmem>> -> memref<1x128xi32, #tpu.memory_space<vmem>>
    %dma_wait3A_124 = tpu.memref_squeeze %dma_wait3A_123 : memref<1x128xi32, #tpu.memory_space<vmem>> -> memref<128xi32, #tpu.memory_space<vmem>>
    %dma_wait3A_125 = arith.constant 0 : i32
    %dma_wait3A_126 = arith.constant 0 : i32
    %dma_wait3A_127 = tpu.memref_slice %arg2[%dma_wait3A_125, %dma_wait3A_126] : memref<10000x128xf32, #tpu.memory_space<hbm>> -> memref<10000x128xf32, #tpu.memory_space<hbm>>
    tpu.wait_indirect_dma semaphore(%arg17 : memref<!tpu.dma_semaphore, #tpu.memory_space<semaphore_mem>>) src(%dma_wait3A_127 : memref<10000x128xf32, #tpu.memory_space<hbm>>) dst(%arg10 : memref<128x128xf32, #tpu.memory_space<vmem>>)
    %dma_start3A_128 = arith.constant 1 : i32
    %dma_start3A_129 = arith.constant 0 : i32
    %dma_start3A_130 = tpu.memref_slice %arg7[%dma_start3A_128, %dma_start3A_129] : memref<2x128xi32, #tpu.memory_space<vmem>> -> memref<1x128xi32, #tpu.memory_space<vmem>>
    %dma_start3A_131 = tpu.memref_squeeze %dma_start3A_130 : memref<1x128xi32, #tpu.memory_space<vmem>> -> memref<128xi32, #tpu.memory_space<vmem>>
    %dma_start3A_132 = arith.constant 0 : i32
    %dma_start3A_133 = arith.constant 0 : i32
    %dma_start3A_134 = tpu.memref_slice %arg11[%dma_start3A_132, %dma_start3A_133] : memref<10000x128xf32, #tpu.memory_space<vmem_shared>> -> memref<10000x128xf32, #tpu.memory_space<vmem_shared>>
    tpu.enqueue_indirect_dma source(%arg10 : memref<128x128xf32, #tpu.memory_space<vmem>>) target(%dma_start3A_134 : memref<10000x128xf32, #tpu.memory_space<vmem_shared>>) offsets(%dma_start3A_131 : memref<128xi32, #tpu.memory_space<vmem>>) semaphore(%arg20 : memref<!tpu.dma_semaphore, #tpu.memory_space<semaphore_mem>>) {add = true}
    %scan3A_135 = arith.constant 0 : i32
    %scan3A_136 = arith.constant 0 : i32
    %scan3A_137 = arith.constant 25 : i32
    %scan3A_138 = arith.addi %scan3A_136, %scan3A_137 : i32
    %scan3A_139 = arith.constant 1 : i32
    scf.for %scan3A_178 = %scan3A_136 to %scan3A_138 step %scan3A_139  : i32 {
      %add3A_179 = arith.constant 1 : i32
      %add3A_180 = arith.addi %scan3A_178, %add3A_179 : i32
      %mul3A_181 = arith.constant 3 : i32
      %mul3A_182 = arith.muli %mul3A_181, %add3A_180 : i32
      %add3A_183 = arith.addi %mul3A_31, %mul3A_182 : i32
      %dma_wait3A_184 = arith.constant 1 : i32
      %dma_wait3A_185 = arith.constant 0 : i32
      %dma_wait3A_186 = tpu.memref_slice %arg5[%dma_wait3A_184, %dma_wait3A_185] : memref<2x128xi32, #tpu.memory_space<vmem>> -> memref<1x128xi32, #tpu.memory_space<vmem>>
      %dma_wait3A_187 = tpu.memref_squeeze %dma_wait3A_186 : memref<1x128xi32, #tpu.memory_space<vmem>> -> memref<128xi32, #tpu.memory_space<vmem>>
      %dma_wait3A_188 = arith.constant 0 : i32
      %dma_wait3A_189 = arith.constant 0 : i32
      %dma_wait3A_190 = tpu.memref_slice %arg11[%dma_wait3A_188, %dma_wait3A_189] : memref<10000x128xf32, #tpu.memory_space<vmem_shared>> -> memref<10000x128xf32, #tpu.memory_space<vmem_shared>>
      tpu.wait_indirect_dma semaphore(%arg18 : memref<!tpu.dma_semaphore, #tpu.memory_space<semaphore_mem>>) src(%arg8 : memref<128x128xf32, #tpu.memory_space<vmem>>) dst(%dma_wait3A_190 : memref<10000x128xf32, #tpu.memory_space<vmem_shared>>)
      %add3A_191 = arith.constant 0 : i32
      %add3A_192 = arith.addi %add3A_183, %add3A_191 : i32
      %mul3A_193 = arith.constant 128 : i32
      %mul3A_194 = arith.muli %add3A_192, %mul3A_193 : i32
      %dma_start3A_195 = arith.constant 0 : i32
      %dma_start3A_196 = tpu.memref_slice %arg3[%dma_start3A_195, %mul3A_194] : memref<2x320000xi32, #tpu.memory_space<hbm>> -> memref<2x128xi32, #tpu.memory_space<hbm>>
      %dma_start3A_197 = arith.constant 0 : i32
      %dma_start3A_198 = tpu.memref_slice %arg3[%dma_start3A_197, %mul3A_194] : memref<2x320000xi32, #tpu.memory_space<hbm>> -> memref<2x128xi32, #tpu.memory_space<hbm>>
      tpu.enqueue_dma source(%dma_start3A_198 : memref<2x128xi32, #tpu.memory_space<hbm>>) target(%arg5 : memref<2x128xi32, #tpu.memory_space<vmem>>) target_semaphore(%arg12 : memref<!tpu.dma_semaphore, #tpu.memory_space<semaphore_mem>>)
      %dma_wait3A_199 = arith.constant 1 : i32
      %dma_wait3A_200 = arith.constant 0 : i32
      %dma_wait3A_201 = tpu.memref_slice %arg6[%dma_wait3A_199, %dma_wait3A_200] : memref<2x128xi32, #tpu.memory_space<vmem>> -> memref<1x128xi32, #tpu.memory_space<vmem>>
      %dma_wait3A_202 = tpu.memref_squeeze %dma_wait3A_201 : memref<1x128xi32, #tpu.memory_space<vmem>> -> memref<128xi32, #tpu.memory_space<vmem>>
      %dma_wait3A_203 = arith.constant 0 : i32
      %dma_wait3A_204 = arith.constant 0 : i32
      %dma_wait3A_205 = tpu.memref_slice %arg11[%dma_wait3A_203, %dma_wait3A_204] : memref<10000x128xf32, #tpu.memory_space<vmem_shared>> -> memref<10000x128xf32, #tpu.memory_space<vmem_shared>>
      tpu.wait_indirect_dma semaphore(%arg19 : memref<!tpu.dma_semaphore, #tpu.memory_space<semaphore_mem>>) src(%arg9 : memref<128x128xf32, #tpu.memory_space<vmem>>) dst(%dma_wait3A_205 : memref<10000x128xf32, #tpu.memory_space<vmem_shared>>)
      %add3A_206 = arith.constant 1 : i32
      %add3A_207 = arith.addi %add3A_183, %add3A_206 : i32
      %mul3A_208 = arith.constant 128 : i32
      %mul3A_209 = arith.muli %add3A_207, %mul3A_208 : i32
      %dma_start3A_210 = arith.constant 0 : i32
      %dma_start3A_211 = tpu.memref_slice %arg3[%dma_start3A_210, %mul3A_209] : memref<2x320000xi32, #tpu.memory_space<hbm>> -> memref<2x128xi32, #tpu.memory_space<hbm>>
      %dma_start3A_212 = arith.constant 0 : i32
      %dma_start3A_213 = tpu.memref_slice %arg3[%dma_start3A_212, %mul3A_209] : memref<2x320000xi32, #tpu.memory_space<hbm>> -> memref<2x128xi32, #tpu.memory_space<hbm>>
      tpu.enqueue_dma source(%dma_start3A_213 : memref<2x128xi32, #tpu.memory_space<hbm>>) target(%arg6 : memref<2x128xi32, #tpu.memory_space<vmem>>) target_semaphore(%arg13 : memref<!tpu.dma_semaphore, #tpu.memory_space<semaphore_mem>>)
      %dma_wait3A_214 = arith.constant 1 : i32
      %dma_wait3A_215 = arith.constant 0 : i32
      %dma_wait3A_216 = tpu.memref_slice %arg7[%dma_wait3A_214, %dma_wait3A_215] : memref<2x128xi32, #tpu.memory_space<vmem>> -> memref<1x128xi32, #tpu.memory_space<vmem>>
      %dma_wait3A_217 = tpu.memref_squeeze %dma_wait3A_216 : memref<1x128xi32, #tpu.memory_space<vmem>> -> memref<128xi32, #tpu.memory_space<vmem>>
      %dma_wait3A_218 = arith.constant 0 : i32
      %dma_wait3A_219 = arith.constant 0 : i32
      %dma_wait3A_220 = tpu.memref_slice %arg11[%dma_wait3A_218, %dma_wait3A_219] : memref<10000x128xf32, #tpu.memory_space<vmem_shared>> -> memref<10000x128xf32, #tpu.memory_space<vmem_shared>>
      tpu.wait_indirect_dma semaphore(%arg20 : memref<!tpu.dma_semaphore, #tpu.memory_space<semaphore_mem>>) src(%arg10 : memref<128x128xf32, #tpu.memory_space<vmem>>) dst(%dma_wait3A_220 : memref<10000x128xf32, #tpu.memory_space<vmem_shared>>)
      %add3A_221 = arith.constant 2 : i32
      %add3A_222 = arith.addi %add3A_183, %add3A_221 : i32
      %mul3A_223 = arith.constant 128 : i32
      %mul3A_224 = arith.muli %add3A_222, %mul3A_223 : i32
      %dma_start3A_225 = arith.constant 0 : i32
      %dma_start3A_226 = tpu.memref_slice %arg3[%dma_start3A_225, %mul3A_224] : memref<2x320000xi32, #tpu.memory_space<hbm>> -> memref<2x128xi32, #tpu.memory_space<hbm>>
      %dma_start3A_227 = arith.constant 0 : i32
      %dma_start3A_228 = tpu.memref_slice %arg3[%dma_start3A_227, %mul3A_224] : memref<2x320000xi32, #tpu.memory_space<hbm>> -> memref<2x128xi32, #tpu.memory_space<hbm>>
      tpu.enqueue_dma source(%dma_start3A_228 : memref<2x128xi32, #tpu.memory_space<hbm>>) target(%arg7 : memref<2x128xi32, #tpu.memory_space<vmem>>) target_semaphore(%arg14 : memref<!tpu.dma_semaphore, #tpu.memory_space<semaphore_mem>>)
      %dma_wait3A_229 = arith.constant 0 : i32
      %dma_wait3A_230 = arith.constant 0 : i32
      %dma_wait3A_231 = tpu.memref_slice %arg3[%dma_wait3A_229, %dma_wait3A_230] : memref<2x320000xi32, #tpu.memory_space<hbm>> -> memref<2x128xi32, #tpu.memory_space<hbm>>
      %dma_wait3A_232 = arith.constant 0 : i32
      %dma_wait3A_233 = arith.constant 0 : i32
      %dma_wait3A_234 = tpu.memref_slice %arg3[%dma_wait3A_232, %dma_wait3A_233] : memref<2x320000xi32, #tpu.memory_space<hbm>> -> memref<2x128xi32, #tpu.memory_space<hbm>>
      tpu.wait_dma2 semaphore(%arg12 : memref<!tpu.dma_semaphore, #tpu.memory_space<semaphore_mem>>) src(%dma_wait3A_234 : memref<2x128xi32, #tpu.memory_space<hbm>>) dst(%arg5 : memref<2x128xi32, #tpu.memory_space<vmem>>)
      %dma_start3A_235 = arith.constant 0 : i32
      %dma_start3A_236 = arith.constant 0 : i32
      %dma_start3A_237 = tpu.memref_slice %arg5[%dma_start3A_235, %dma_start3A_236] : memref<2x128xi32, #tpu.memory_space<vmem>> -> memref<1x128xi32, #tpu.memory_space<vmem>>
      %dma_start3A_238 = tpu.memref_squeeze %dma_start3A_237 : memref<1x128xi32, #tpu.memory_space<vmem>> -> memref<128xi32, #tpu.memory_space<vmem>>
      %dma_start3A_239 = arith.constant 0 : i32
      %dma_start3A_240 = arith.constant 0 : i32
      %dma_start3A_241 = tpu.memref_slice %arg2[%dma_start3A_239, %dma_start3A_240] : memref<10000x128xf32, #tpu.memory_space<hbm>> -> memref<10000x128xf32, #tpu.memory_space<hbm>>
      tpu.enqueue_indirect_dma source(%dma_start3A_241 : memref<10000x128xf32, #tpu.memory_space<hbm>>) target(%arg8 : memref<128x128xf32, #tpu.memory_space<vmem>>) offsets(%dma_start3A_238 : memref<128xi32, #tpu.memory_space<vmem>>) semaphore(%arg15 : memref<!tpu.dma_semaphore, #tpu.memory_space<semaphore_mem>>)
      %dma_wait3A_242 = arith.constant 0 : i32
      %dma_wait3A_243 = arith.constant 0 : i32
      %dma_wait3A_244 = tpu.memref_slice %arg3[%dma_wait3A_242, %dma_wait3A_243] : memref<2x320000xi32, #tpu.memory_space<hbm>> -> memref<2x128xi32, #tpu.memory_space<hbm>>
      %dma_wait3A_245 = arith.constant 0 : i32
      %dma_wait3A_246 = arith.constant 0 : i32
      %dma_wait3A_247 = tpu.memref_slice %arg3[%dma_wait3A_245, %dma_wait3A_246] : memref<2x320000xi32, #tpu.memory_space<hbm>> -> memref<2x128xi32, #tpu.memory_space<hbm>>
      tpu.wait_dma2 semaphore(%arg13 : memref<!tpu.dma_semaphore, #tpu.memory_space<semaphore_mem>>) src(%dma_wait3A_247 : memref<2x128xi32, #tpu.memory_space<hbm>>) dst(%arg6 : memref<2x128xi32, #tpu.memory_space<vmem>>)
      %dma_start3A_248 = arith.constant 0 : i32
      %dma_start3A_249 = arith.constant 0 : i32
      %dma_start3A_250 = tpu.memref_slice %arg6[%dma_start3A_248, %dma_start3A_249] : memref<2x128xi32, #tpu.memory_space<vmem>> -> memref<1x128xi32, #tpu.memory_space<vmem>>
      %dma_start3A_251 = tpu.memref_squeeze %dma_start3A_250 : memref<1x128xi32, #tpu.memory_space<vmem>> -> memref<128xi32, #tpu.memory_space<vmem>>
      %dma_start3A_252 = arith.constant 0 : i32
      %dma_start3A_253 = arith.constant 0 : i32
      %dma_start3A_254 = tpu.memref_slice %arg2[%dma_start3A_252, %dma_start3A_253] : memref<10000x128xf32, #tpu.memory_space<hbm>> -> memref<10000x128xf32, #tpu.memory_space<hbm>>
      tpu.enqueue_indirect_dma source(%dma_start3A_254 : memref<10000x128xf32, #tpu.memory_space<hbm>>) target(%arg9 : memref<128x128xf32, #tpu.memory_space<vmem>>) offsets(%dma_start3A_251 : memref<128xi32, #tpu.memory_space<vmem>>) semaphore(%arg16 : memref<!tpu.dma_semaphore, #tpu.memory_space<semaphore_mem>>)
      %dma_wait3A_255 = arith.constant 0 : i32
      %dma_wait3A_256 = arith.constant 0 : i32
      %dma_wait3A_257 = tpu.memref_slice %arg3[%dma_wait3A_255, %dma_wait3A_256] : memref<2x320000xi32, #tpu.memory_space<hbm>> -> memref<2x128xi32, #tpu.memory_space<hbm>>
      %dma_wait3A_258 = arith.constant 0 : i32
      %dma_wait3A_259 = arith.constant 0 : i32
      %dma_wait3A_260 = tpu.memref_slice %arg3[%dma_wait3A_258, %dma_wait3A_259] : memref<2x320000xi32, #tpu.memory_space<hbm>> -> memref<2x128xi32, #tpu.memory_space<hbm>>
      tpu.wait_dma2 semaphore(%arg14 : memref<!tpu.dma_semaphore, #tpu.memory_space<semaphore_mem>>) src(%dma_wait3A_260 : memref<2x128xi32, #tpu.memory_space<hbm>>) dst(%arg7 : memref<2x128xi32, #tpu.memory_space<vmem>>)
      %dma_start3A_261 = arith.constant 0 : i32
      %dma_start3A_262 = arith.constant 0 : i32
      %dma_start3A_263 = tpu.memref_slice %arg7[%dma_start3A_261, %dma_start3A_262] : memref<2x128xi32, #tpu.memory_space<vmem>> -> memref<1x128xi32, #tpu.memory_space<vmem>>
      %dma_start3A_264 = tpu.memref_squeeze %dma_start3A_263 : memref<1x128xi32, #tpu.memory_space<vmem>> -> memref<128xi32, #tpu.memory_space<vmem>>
      %dma_start3A_265 = arith.constant 0 : i32
      %dma_start3A_266 = arith.constant 0 : i32
      %dma_start3A_267 = tpu.memref_slice %arg2[%dma_start3A_265, %dma_start3A_266] : memref<10000x128xf32, #tpu.memory_space<hbm>> -> memref<10000x128xf32, #tpu.memory_space<hbm>>
      tpu.enqueue_indirect_dma source(%dma_start3A_267 : memref<10000x128xf32, #tpu.memory_space<hbm>>) target(%arg10 : memref<128x128xf32, #tpu.memory_space<vmem>>) offsets(%dma_start3A_264 : memref<128xi32, #tpu.memory_space<vmem>>) semaphore(%arg17 : memref<!tpu.dma_semaphore, #tpu.memory_space<semaphore_mem>>)
      %dma_wait3A_268 = arith.constant 0 : i32
      %dma_wait3A_269 = arith.constant 0 : i32
      %dma_wait3A_270 = tpu.memref_slice %arg5[%dma_wait3A_268, %dma_wait3A_269] : memref<2x128xi32, #tpu.memory_space<vmem>> -> memref<1x128xi32, #tpu.memory_space<vmem>>
      %dma_wait3A_271 = tpu.memref_squeeze %dma_wait3A_270 : memref<1x128xi32, #tpu.memory_space<vmem>> -> memref<128xi32, #tpu.memory_space<vmem>>
      %dma_wait3A_272 = arith.constant 0 : i32
      %dma_wait3A_273 = arith.constant 0 : i32
      %dma_wait3A_274 = tpu.memref_slice %arg2[%dma_wait3A_272, %dma_wait3A_273] : memref<10000x128xf32, #tpu.memory_space<hbm>> -> memref<10000x128xf32, #tpu.memory_space<hbm>>
      tpu.wait_indirect_dma semaphore(%arg15 : memref<!tpu.dma_semaphore, #tpu.memory_space<semaphore_mem>>) src(%dma_wait3A_274 : memref<10000x128xf32, #tpu.memory_space<hbm>>) dst(%arg8 : memref<128x128xf32, #tpu.memory_space<vmem>>)
      %dma_start3A_275 = arith.constant 1 : i32
      %dma_start3A_276 = arith.constant 0 : i32
      %dma_start3A_277 = tpu.memref_slice %arg5[%dma_start3A_275, %dma_start3A_276] : memref<2x128xi32, #tpu.memory_space<vmem>> -> memref<1x128xi32, #tpu.memory_space<vmem>>
      %dma_start3A_278 = tpu.memref_squeeze %dma_start3A_277 : memref<1x128xi32, #tpu.memory_space<vmem>> -> memref<128xi32, #tpu.memory_space<vmem>>
      %dma_start3A_279 = arith.constant 0 : i32
      %dma_start3A_280 = arith.constant 0 : i32
      %dma_start3A_281 = tpu.memref_slice %arg11[%dma_start3A_279, %dma_start3A_280] : memref<10000x128xf32, #tpu.memory_space<vmem_shared>> -> memref<10000x128xf32, #tpu.memory_space<vmem_shared>>
      tpu.enqueue_indirect_dma source(%arg8 : memref<128x128xf32, #tpu.memory_space<vmem>>) target(%dma_start3A_281 : memref<10000x128xf32, #tpu.memory_space<vmem_shared>>) offsets(%dma_start3A_278 : memref<128xi32, #tpu.memory_space<vmem>>) semaphore(%arg18 : memref<!tpu.dma_semaphore, #tpu.memory_space<semaphore_mem>>) {add = true}
      %dma_wait3A_282 = arith.constant 0 : i32
      %dma_wait3A_283 = arith.constant 0 : i32
      %dma_wait3A_284 = tpu.memref_slice %arg6[%dma_wait3A_282, %dma_wait3A_283] : memref<2x128xi32, #tpu.memory_space<vmem>> -> memref<1x128xi32, #tpu.memory_space<vmem>>
      %dma_wait3A_285 = tpu.memref_squeeze %dma_wait3A_284 : memref<1x128xi32, #tpu.memory_space<vmem>> -> memref<128xi32, #tpu.memory_space<vmem>>
      %dma_wait3A_286 = arith.constant 0 : i32
      %dma_wait3A_287 = arith.constant 0 : i32
      %dma_wait3A_288 = tpu.memref_slice %arg2[%dma_wait3A_286, %dma_wait3A_287] : memref<10000x128xf32, #tpu.memory_space<hbm>> -> memref<10000x128xf32, #tpu.memory_space<hbm>>
      tpu.wait_indirect_dma semaphore(%arg16 : memref<!tpu.dma_semaphore, #tpu.memory_space<semaphore_mem>>) src(%dma_wait3A_288 : memref<10000x128xf32, #tpu.memory_space<hbm>>) dst(%arg9 : memref<128x128xf32, #tpu.memory_space<vmem>>)
      %dma_start3A_289 = arith.constant 1 : i32
      %dma_start3A_290 = arith.constant 0 : i32
      %dma_start3A_291 = tpu.memref_slice %arg6[%dma_start3A_289, %dma_start3A_290] : memref<2x128xi32, #tpu.memory_space<vmem>> -> memref<1x128xi32, #tpu.memory_space<vmem>>
      %dma_start3A_292 = tpu.memref_squeeze %dma_start3A_291 : memref<1x128xi32, #tpu.memory_space<vmem>> -> memref<128xi32, #tpu.memory_space<vmem>>
      %dma_start3A_293 = arith.constant 0 : i32
      %dma_start3A_294 = arith.constant 0 : i32
      %dma_start3A_295 = tpu.memref_slice %arg11[%dma_start3A_293, %dma_start3A_294] : memref<10000x128xf32, #tpu.memory_space<vmem_shared>> -> memref<10000x128xf32, #tpu.memory_space<vmem_shared>>
      tpu.enqueue_indirect_dma source(%arg9 : memref<128x128xf32, #tpu.memory_space<vmem>>) target(%dma_start3A_295 : memref<10000x128xf32, #tpu.memory_space<vmem_shared>>) offsets(%dma_start3A_292 : memref<128xi32, #tpu.memory_space<vmem>>) semaphore(%arg19 : memref<!tpu.dma_semaphore, #tpu.memory_space<semaphore_mem>>) {add = true}
      %dma_wait3A_296 = arith.constant 0 : i32
      %dma_wait3A_297 = arith.constant 0 : i32
      %dma_wait3A_298 = tpu.memref_slice %arg7[%dma_wait3A_296, %dma_wait3A_297] : memref<2x128xi32, #tpu.memory_space<vmem>> -> memref<1x128xi32, #tpu.memory_space<vmem>>
      %dma_wait3A_299 = tpu.memref_squeeze %dma_wait3A_298 : memref<1x128xi32, #tpu.memory_space<vmem>> -> memref<128xi32, #tpu.memory_space<vmem>>
      %dma_wait3A_300 = arith.constant 0 : i32
      %dma_wait3A_301 = arith.constant 0 : i32
      %dma_wait3A_302 = tpu.memref_slice %arg2[%dma_wait3A_300, %dma_wait3A_301] : memref<10000x128xf32, #tpu.memory_space<hbm>> -> memref<10000x128xf32, #tpu.memory_space<hbm>>
      tpu.wait_indirect_dma semaphore(%arg17 : memref<!tpu.dma_semaphore, #tpu.memory_space<semaphore_mem>>) src(%dma_wait3A_302 : memref<10000x128xf32, #tpu.memory_space<hbm>>) dst(%arg10 : memref<128x128xf32, #tpu.memory_space<vmem>>)
      %dma_start3A_303 = arith.constant 1 : i32
      %dma_start3A_304 = arith.constant 0 : i32
      %dma_start3A_305 = tpu.memref_slice %arg7[%dma_start3A_303, %dma_start3A_304] : memref<2x128xi32, #tpu.memory_space<vmem>> -> memref<1x128xi32, #tpu.memory_space<vmem>>
      %dma_start3A_306 = tpu.memref_squeeze %dma_start3A_305 : memref<1x128xi32, #tpu.memory_space<vmem>> -> memref<128xi32, #tpu.memory_space<vmem>>
      %dma_start3A_307 = arith.constant 0 : i32
      %dma_start3A_308 = arith.constant 0 : i32
      %dma_start3A_309 = tpu.memref_slice %arg11[%dma_start3A_307, %dma_start3A_308] : memref<10000x128xf32, #tpu.memory_space<vmem_shared>> -> memref<10000x128xf32, #tpu.memory_space<vmem_shared>>
      tpu.enqueue_indirect_dma source(%arg10 : memref<128x128xf32, #tpu.memory_space<vmem>>) target(%dma_start3A_309 : memref<10000x128xf32, #tpu.memory_space<vmem_shared>>) offsets(%dma_start3A_306 : memref<128xi32, #tpu.memory_space<vmem>>) semaphore(%arg20 : memref<!tpu.dma_semaphore, #tpu.memory_space<semaphore_mem>>) {add = true}
    }
    %scan3A_140 = arith.constant 25 : i32
    %dma_wait3A_141 = arith.constant 1 : i32
    %dma_wait3A_142 = arith.constant 0 : i32
    %dma_wait3A_143 = tpu.memref_slice %arg5[%dma_wait3A_141, %dma_wait3A_142] : memref<2x128xi32, #tpu.memory_space<vmem>> -> memref<1x128xi32, #tpu.memory_space<vmem>>
    %dma_wait3A_144 = tpu.memref_squeeze %dma_wait3A_143 : memref<1x128xi32, #tpu.memory_space<vmem>> -> memref<128xi32, #tpu.memory_space<vmem>>
    %dma_wait3A_145 = arith.constant 0 : i32
    %dma_wait3A_146 = arith.constant 0 : i32
    %dma_wait3A_147 = tpu.memref_slice %arg11[%dma_wait3A_145, %dma_wait3A_146] : memref<10000x128xf32, #tpu.memory_space<vmem_shared>> -> memref<10000x128xf32, #tpu.memory_space<vmem_shared>>
    tpu.wait_indirect_dma semaphore(%arg18 : memref<!tpu.dma_semaphore, #tpu.memory_space<semaphore_mem>>) src(%arg8 : memref<128x128xf32, #tpu.memory_space<vmem>>) dst(%dma_wait3A_147 : memref<10000x128xf32, #tpu.memory_space<vmem_shared>>)
    %dma_wait3A_148 = arith.constant 1 : i32
    %dma_wait3A_149 = arith.constant 0 : i32
    %dma_wait3A_150 = tpu.memref_slice %arg6[%dma_wait3A_148, %dma_wait3A_149] : memref<2x128xi32, #tpu.memory_space<vmem>> -> memref<1x128xi32, #tpu.memory_space<vmem>>
    %dma_wait3A_151 = tpu.memref_squeeze %dma_wait3A_150 : memref<1x128xi32, #tpu.memory_space<vmem>> -> memref<128xi32, #tpu.memory_space<vmem>>
    %dma_wait3A_152 = arith.constant 0 : i32
    %dma_wait3A_153 = arith.constant 0 : i32
    %dma_wait3A_154 = tpu.memref_slice %arg11[%dma_wait3A_152, %dma_wait3A_153] : memref<10000x128xf32, #tpu.memory_space<vmem_shared>> -> memref<10000x128xf32, #tpu.memory_space<vmem_shared>>
    tpu.wait_indirect_dma semaphore(%arg19 : memref<!tpu.dma_semaphore, #tpu.memory_space<semaphore_mem>>) src(%arg9 : memref<128x128xf32, #tpu.memory_space<vmem>>) dst(%dma_wait3A_154 : memref<10000x128xf32, #tpu.memory_space<vmem_shared>>)
    %dma_wait3A_155 = arith.constant 1 : i32
    %dma_wait3A_156 = arith.constant 0 : i32
    %dma_wait3A_157 = tpu.memref_slice %arg7[%dma_wait3A_155, %dma_wait3A_156] : memref<2x128xi32, #tpu.memory_space<vmem>> -> memref<1x128xi32, #tpu.memory_space<vmem>>
    %dma_wait3A_158 = tpu.memref_squeeze %dma_wait3A_157 : memref<1x128xi32, #tpu.memory_space<vmem>> -> memref<128xi32, #tpu.memory_space<vmem>>
    %dma_wait3A_159 = arith.constant 0 : i32
    %dma_wait3A_160 = arith.constant 0 : i32
    %dma_wait3A_161 = tpu.memref_slice %arg11[%dma_wait3A_159, %dma_wait3A_160] : memref<10000x128xf32, #tpu.memory_space<vmem_shared>> -> memref<10000x128xf32, #tpu.memory_space<vmem_shared>>
    tpu.wait_indirect_dma semaphore(%arg20 : memref<!tpu.dma_semaphore, #tpu.memory_space<semaphore_mem>>) src(%arg10 : memref<128x128xf32, #tpu.memory_space<vmem>>) dst(%dma_wait3A_161 : memref<10000x128xf32, #tpu.memory_space<vmem_shared>>)
    %lt3A = arith.constant 4 : i32
    %lt3A_162 = arith.cmpi slt, %add3A, %lt3A : i32
    %convert_element_type3A_163 = arith.extui %lt3A_162 : i1 to i32
    %cond3A_164 = arith.constant 0 : i32
    %cond3A_165 = arith.cmpi ne, %convert_element_type3A_163, %cond3A_164 : i32
    scf.if %cond3A_165 {
      %add3A_178 = arith.constant 2496 : i32
      %add3A_179 = arith.addi %add3A_178, %add3A : i32
      %mul3A_180 = arith.constant 128 : i32
      %mul3A_181 = arith.muli %add3A_179, %mul3A_180 : i32
      %dma_start3A_182 = arith.constant 0 : i32
      %dma_start3A_183 = tpu.memref_slice %arg3[%dma_start3A_182, %mul3A_181] : memref<2x320000xi32, #tpu.memory_space<hbm>> -> memref<2x128xi32, #tpu.memory_space<hbm>>
      %dma_start3A_184 = arith.constant 0 : i32
      %dma_start3A_185 = tpu.memref_slice %arg3[%dma_start3A_184, %mul3A_181] : memref<2x320000xi32, #tpu.memory_space<hbm>> -> memref<2x128xi32, #tpu.memory_space<hbm>>
      tpu.enqueue_dma source(%dma_start3A_185 : memref<2x128xi32, #tpu.memory_space<hbm>>) target(%arg5 : memref<2x128xi32, #tpu.memory_space<vmem>>) target_semaphore(%arg12 : memref<!tpu.dma_semaphore, #tpu.memory_space<semaphore_mem>>)
      %dma_wait3A_186 = arith.constant 0 : i32
      %dma_wait3A_187 = arith.constant 0 : i32
      %dma_wait3A_188 = tpu.memref_slice %arg3[%dma_wait3A_186, %dma_wait3A_187] : memref<2x320000xi32, #tpu.memory_space<hbm>> -> memref<2x128xi32, #tpu.memory_space<hbm>>
      %dma_wait3A_189 = arith.constant 0 : i32
      %dma_wait3A_190 = arith.constant 0 : i32
      %dma_wait3A_191 = tpu.memref_slice %arg3[%dma_wait3A_189, %dma_wait3A_190] : memref<2x320000xi32, #tpu.memory_space<hbm>> -> memref<2x128xi32, #tpu.memory_space<hbm>>
      tpu.wait_dma2 semaphore(%arg12 : memref<!tpu.dma_semaphore, #tpu.memory_space<semaphore_mem>>) src(%dma_wait3A_191 : memref<2x128xi32, #tpu.memory_space<hbm>>) dst(%arg5 : memref<2x128xi32, #tpu.memory_space<vmem>>)
      %dma_start3A_192 = arith.constant 0 : i32
      %dma_start3A_193 = arith.constant 0 : i32
      %dma_start3A_194 = tpu.memref_slice %arg5[%dma_start3A_192, %dma_start3A_193] : memref<2x128xi32, #tpu.memory_space<vmem>> -> memref<1x128xi32, #tpu.memory_space<vmem>>
      %dma_start3A_195 = tpu.memref_squeeze %dma_start3A_194 : memref<1x128xi32, #tpu.memory_space<vmem>> -> memref<128xi32, #tpu.memory_space<vmem>>
      %dma_start3A_196 = arith.constant 0 : i32
      %dma_start3A_197 = arith.constant 0 : i32
      %dma_start3A_198 = tpu.memref_slice %arg2[%dma_start3A_196, %dma_start3A_197] : memref<10000x128xf32, #tpu.memory_space<hbm>> -> memref<10000x128xf32, #tpu.memory_space<hbm>>
      tpu.enqueue_indirect_dma source(%dma_start3A_198 : memref<10000x128xf32, #tpu.memory_space<hbm>>) target(%arg8 : memref<128x128xf32, #tpu.memory_space<vmem>>) offsets(%dma_start3A_195 : memref<128xi32, #tpu.memory_space<vmem>>) semaphore(%arg15 : memref<!tpu.dma_semaphore, #tpu.memory_space<semaphore_mem>>)
      %dma_wait3A_199 = arith.constant 0 : i32
      %dma_wait3A_200 = arith.constant 0 : i32
      %dma_wait3A_201 = tpu.memref_slice %arg5[%dma_wait3A_199, %dma_wait3A_200] : memref<2x128xi32, #tpu.memory_space<vmem>> -> memref<1x128xi32, #tpu.memory_space<vmem>>
      %dma_wait3A_202 = tpu.memref_squeeze %dma_wait3A_201 : memref<1x128xi32, #tpu.memory_space<vmem>> -> memref<128xi32, #tpu.memory_space<vmem>>
      %dma_wait3A_203 = arith.constant 0 : i32
      %dma_wait3A_204 = arith.constant 0 : i32
      %dma_wait3A_205 = tpu.memref_slice %arg2[%dma_wait3A_203, %dma_wait3A_204] : memref<10000x128xf32, #tpu.memory_space<hbm>> -> memref<10000x128xf32, #tpu.memory_space<hbm>>
      tpu.wait_indirect_dma semaphore(%arg15 : memref<!tpu.dma_semaphore, #tpu.memory_space<semaphore_mem>>) src(%dma_wait3A_205 : memref<10000x128xf32, #tpu.memory_space<hbm>>) dst(%arg8 : memref<128x128xf32, #tpu.memory_space<vmem>>)
      %dma_start3A_206 = arith.constant 1 : i32
      %dma_start3A_207 = arith.constant 0 : i32
      %dma_start3A_208 = tpu.memref_slice %arg5[%dma_start3A_206, %dma_start3A_207] : memref<2x128xi32, #tpu.memory_space<vmem>> -> memref<1x128xi32, #tpu.memory_space<vmem>>
      %dma_start3A_209 = tpu.memref_squeeze %dma_start3A_208 : memref<1x128xi32, #tpu.memory_space<vmem>> -> memref<128xi32, #tpu.memory_space<vmem>>
      %dma_start3A_210 = arith.constant 0 : i32
      %dma_start3A_211 = arith.constant 0 : i32
      %dma_start3A_212 = tpu.memref_slice %arg11[%dma_start3A_210, %dma_start3A_211] : memref<10000x128xf32, #tpu.memory_space<vmem_shared>> -> memref<10000x128xf32, #tpu.memory_space<vmem_shared>>
      tpu.enqueue_indirect_dma source(%arg8 : memref<128x128xf32, #tpu.memory_space<vmem>>) target(%dma_start3A_212 : memref<10000x128xf32, #tpu.memory_space<vmem_shared>>) offsets(%dma_start3A_209 : memref<128xi32, #tpu.memory_space<vmem>>) semaphore(%arg18 : memref<!tpu.dma_semaphore, #tpu.memory_space<semaphore_mem>>) {add = true}
      %dma_wait3A_213 = arith.constant 1 : i32
      %dma_wait3A_214 = arith.constant 0 : i32
      %dma_wait3A_215 = tpu.memref_slice %arg5[%dma_wait3A_213, %dma_wait3A_214] : memref<2x128xi32, #tpu.memory_space<vmem>> -> memref<1x128xi32, #tpu.memory_space<vmem>>
      %dma_wait3A_216 = tpu.memref_squeeze %dma_wait3A_215 : memref<1x128xi32, #tpu.memory_space<vmem>> -> memref<128xi32, #tpu.memory_space<vmem>>
      %dma_wait3A_217 = arith.constant 0 : i32
      %dma_wait3A_218 = arith.constant 0 : i32
      %dma_wait3A_219 = tpu.memref_slice %arg11[%dma_wait3A_217, %dma_wait3A_218] : memref<10000x128xf32, #tpu.memory_space<vmem_shared>> -> memref<10000x128xf32, #tpu.memory_space<vmem_shared>>
      tpu.wait_indirect_dma semaphore(%arg18 : memref<!tpu.dma_semaphore, #tpu.memory_space<semaphore_mem>>) src(%arg8 : memref<128x128xf32, #tpu.memory_space<vmem>>) dst(%dma_wait3A_219 : memref<10000x128xf32, #tpu.memory_space<vmem_shared>>)
    } else {
    }
    %barrier3A_166 = arith.constant 0 : index
    tpu.barrier barrier_id(%barrier3A_166)
    %mul3A_167 = arith.constant 624 : i32
    %mul3A_168 = arith.muli %arg1, %mul3A_167 : i32
    %mul3A_169 = arith.constant 624 : i32
    %mul3A_170 = arith.muli %arg1, %mul3A_169 : i32
    %mul3A_171 = arith.constant 128 : i32
    %mul3A_172 = arith.muli %arg0, %mul3A_171 : i32
    "tpu.region"() ({
      %run_scoped3A = tpu.sem_alloc : memref<!tpu.dma_semaphore, #tpu.memory_space<semaphore_mem>>
      %dma_start3A_178 = tpu.memref_slice %arg4[%mul3A_170, %mul3A_172] : memref<10000x256xf32, #tpu.memory_space<hbm>> -> memref<624x128xf32, #tpu.memory_space<hbm>>
      %dma_start3A_179 = arith.constant 0 : i32
      %dma_start3A_180 = tpu.memref_slice %arg11[%mul3A_168, %dma_start3A_179] : memref<10000x128xf32, #tpu.memory_space<vmem_shared>> -> memref<624x128xf32, #tpu.memory_space<vmem_shared>>
      tpu.enqueue_dma source(%dma_start3A_180 : memref<624x128xf32, #tpu.memory_space<vmem_shared>>) target(%dma_start3A_178 : memref<624x128xf32, #tpu.memory_space<hbm>>) target_semaphore(%run_scoped3A : memref<!tpu.dma_semaphore, #tpu.memory_space<semaphore_mem>>)
      %dma_wait3A_181 = tpu.memref_slice %arg4[%mul3A_170, %mul3A_172] : memref<10000x256xf32, #tpu.memory_space<hbm>> -> memref<624x128xf32, #tpu.memory_space<hbm>>
      %dma_wait3A_182 = arith.constant 0 : i32
      %dma_wait3A_183 = tpu.memref_slice %arg11[%mul3A_168, %dma_wait3A_182] : memref<10000x128xf32, #tpu.memory_space<vmem_shared>> -> memref<624x128xf32, #tpu.memory_space<vmem_shared>>
      tpu.wait_dma2 semaphore(%run_scoped3A : memref<!tpu.dma_semaphore, #tpu.memory_space<semaphore_mem>>) src(%dma_wait3A_183 : memref<624x128xf32, #tpu.memory_space<vmem_shared>>) dst(%dma_wait3A_181 : memref<624x128xf32, #tpu.memory_space<hbm>>)
      tpu.yield
    }) : () -> ()
    %eq3A_173 = arith.constant 15 : i32
    %eq3A_174 = arith.cmpi eq, %arg1, %eq3A_173 : i32
    %convert_element_type3A_175 = arith.extui %eq3A_174 : i1 to i32
    %cond3A_176 = arith.constant 0 : i32
    %cond3A_177 = arith.cmpi ne, %convert_element_type3A_175, %cond3A_176 : i32
    scf.if %cond3A_177 {
      %mul3A_178 = arith.constant 128 : i32
      %mul3A_179 = arith.muli %arg0, %mul3A_178 : i32
      "tpu.region"() ({
        %run_scoped3A = tpu.sem_alloc : memref<!tpu.dma_semaphore, #tpu.memory_space<semaphore_mem>>
        %dma_start3A_180 = arith.constant 9984 : i32
        %dma_start3A_181 = tpu.memref_slice %arg4[%dma_start3A_180, %mul3A_179] : memref<10000x256xf32, #tpu.memory_space<hbm>> -> memref<16x128xf32, #tpu.memory_space<hbm>>
        %dma_start3A_182 = arith.constant 9984 : i32
        %dma_start3A_183 = arith.constant 0 : i32
        %dma_start3A_184 = tpu.memref_slice %arg11[%dma_start3A_182, %dma_start3A_183] : memref<10000x128xf32, #tpu.memory_space<vmem_shared>> -> memref<16x128xf32, #tpu.memory_space<vmem_shared>>
        tpu.enqueue_dma source(%dma_start3A_184 : memref<16x128xf32, #tpu.memory_space<vmem_shared>>) target(%dma_start3A_181 : memref<16x128xf32, #tpu.memory_space<hbm>>) target_semaphore(%run_scoped3A : memref<!tpu.dma_semaphore, #tpu.memory_space<semaphore_mem>>)
        %dma_wait3A_185 = arith.constant 9984 : i32
        %dma_wait3A_186 = tpu.memref_slice %arg4[%dma_wait3A_185, %mul3A_179] : memref<10000x256xf32, #tpu.memory_space<hbm>> -> memref<16x128xf32, #tpu.memory_space<hbm>>
        %dma_wait3A_187 = arith.constant 9984 : i32
        %dma_wait3A_188 = arith.constant 0 : i32
        %dma_wait3A_189 = tpu.memref_slice %arg11[%dma_wait3A_187, %dma_wait3A_188] : memref<10000x128xf32, #tpu.memory_space<vmem_shared>> -> memref<16x128xf32, #tpu.memory_space<vmem_shared>>
        tpu.wait_dma2 semaphore(%run_scoped3A : memref<!tpu.dma_semaphore, #tpu.memory_space<semaphore_mem>>) src(%dma_wait3A_189 : memref<16x128xf32, #tpu.memory_space<vmem_shared>>) dst(%dma_wait3A_186 : memref<16x128xf32, #tpu.memory_space<hbm>>)
        tpu.yield
      }) : () -> ()
    } else {
    }
    return
  }
}

module attributes {stable_mosaic.version = 14 : i64} {
  func.func @_tc_body(%arg0: i32, %arg1: memref<2000x256xf32, #tpu.memory_space<vmem>>, %arg2: memref<2000x128xf32, #tpu.memory_space<vmem>>, %arg3: memref<2000x2xf32, #tpu.memory_space<vmem>>, %arg4: memref<128x128xf32, #tpu.memory_space<vmem>>, %arg5: memref<128x128xf32, #tpu.memory_space<vmem>>, %arg6: memref<2000x128xf32, #tpu.memory_space<vmem>>) attributes {dimension_semantics = [#tpu.dimension_semantics<arbitrary>], iteration_bounds = array<i64: 5>, scalar_prefetch = 0 : i64, scratch_operands = 0 : i64, tpu.core_type = #tpu.core_type<tc>, window_params = [{transform_indices = @transform_0, window_bounds = array<i64: 2000, 256>}, {transform_indices = @transform_1, window_bounds = array<i64: 2000, 128>}, {transform_indices = @transform_2, window_bounds = array<i64: 2000, 2>}, {pipeline_mode = #tpu.pipeline_mode<synchronous>, transform_indices = @transform_3, window_bounds = array<i64: 128, 128>}, {pipeline_mode = #tpu.pipeline_mode<synchronous>, transform_indices = @transform_4, window_bounds = array<i64: 128, 128>}, {transform_indices = @transform_5, window_bounds = array<i64: 2000, 128>}]} {
    %get3A = arith.constant 0 : index
    %get3A_0 = arith.constant 0 : index
    %get3A_1 = vector.load %arg3[%get3A, %get3A_0] : memref<2000x2xf32, #tpu.memory_space<vmem>>, vector<2000x1xf32>
    %get3A_2 = arith.constant 0 : index
    %get3A_3 = arith.constant 1 : index
    %get3A_4 = vector.load %arg3[%get3A_2, %get3A_3] : memref<2000x2xf32, #tpu.memory_space<vmem>>, vector<2000x1xf32>
    %add3A = arith.addf %get3A_1, %get3A_4 : vector<2000x1xf32>
    %add3A_5 = arith.constant 1.000000e+00 : f32
    %add3A_6 = vector.broadcast %add3A_5 : f32 to vector<2000x1xf32>
    %add3A_7 = arith.addf %add3A, %add3A_6 : vector<2000x1xf32>
    %get3A_8 = arith.constant 0 : index
    %get3A_9 = arith.constant 0 : index
    %get3A_10 = vector.load %arg2[%get3A_8, %get3A_9] : memref<2000x128xf32, #tpu.memory_space<vmem>>, vector<2000x128xf32>
    %get3A_11 = arith.constant 0 : index
    %get3A_12 = arith.constant 0 : index
    %get3A_13 = vector.load %arg1[%get3A_11, %get3A_12] : memref<2000x256xf32, #tpu.memory_space<vmem>>, vector<2000x256xf32>
    %slice3A = vector.extract_strided_slice %get3A_13 {offsets = [0, 0], sizes = [2000, 128], strides = [1, 1]} : vector<2000x256xf32> to vector<2000x128xf32>
    %slice3A_14 = vector.extract_strided_slice %get3A_13 {offsets = [0, 128], sizes = [2000, 128], strides = [1, 1]} : vector<2000x256xf32> to vector<2000x128xf32>
    %add3A_15 = arith.addf %slice3A, %slice3A_14 : vector<2000x128xf32>
    %add3A_16 = arith.addf %add3A_15, %get3A_10 : vector<2000x128xf32>
    %div3A = vector.broadcast %add3A_7 : vector<2000x1xf32> to vector<2000x128xf32>
    %div3A_17 = arith.divf %add3A_16, %div3A : vector<2000x128xf32>
    %get3A_18 = arith.constant 0 : index
    %get3A_19 = arith.constant 0 : index
    %get3A_20 = vector.load %arg4[%get3A_18, %get3A_19] : memref<128x128xf32, #tpu.memory_space<vmem>>, vector<128x128xf32>
    %dot_general3A = arith.constant dense<0.000000e+00> : vector<2000x128xf32>
    %dot_general3A_21 = tpu.matmul %get3A_10, %get3A_20, %dot_general3A {dimension_numbers = #tpu.dot_dimension_numbers<[1], [0], [0], [1], [0, 0, 1, 1], [], []>, transpose_lhs_hint = false} : vector<2000x128xf32>, vector<128x128xf32>, vector<2000x128xf32> -> vector<2000x128xf32>
    %get3A_22 = arith.constant 0 : index
    %get3A_23 = arith.constant 0 : index
    %get3A_24 = vector.load %arg5[%get3A_22, %get3A_23] : memref<128x128xf32, #tpu.memory_space<vmem>>, vector<128x128xf32>
    %dot_general3A_25 = arith.constant dense<0.000000e+00> : vector<2000x128xf32>
    %dot_general3A_26 = tpu.matmul %div3A_17, %get3A_24, %dot_general3A_25 {dimension_numbers = #tpu.dot_dimension_numbers<[1], [0], [0], [1], [0, 0, 1, 1], [], []>, transpose_lhs_hint = false} : vector<2000x128xf32>, vector<128x128xf32>, vector<2000x128xf32> -> vector<2000x128xf32>
    %add3A_27 = arith.addf %dot_general3A_21, %dot_general3A_26 : vector<2000x128xf32>
    %tanh3A = math.tanh %add3A_27 : vector<2000x128xf32>
    %swap3A = arith.constant 0 : index
    %swap3A_28 = arith.constant 0 : index
    %swap3A_29 = vector.load %arg6[%swap3A, %swap3A_28] : memref<2000x128xf32, #tpu.memory_space<vmem>>, vector<2000x128xf32>
    tpu.vector_store %arg6[%swap3A, %swap3A_28], %tanh3A {strides = array<i32>} : memref<2000x128xf32, #tpu.memory_space<vmem>>, vector<2000x128xf32>,
    return
  }
  func.func @transform_0(%arg0: i32) -> (i32, i32) {
    %c0_i32 = arith.constant 0 : i32
    %c0_i32_0 = arith.constant 0 : i32
    return %arg0, %c0_i32 : i32, i32
  }
  func.func @transform_1(%arg0: i32) -> (i32, i32) {
    %c0_i32 = arith.constant 0 : i32
    %c0_i32_0 = arith.constant 0 : i32
    return %arg0, %c0_i32 : i32, i32
  }
  func.func @transform_2(%arg0: i32) -> (i32, i32) {
    %c0_i32 = arith.constant 0 : i32
    %c0_i32_0 = arith.constant 0 : i32
    return %arg0, %c0_i32 : i32, i32
  }
  func.func @transform_3(%arg0: i32) -> (i32, i32) {
    %c0_i32 = arith.constant 0 : i32
    %c0_i32_0 = arith.constant 0 : i32
    %c0_i32_1 = arith.constant 0 : i32
    return %c0_i32, %c0_i32_0 : i32, i32
  }
  func.func @transform_4(%arg0: i32) -> (i32, i32) {
    %c0_i32 = arith.constant 0 : i32
    %c0_i32_0 = arith.constant 0 : i32
    %c0_i32_1 = arith.constant 0 : i32
    return %c0_i32, %c0_i32_0 : i32, i32
  }
  func.func @transform_5(%arg0: i32) -> (i32, i32) {
    %c0_i32 = arith.constant 0 : i32
    %c0_i32_0 = arith.constant 0 : i32
    return %arg0, %c0_i32 : i32, i32
  }
}

module attributes {stable_mosaic.version = 14 : i64} {
  func.func @_tc_body(%arg0: i32, %arg1: memref<2000x256xf32, #tpu.memory_space<vmem>>, %arg2: memref<2000x128xf32, #tpu.memory_space<vmem>>, %arg3: memref<2000x2xf32, #tpu.memory_space<vmem>>, %arg4: memref<128x128xf32, #tpu.memory_space<vmem>>, %arg5: memref<128x128xf32, #tpu.memory_space<vmem>>, %arg6: memref<2000x128xf32, #tpu.memory_space<vmem>>) attributes {dimension_semantics = [#tpu.dimension_semantics<arbitrary>], iteration_bounds = array<i64: 5>, scalar_prefetch = 0 : i64, scratch_operands = 0 : i64, tpu.core_type = #tpu.core_type<tc>, window_params = [{transform_indices = @transform_0, window_bounds = array<i64: 2000, 256>}, {transform_indices = @transform_1, window_bounds = array<i64: 2000, 128>}, {transform_indices = @transform_2, window_bounds = array<i64: 2000, 2>}, {pipeline_mode = #tpu.pipeline_mode<synchronous>, transform_indices = @transform_3, window_bounds = array<i64: 128, 128>}, {pipeline_mode = #tpu.pipeline_mode<synchronous>, transform_indices = @transform_4, window_bounds = array<i64: 128, 128>}, {transform_indices = @transform_5, window_bounds = array<i64: 2000, 128>}]} {
    %get3A = arith.constant 0 : index
    %get3A_0 = arith.constant 0 : index
    %get3A_1 = vector.load %arg3[%get3A, %get3A_0] : memref<2000x2xf32, #tpu.memory_space<vmem>>, vector<2000x1xf32>
    %get3A_2 = arith.constant 0 : index
    %get3A_3 = arith.constant 1 : index
    %get3A_4 = vector.load %arg3[%get3A_2, %get3A_3] : memref<2000x2xf32, #tpu.memory_space<vmem>>, vector<2000x1xf32>
    %add3A = arith.addf %get3A_1, %get3A_4 : vector<2000x1xf32>
    %add3A_5 = arith.constant 1.000000e+00 : f32
    %add3A_6 = vector.broadcast %add3A_5 : f32 to vector<2000x1xf32>
    %add3A_7 = arith.addf %add3A, %add3A_6 : vector<2000x1xf32>
    %get3A_8 = arith.constant 0 : index
    %get3A_9 = arith.constant 0 : index
    %get3A_10 = vector.load %arg2[%get3A_8, %get3A_9] : memref<2000x128xf32, #tpu.memory_space<vmem>>, vector<2000x128xf32>
    %get3A_11 = arith.constant 0 : index
    %get3A_12 = arith.constant 0 : index
    %get3A_13 = vector.load %arg1[%get3A_11, %get3A_12] : memref<2000x256xf32, #tpu.memory_space<vmem>>, vector<2000x256xf32>
    %slice3A = vector.extract_strided_slice %get3A_13 {offsets = [0, 0], sizes = [2000, 128], strides = [1, 1]} : vector<2000x256xf32> to vector<2000x128xf32>
    %slice3A_14 = vector.extract_strided_slice %get3A_13 {offsets = [0, 128], sizes = [2000, 128], strides = [1, 1]} : vector<2000x256xf32> to vector<2000x128xf32>
    %add3A_15 = arith.addf %slice3A, %slice3A_14 : vector<2000x128xf32>
    %add3A_16 = arith.addf %add3A_15, %get3A_10 : vector<2000x128xf32>
    %div3A = vector.broadcast %add3A_7 : vector<2000x1xf32> to vector<2000x128xf32>
    %div3A_17 = arith.divf %add3A_16, %div3A : vector<2000x128xf32>
    %get3A_18 = arith.constant 0 : index
    %get3A_19 = arith.constant 0 : index
    %get3A_20 = vector.load %arg4[%get3A_18, %get3A_19] : memref<128x128xf32, #tpu.memory_space<vmem>>, vector<128x128xf32>
    %dot_general3A = arith.constant dense<0.000000e+00> : vector<2000x128xf32>
    %dot_general3A_21 = tpu.matmul %get3A_10, %get3A_20, %dot_general3A {dimension_numbers = #tpu.dot_dimension_numbers<[1], [0], [0], [1], [0, 0, 1, 1], [], []>, transpose_lhs_hint = false} : vector<2000x128xf32>, vector<128x128xf32>, vector<2000x128xf32> -> vector<2000x128xf32>
    %get3A_22 = arith.constant 0 : index
    %get3A_23 = arith.constant 0 : index
    %get3A_24 = vector.load %arg5[%get3A_22, %get3A_23] : memref<128x128xf32, #tpu.memory_space<vmem>>, vector<128x128xf32>
    %dot_general3A_25 = arith.constant dense<0.000000e+00> : vector<2000x128xf32>
    %dot_general3A_26 = tpu.matmul %div3A_17, %get3A_24, %dot_general3A_25 {dimension_numbers = #tpu.dot_dimension_numbers<[1], [0], [0], [1], [0, 0, 1, 1], [], []>, transpose_lhs_hint = false} : vector<2000x128xf32>, vector<128x128xf32>, vector<2000x128xf32> -> vector<2000x128xf32>
    %add3A_27 = arith.addf %dot_general3A_21, %dot_general3A_26 : vector<2000x128xf32>
    %tanh3A = math.tanh %add3A_27 : vector<2000x128xf32>
    %swap3A = arith.constant 0 : index
    %swap3A_28 = arith.constant 0 : index
    %swap3A_29 = vector.load %arg6[%swap3A, %swap3A_28] : memref<2000x128xf32, #tpu.memory_space<vmem>>, vector<2000x128xf32>
    tpu.vector_store %arg6[%swap3A, %swap3A_28], %tanh3A {strides = array<i32>} : memref<2000x128xf32, #tpu.memory_space<vmem>>, vector<2000x128xf32>,
    return
  }
  func.func @transform_0(%arg0: i32) -> (i32, i32) {
    %c0_i32 = arith.constant 0 : i32
    %c0_i32_0 = arith.constant 0 : i32
    return %arg0, %c0_i32 : i32, i32
  }
  func.func @transform_1(%arg0: i32) -> (i32, i32) {
    %c0_i32 = arith.constant 0 : i32
    %c0_i32_0 = arith.constant 0 : i32
    return %arg0, %c0_i32 : i32, i32
  }
  func.func @transform_2(%arg0: i32) -> (i32, i32) {
    %c0_i32 = arith.constant 0 : i32
    %c0_i32_0 = arith.constant 0 : i32
    return %arg0, %c0_i32 : i32, i32
  }
  func.func @transform_3(%arg0: i32) -> (i32, i32) {
    %c0_i32 = arith.constant 0 : i32
    %c0_i32_0 = arith.constant 0 : i32
    %c0_i32_1 = arith.constant 0 : i32
    return %c0_i32, %c0_i32_0 : i32, i32
  }
  func.func @transform_4(%arg0: i32) -> (i32, i32) {
    %c0_i32 = arith.constant 0 : i32
    %c0_i32_0 = arith.constant 0 : i32
    %c0_i32_1 = arith.constant 0 : i32
    return %c0_i32, %c0_i32_0 : i32, i32
  }
  func.func @transform_5(%arg0: i32) -> (i32, i32) {
    %c0_i32 = arith.constant 0 : i32
    %c0_i32_0 = arith.constant 0 : i32
    return %arg0, %c0_i32 : i32, i32
  }
}

</mosaic_0001>

<sc_bundles>
// kernel: kernel.6.cloned.1.call-start
scs
__scs_entry_jumppad:
0x0: {  	(pc) =	sbr.rel $0x88, $3  }
0x1: {  	(tag) =	ssettag $0x0;
	lr =	simm.s32 $0x1  }
0x2: {  	[smem:$0x3F9D] =	sst lr;
	_ =	strace $0xD0000000  }
0x3: {  	_ = 	snop  }
0x4: {  	_ = 	snop  }
0x5: {  	_ = 	snop  }
0x6: {  	_ = 	snop  }
0x7: {  	_ = 	snop  }
__scs_overlays_trampoline_lowered:
0x8: {  	[smem:$0x3FAC] =	sst s0  }
0x9: {  	[smem:$0x3FAD] =	sst s1  }
0xa: {  	[smem:$0x3FAE] =	sst s2  }
0xb: {  	[smem:$0x3FAF] =	sst s3  }
0xc: {  	[smem:$0x3FB0] =	sst s4  }
0xd: {  	[smem:$0x3FB1] =	sst s5  }
0xe: {  	[smem:$0x3FB2] =	sst s6  }
0xf: {  	[smem:$0x3FB3] =	sst s7  }
0x10: {  	[smem:$0x3FB4] =	sst s8  }
0x11: {  	[smem:$0x3FB5] =	sst s9;
	s0 =	simm.s32 @!p0 $0x0  }
0x12: {  	s1 =	sld [smem:$0x3F9B];
	s0 =	simm.s32 @p0 $0x1  }
0x13: {  	[smem:$0x3FB6] =	sst s0;
	s0 =	simm.s32 @!p1 $0x0  }
0x14: {  	s2 =	sld [smem:$0x3F9A];
	s0 =	simm.s32 @p1 $0x1  }
0x15: {  	[smem:$0x3FB7] =	sst s0;
	s0 =	simm.s32 @!p2 $0x0  }
0x16: {  	s3 =	sld [smem:$0x3FDB];
	s0 =	simm.s32 @p2 $0x1  }
0x17: {  	s4 =	simm.s32 $0x1BF5;
	[smem:$0x3FB9] =	sst s0  }
0x18: {  	s0 =	sld [smem:$0x3F9C];
	_ =	swait.ge [sflag:s4], $0x0  }
0x19: {  	s7 =	sld [smem:$0x3F9D]  }
0x1a: {  	s8 =	sadd.s32 $0xFFFFE003, lr  }
0x1b: {  	s9 =	sadd.s32 $0xFFFFFEF7, lr;
	s5 =	simm.s32 $0xFFFFFFFF;
	p2 =	slt.u32 s8, $0xFFFFF086  }
0x1c: {  	p1 =	slt.u32 s9, $0xF7A;
	s5 =	simm.s32 @!p2 $0x0  }
0x1d: {  	s5 =	simm.s32 @p1 $0x1;
	p0 =	seq.s32 s7, s2  }
0x1e: {  	s7 =	smul.u32 @!p0 $0xF7A, s2;
	p2 =	seq.s32 @!p0 s5, $0x0  }
0x1f: {  	s9 =	smul.u32 $0xF7A, s1;
	s8 =	simm.s32 @!p0 $0x1BF5;
	p2 =	por !p2, p0  }
0x20: {  	[sflag:s8] =	ssyncset.s32 @!p0 $0xFFFFF086;
	s6 =	sadd.s32 @!p0 s3, s7;
	s7 =	simm.s32 @!p0 $0x108  }
0x21: {  	s3 =	sadd.s32 s3, s9;
	s6 =	sadd.s32 @!p0 $0x88, s6;
	s7 =	simm.s32 @p2 $0x1082  }
0x22: {  	[simem:s7], [sflag:s8] =	dma.local @!p0 [hbm:s6], $0xF7A  }
0x23: {  	s9 =	sor.u32 $0xD0000000, s2;
	s6 =	simm.s32 $0x108;
	_ =	swait.ge @!p0 [sflag:s8], $0x0  }
0x24: {  	s3 =	sadd.s32 $0x88, s3;
	s6 =	simm.s32 @!p1 $0x1082;
	[sflag:s4] =	ssyncset.s32 $0xFFFFF086  }
0x25: {  	[simem:s6], [sflag:s4] =	dma.local [hbm:s3], $0xF7A  }
0x26: {  	[smem:$0x3F9D] =	sst s1;
	(tag) =	ssettag s2;
	_ =	strace s9  }
0x27: {  	s1 =	sld [smem:$0x3FAD]  }
0x28: {  	s2 =	sld [smem:$0x3FAE]  }
0x29: {  	s4 =	sld [smem:$0x3FB0]  }
0x2a: {  	p0 =	seq.s32 s5, $0x0;
	s5 =	sld [smem:$0x3FB1]  }
0x2b: {  	s6 =	sld [smem:$0x3FB2]  }
0x2c: {  	s7 =	sld [smem:$0x3FB3]  }
0x2d: {  	s3 =	simm.s32 $0x108;
	s8 =	sld [smem:$0x3FB4]  }
0x2e: {  	s3 =	simm.s32 @!p0 $0x1082;
	s9 =	sld [smem:$0x3FB5]  }
0x2f: {  	lr =	sadd.s32 s0, s3;
	s0 =	sld [smem:$0x3FAC]  }
0x30: {  	s3 =	sld [smem:$0x3FAF]  }
0x31: {  	[smem:$0x3FB8] =	sst s10  }
0x32: {  	s10 =	sld [smem:$0x3FB6];
	_ =	sdelay $0x3  }
0x33: {  	p0 =	seq.s32 s10, $0x1;
	s10 =	sld [smem:$0x3FB8];
	_ =	sdelay $0x3  }
0x34: {  	[smem:$0x3FB8] =	sst s10  }
0x35: {  	s10 =	sld [smem:$0x3FB7];
	_ =	sdelay $0x3  }
0x36: {  	p1 =	seq.s32 s10, $0x1;
	s10 =	sld [smem:$0x3FB8];
	_ =	sdelay $0x3  }
0x37: {  	[smem:$0x3FB8] =	sst s10  }
0x38: {  	s10 =	sld [smem:$0x3FB9]  }
0x39: {  	_ = 	snop;
	(pc) =	sbr.ind lr, $3  }
0x3a: {  	_ = 	snop  }
0x3b: {  	_ = 	snop  }
0x3c: {  	p2 =	seq.s32 s10, $0x1;
	s10 =	sld [smem:$0x3FB8]  }
0x3d: {  	_ =	shalt  }
0x3e: {  	_ =	shalt  }
0x3f: {  	_ =	shalt  }
0x40: {  	_ =	shalt  }
0x41: {  	_ =	shalt  }
0x42: {  	_ =	shalt  }
0x43: {  	_ =	shalt  }
0x44: {  	_ =	shalt  }
0x45: {  	_ =	shalt  }
0x46: {  	_ =	shalt  }
0x47: {  	_ =	shalt  }
0x48: {  	_ =	shalt  }
0x49: {  	_ =	shalt  }
0x4a: {  	_ =	shalt  }
0x4b: {  	_ =	shalt  }
0x4c: {  	_ =	shalt  }
0x4d: {  	_ =	shalt  }
0x4e: {  	_ =	shalt  }
0x4f: {  	_ =	shalt  }
0x50: {  	_ =	shalt  }
0x51: {  	_ =	shalt  }
0x52: {  	_ =	shalt  }
0x53: {  	_ =	shalt  }
0x54: {  	_ =	shalt  }
0x55: {  	_ =	shalt  }
0x56: {  	_ =	shalt  }
0x57: {  	_ =	shalt  }
0x58: {  	_ =	shalt  }
0x59: {  	_ =	shalt  }
0x5a: {  	_ =	shalt  }
0x5b: {  	_ =	shalt  }
0x5c: {  	_ =	shalt  }
0x5d: {  	_ =	shalt  }
0x5e: {  	_ =	shalt  }
0x5f: {  	_ =	shalt  }
0x60: {  	_ =	shalt  }
0x61: {  	_ =	shalt  }
0x62: {  	_ =	shalt  }
0x63: {  	_ =	shalt  }
0x64: {  	_ =	shalt  }
0x65: {  	_ =	shalt  }
0x66: {  	_ =	shalt  }
0x67: {  	_ =	shalt  }
0x68: {  	_ =	shalt  }
0x69: {  	_ =	shalt  }
0x6a: {  	_ =	shalt  }
0x6b: {  	_ =	shalt  }
0x6c: {  	_ =	shalt  }
0x6d: {  	_ =	shalt  }
0x6e: {  	_ =	shalt  }
0x6f: {  	_ =	shalt  }
0x70: {  	_ =	shalt  }
0x71: {  	_ =	shalt  }
0x72: {  	_ =	shalt  }
0x73: {  	_ =	shalt  }
0x74: {  	_ =	shalt  }
0x75: {  	_ =	shalt  }
0x76: {  	_ =	shalt  }
0x77: {  	_ =	shalt  }
0x78: {  	_ =	shalt  }
0x79: {  	_ =	shalt  }
0x7a: {  	_ =	shalt  }
0x7b: {  	_ =	shalt  }
0x7c: {  	_ =	shalt  }
0x7d: {  	_ =	shalt  }
0x7e: {  	_ =	shalt  }
0x7f: {  	_ =	shalt  }
0x80: {  	_ =	shalt  }
0x81: {  	_ =	shalt  }
0x82: {  	_ =	shalt  }
0x83: {  	_ =	shalt  }
0x84: {  	_ =	shalt  }
0x85: {  	_ =	shalt  }
0x86: {  	_ =	shalt  }
0x87: {  	_ =	shalt  }
.Lfunc_end0:
.L_simem_size_0:
called_computation_lowered:
.L_overlay_start_0:
0x88: {  	s2 =	sld [smem:$0x3FD9]  }
0x89: {  	s3 =	sld [smem:$0x3FFE];
	_ =	sdelay $0x1  }
0x8a: {  	s1 =	srdreg.scid  }
0x8b: {  	s0 =	sand.u32 $0x1, s1  }
0x8c: {  	s17 =	sshll.u32 s0, $0xA;
	s2 =	sadd.s32 s3, s2  }
0x8d: {  	s2 =	sadd.s32 s2, s17  }
0x8e: {  	[smem:$0x3FC4] =	sst s2  }
0x8f: {  	_ = 	snop  }
0x90: {  	s2 =	sld [smem:$0x3FC9]  }
0x91: {  	s18 =	sld [smem:$0x3FC8]  }
0x92: {  	s4 =	sld [smem:$0x3FD0];
	(tm) =	ssettm $0x1  }
0x93: {  	s5 =	sld [smem:$0x3FFB];
	_ =	sdelay $0x3  }
0x94: {  	_ =	strace s5  }
0x95: {  	s5 =	sld [smem:$0x3FFC];
	_ =	sdelay $0x3  }
0x96: {  	_ =	strace s5  }
0x97: {  	s5 =	sld [smem:$0x3FFD];
	_ =	sdelay $0x3  }
0x98: {  	_ =	strace s5  }
0x99: {  	_ =	strace $0x8FFFFFFF  }
0x9a: {  	s19 =	sld [smem:$0x3FDB];
	_ =	sdelay $0x1  }
0x9b: {  	s6 =	simm.s32 $_scs_section_size  }
0x9c: {  	s7 =	simm.s32 $_size__tile_overlayer_lowered;
	s8 =	simm.s32 $_tile_overlayer_lowered  }
0x9d: {  	s22 =	simm.s32 $0x1BFF;
	s21 =	sshll.u32 s8, $0x1;
	s5 =	sadd.s32 s6, s19  }
0x9e: {  	s9 =	simm.s32 $0x0;
	s20 =	sshll.u32 s7, $0x1;
	s7 =	sadd.s32 s21, s5  }
0x9f: {  	[timem:s9], [sflag:s22] =	dma.local [hbm:s7], s20  }
0xa0: {  	_ =	swait.ge [sflag:s22], s20  }
0xa1: {  	s6 =	ssub.s32 $0x0, s20;
	[sflag:s22] =	ssyncset.done $0x0  }
0xa2: {  	[sflag:s22] =	ssyncadd.s32 s6;
	_ =	sdelay $0x1  }
0xa3: {  	s23 =	simm.s32 $0x1B8B  }
0xa4: {  	_ =	swait.ge [sflag:s23], $0x1  }
0xa5: {  	[sflag:s23] =	ssyncset.done $0x0  }
0xa6: {  	s25 =	simm.s32 $0x1B8E;
	s24 =	sld [smem:$0x3FFE];
	[sflag:s23] =	ssyncadd.s32 $0xFFFFFFFF  }
0xa7: {  	s26 =	simm.s32 $execute0_lowered;
	[smem:$0x3FD2] =	sst s25  }
0xa8: {  	s7 =	sshll.u32 s26, $0x1;
	_ =	strace $0x80000046;
	[dreg:$0x1] =	wrdreg $0xFFFFFFFF  }
0xa9: {  	s28 =	simm.s32 $_size_execute0_lowered;
	s5 =	sadd.s32 s5, s7;
	[dreg:$0x0] =	wrdreg $0x0  }
0xaa: {  	s7 =	sshll.u32 s28, $0x1;
	[dreg:$0x2] =	wrdreg s5  }
0xab: {  	[dreg:$0x3] =	wrdreg s7  }
0xac: {  	[dreg:$0x4] =	wrdreg $0xC0  }
0xad: {  	_ =	task [dreg:s9], $0x5FFFF  }
0xae: {  	[dreg:$0x1] =	wrdreg $0xFFFFFFFF  }
0xaf: {  	[dreg:$0x0] =	wrdreg $0x60  }
0xb0: {  	[dreg:$0x2] =	wrdreg s2  }
0xb1: {  	[dreg:$0x3] =	wrdreg s18  }
0xb2: {  	[dreg:$0x4] =	wrdreg s24  }
0xb3: {  	[dreg:$0x5] =	wrdreg s4  }
0xb4: {  	[dreg:$0x6] =	wrdreg $0xC3000  }
0xb5: {  	[dreg:$0x7] =	wrdreg $0x1FD800  }
0xb6: {  	[dreg:$0x8] =	wrdreg $0x9  }
0xb7: {  	_ =	task.clear_ibuf [dreg:s9], $0x9FFFF;
	_ =	strace $0x90000046  }
0xb8: {  	s29 =	simm.s32 $0x9;
	_ =	strace $0x80000048  }
0xb9: {  	_ =	swait.ge [sflag:s29], $0x1  }
0xba: {  	[sflag:s29] =	ssyncadd.s32 $0xFFFFFFFF  }
0xbb: {  	_ =	strace $0x90000048  }
0xbc: {  	_ =	sfence  }
0xbd: {  	s30 =	sld [smem:$0x0];
	_ =	sdelay $0x2  }
0xbe: {  	s31 =	sshll.u32 s1, $0xD;
	s1 =	sshrl.u32 s1, $0x2  }
0xbf: {  	s3 =	sand.u32 $0x4000, s31;
	s1 =	sadd.s32 s1, s30  }
0xc0: {  	s0 =	sor.u32 s3, s0;
	s1 =	sshll.u32 s1, $0x11  }
0xc1: {  	s0 =	sor.u32 s1, s0  }
0xc2: {  	s0 =	sadd.s32 $0x8F2B, s0  }
0xc3: {  	[sflag:s0] =	ssyncadd.remote.s32 $0x1  }
0xc4: {  	_ =	sfence.sel $0xFFFF  }
0xc5: {  	[dreg:$0x0] =	wrdreg $0xFFFFFFFF;
	(pc) =	sbr.abs _section_cstart, $3  }
0xc6: {  	[dreg:$0x1] =	wrdreg $0xFFFFFFFF  }
0xc7: {  	_ =	task.clear_ibuf [dreg:s9], $0x2FFFF;
	_ =	strace $0x9FFFFFFF  }
0xc8: {  	(tm) =	ssettm $0x7FFFFFFF  }
0xc9: {  	_ =	shalt  }
tec
execute0_lowered:
.L_overlay_start_1:
0x0: {  	(tag) =	ssettag $0x1  }
0x1: {  	s1 =	rddreg [dreg:$0x0]  }
0x2: {  	s0 =	rddreg [dreg:$0x1]  }
0x3: {  	s4 =	rddreg [dreg:$0x2]  }
0x4: {  	s6 =	rddreg [dreg:$0x3]  }
0x5: {  	s2 =	rddreg [dreg:$0x4]  }
0x6: {  	s3 =	rddreg [dreg:$0x5];
	s5 =	simm.s32 $0x0  }
0x7: {  	s7 =	srdreg.scid;
	s17 =	stileid.u32;
	s30 =	simm.s32 $0x300  }
0x8: {  	s31 =	simm.s32 $0xA;
	s29 =	simm.s32 $0x8;
	s9 =	smul.u32 $0x4E000, s17  }
0x9: {  	[smem:$0x7FF] =	sst s5;
	s7 =	sand.u32 $0x1, s7;
	s12 =	smul.u32 $0x270, s17  }
0xa: {  	s10 =	sadd.s32 $0x2800, s4;
	s4 =	sadd.s32 $0x2200, s4;
	s23 =	smul.u32 $0x27000, s17  }
0xb: {  	s19 =	smul.u32 $0x4E, s17;
	p1 =	sne.s32 s17, $0xF;
	_ =	strace $0x80000047  }
0xc: {  	s8 =	ssub.s32 $0x2, s7;
	s21 =	sshll.u32 s7, $0x4;
	s24 =	sshll.u32 s7, $0xA  }
0xd: {  	s18 =	sshll.u32 s7, $0x7;
	s16 =	smul.u32 $0x4E0, s7;
	p0 =	seq.s32 s7, $0x0  }
0xe: {  	s20 =	smul.u32 $0x9C00, s7;
	s11 =	sshrl.u32 s8, $0x1;
	s9 =	sshrl.u32 s9, $0x2  }
0xf: {  	s26 =	sadd.s32 s12, s3;
	s4 =	smov.u32 @p0 s6;
	s8 =	ssub.s32 s8, s11  }
0x10: {  	s11 =	sor.u32 s17, s21;
	s13 =	sadd.s32 s9, s2;
	[dreg:$0xc] =	wrdreg s26  }
0x11: {  	s6 =	sadd.s32 s20, s0;
	s9 =	sadd.s32 $0x4000, s13;
	[dreg:$0x7] =	wrdreg s13  }
0x12: {  	s22 =	sadd.s32 $0x8000, s13;
	s14 =	sadd.s32 $0xC000, s13;
	[dreg:$0x8] =	wrdreg s9  }
0x13: {  	s13 =	sadd.s32 $0x10000, s13;
	s25 =	smul.u32 $0x9C0, s11;
	[dreg:$0x9] =	wrdreg s22  }
0x14: {  	s15 =	smul.u32 $0x4E00, s11;
	p0 =	sgt.u32 s11, $0x3;
	[dreg:$0xa] =	wrdreg s14  }
0x15: {  	s8 =	smax.u32 s8, $0x1;
	[dreg:$0xb] =	wrdreg s13;
	s9 =	sor.u32 s24, s23  }
0x16: {  	s13 =	sadd.s32 $0xD0, s12;
	s22 =	smul.u32 $0x9C0, s17;
	s23 =	sshll.u32 s17, $0x5  }
0x17: {  	s24 =	sadd.s32 $0x1A0, s12;
	[dreg:$0x14] =	wrdreg s8;
	s8 =	simm.s32 $0x1  }
0x18: {  	s17 =	simm.s32 $0x3;
	s9 =	sshrl.u32 s9, $0x3;
	s28 =	sadd.s32 s13, s3  }
0x19: {  	s21 =	sshrl.u32 s15, $0x3;
	s14 =	sadd.s32 s0, s25;
	s25 =	sadd.s32 s24, s3  }
0x1a: {  	s9 =	sadd.s32 s10, s9;
	s7 =	sadd.s32 s0, s21;
	[dreg:$0x10] =	wrdreg s25  }
0x1b: {  	s15 =	sadd.s32 s22, s6;
	s6 =	sadd.s32 s23, s0;
	[dreg:$0xf] =	wrdreg s14  }
0x1c: {  	s22 =	sadd.s32 $0x138000, s2;
	s23 =	sadd.s32 $0x2700, s3;
	[dreg:$0xe] =	wrdreg s28  }
0x1d: {  	[dreg:$0xd] =	wrdreg s9;
	s9 =	sadd.s32 s18, s10;
	s10 =	sadd.s32 s19, s16  }
0x1e: {  	s7 =	sadd.s32 $0x40, s7;
	s6 =	sadd.s32 $0x13800, s6;
	s16 =	sshrl.u32 s12, $0x3  }
0x1f: {  	s18 =	sshrl.u32 s13, $0x3;
	s19 =	sshrl.u32 s24, $0x3;
	[dreg:$0x19] =	wrdreg s22  }
0x20: {  	[dreg:$0x1a] =	wrdreg s23;
	s24 =	sadd.s32 $0x20, s14;
	s12 =	simm.s32 $0x4300  }
0x21: {  	s14 =	simm.s32 $0x1FB80;
	s22 =	simm.s32 $0x6;
	[dreg:$0x11] =	wrdreg s7  }
0x22: {  	s23 =	simm.s32 $0x280;
	s13 =	simm.s32 $0x0;
	[dreg:$0x12] =	wrdreg s6  }
0x23: {  	s10 =	sshll.u32 s10, $0x5;
	s11 =	sadd.s32 $0x4E000, s9;
	[dreg:$0x1b] =	wrdreg s24  }
0x24: {  	s6 =	sadd.s32 s4, s16;
	s20 =	sadd.s32 s4, s18;
	[dreg:$0x13] =	wrdreg s11  }
0x25: {  	s21 =	sadd.s32 s4, s19;
	s4 =	sadd.s32 $0x4E0, s4;
	[dreg:$0x15] =	wrdreg s6  }
0x26: {  	s7 =	simm.s32 $0x200;
	s9 =	simm.s32 $0x80;
	[dreg:$0x16] =	wrdreg s20  }
0x27: {  	s18 =	simm.s32 $0x8300;
	s19 =	simm.s32 $0x4;
	[dreg:$0x17] =	wrdreg s21  }
0x28: {  	s24 =	simm.s32 $0x7;
	s0 =	sadd.s32 s10, s0;
	[dreg:$0x18] =	wrdreg s4  }
0x29: {  	s4 =	simm.s32 $0x100;
	s10 =	simm.s32 $0x2;
	s20 =	simm.s32 $0x5  }
0x2a: {  	v0 =	vimm.f32 $0.0e+00;
	v1 =	vimm.f32 $1.000000000e+00;
	s21 =	simm.s32 $0x180;
	s11 =	simm.s32 $0x9;
	s25 =	sadd.s32 $0x60, s0  }
.LBB2_1:
0x2b: {  	[dreg:$0x1c] =	wrdreg s13;
	s6 =	simm.s32 $0x0;
	s16 =	simm.s32 $0x200  }
.LBB2_2:
0x2c: {  	p2 =	sne.s32 s16, $0xFE00;
	[tilespmem:s6+$0x370] =	vst v0  }
0x2d: {  	[tilespmem:s6+$0x300] =	vst v0  }
0x2e: {  	[tilespmem:s6+$0x310] =	vst v0  }
.Ltmp0:
0x2f: {  	[tilespmem:s6+$0x320] =	vst v0;
	(pc) =	sbr.rel @p2 .LBB2_2-.Ltmp0, $4  }
0x30: {  	[tilespmem:s6+$0x330] =	vst v0  }
0x31: {  	[tilespmem:s6+$0x340] =	vst v0  }
0x32: {  	[tilespmem:s6+$0x350] =	vst v0  }
0x33: {  	[tilespmem:s6+$0x360] =	vst v0;
	s6 =	sshra.s32 s16, $0x2;
	s16 =	sadd.s32 $0x200, s16  }
0x34: {  	[tilespmem:s6+$0x370] =	vst v0  }
0x35: {  	[tilespmem:s6+$0x300] =	vst v0  }
0x36: {  	[tilespmem:s6+$0x310] =	vst v0  }
0x37: {  	[tilespmem:s6+$0x320] =	vst v0  }
0x38: {  	[tilespmem:s6+$0x330] =	vst v0  }
0x39: {  	[tilespmem:s6+$0x340] =	vst v0  }
0x3a: {  	[tilespmem:s6+$0x350] =	vst v0  }
0x3b: {  	[tilespmem:s6+$0x360] =	vst v0;
	s0 =	rddreg [dreg:$0x7]  }
0x3c: {  	[spmem:s0] =	stream.linear.scatter [tilespmem:s30], [sflag:$0xA], $0x4000, $0x38;
	v63 =	vld [tilespmem:$0x0]  }
0x3d: {  	_ =	swait.ge [sflag:s31], $0x4000  }
0x3e: {  	[sflag:s31] =	ssyncset.done $0x0  }
0x3f: {  	s16 =	rddreg [dreg:$0x8];
	[sflag:s31] =	ssyncadd.s32 $0xFFFFC000  }
0x40: {  	[spmem:s16] =	stream.linear.scatter [tilespmem:s30], [sflag:$0xA], $0x4000, $0x38;
	v63 =	vld [tilespmem:$0x0]  }
0x41: {  	_ =	swait.ge [sflag:s31], $0x4000  }
0x42: {  	[sflag:s31] =	ssyncset.done $0x0  }
0x43: {  	s6 =	rddreg [dreg:$0x9];
	[sflag:s31] =	ssyncadd.s32 $0xFFFFC000  }
0x44: {  	[spmem:s6] =	stream.linear.scatter [tilespmem:s30], [sflag:$0xA], $0x4000, $0x38;
	v63 =	vld [tilespmem:$0x0]  }
0x45: {  	_ =	swait.ge [sflag:s31], $0x4000  }
0x46: {  	[sflag:s31] =	ssyncset.done $0x0  }
0x47: {  	s13 =	rddreg [dreg:$0xa];
	[sflag:s31] =	ssyncadd.s32 $0xFFFFC000  }
0x48: {  	[spmem:s13] =	stream.linear.scatter [tilespmem:s30], [sflag:$0xA], $0x4000, $0x38;
	v63 =	vld [tilespmem:$0x0]  }
0x49: {  	_ =	swait.ge [sflag:s31], $0x4000  }
0x4a: {  	[sflag:s31] =	ssyncset.done $0x0  }
0x4b: {  	s16 =	rddreg [dreg:$0xb];
	[sflag:s31] =	ssyncadd.s32 $0xFFFFC000  }
0x4c: {  	[spmem:s16] =	stream.linear.scatter [tilespmem:s30], [sflag:$0xA], $0x3800, $0x38;
	v63 =	vld [tilespmem:$0x0]  }
0x4d: {  	_ =	swait.ge [sflag:s31], $0x3800  }
0x4e: {  	[sflag:s31] =	ssyncset.done $0x0  }
0x4f: {  	s6 =	simm.s32 @!p1 $0x300;
	s0 =	rddreg [dreg:$0x19];
	[sflag:s31] =	ssyncadd.s32 $0xFFFFC800  }
0x50: {  	[spmem:s0] =	stream.linear.scatter @!p1 [tilespmem:s6], [sflag:$0xA], $0x800, $0x38;
	v63 =	vld [tilespmem:$0x0]  }
0x51: {  	s6 =	simm.s32 @!p1 $0xA  }
0x52: {  	_ =	swait.ge @!p1 [sflag:s6], $0x800  }
0x53: {  	[sflag:s6] =	ssyncset.done @!p1 $0x0  }
0x54: {  	[sflag:s6] =	ssyncadd.s32 @!p1 $0xFFFFF800  }
0x55: {  	[tilespmem:$0x1FB80] =	vst v1  }
0x56: {  	[tilespmem:$0x1FB90] =	vst v1  }
0x57: {  	[tilespmem:$0x1FBA0] =	vst v1  }
0x58: {  	[tilespmem:$0x1FBB0] =	vst v1  }
0x59: {  	[tilespmem:$0x1FBC0] =	vst v1  }
0x5a: {  	[tilespmem:$0x1FBD0] =	vst v1  }
0x5b: {  	[tilespmem:$0x1FBE0] =	vst v1  }
0x5c: {  	[tilespmem:$0x1FBF0] =	vst v1  }
0x5d: {  	[tilespmem:$0x1FC00] =	vst v0  }
0x5e: {  	[tilespmem:$0x1FC10] =	vst v0  }
0x5f: {  	[tilespmem:$0x1FC20] =	vst v0  }
0x60: {  	[tilespmem:$0x1FC30] =	vst v0  }
0x61: {  	[tilespmem:$0x1FC40] =	vst v0  }
0x62: {  	[tilespmem:$0x1FC50] =	vst v0  }
0x63: {  	[tilespmem:$0x1FC60] =	vst v0  }
0x64: {  	[tilespmem:$0x1FC70] =	vst v0  }
0x65: {  	[tilespmem:$0x1FC80] =	vst v0  }
0x66: {  	[tilespmem:$0x1FC90] =	vst v0  }
0x67: {  	[tilespmem:$0x1FCA0] =	vst v0  }
0x68: {  	[tilespmem:$0x1FCB0] =	vst v0  }
0x69: {  	s13 =	simm.s32 $0x1FC00;
	[tilespmem:$0x1FCC0] =	vst v0  }
0x6a: {  	[spmem:s26] =	stream.linear.scatter [tilespmem:s13], [sflag:$0xA], $0xD0, $0x38;
	v63 =	vld [tilespmem:$0x0]  }
0x6b: {  	_ =	swait.ge [sflag:s31], $0xD0  }
0x6c: {  	[sflag:s31] =	ssyncset.done $0x0  }
0x6d: {  	[sflag:s31] =	ssyncadd.s32 $0xFFFFFF30  }
0x6e: {  	[spmem:s28] =	stream.linear.scatter [tilespmem:s13], [sflag:$0xA], $0xD0, $0x38;
	v63 =	vld [tilespmem:$0x0]  }
0x6f: {  	_ =	swait.ge [sflag:s31], $0xD0  }
0x70: {  	[sflag:s31] =	ssyncset.done $0x0  }
0x71: {  	s28 =	rddreg [dreg:$0x10];
	[sflag:s31] =	ssyncadd.s32 $0xFFFFFF30  }
0x72: {  	[spmem:s28] =	stream.linear.scatter [tilespmem:s13], [sflag:$0xA], $0xD0, $0x38;
	v63 =	vld [tilespmem:$0x0]  }
0x73: {  	_ =	swait.ge [sflag:s31], $0xD0  }
0x74: {  	[sflag:s31] =	ssyncset.done $0x0  }
0x75: {  	s16 =	simm.s32 @!p1 $0x1FC00;
	s0 =	rddreg [dreg:$0x1a];
	[sflag:s31] =	ssyncadd.s32 $0xFFFFFF30  }
0x76: {  	[spmem:s0] =	stream.linear.scatter @!p1 [tilespmem:s16], [sflag:$0xA], $0x10, $0x38;
	v63 =	vld [tilespmem:$0x0]  }
0x77: {  	_ =	swait.ge @!p1 [sflag:s6], $0x10  }
0x78: {  	[sflag:s6] =	ssyncset.done @!p1 $0x0  }
0x79: {  	[sflag:s6] =	ssyncadd.s32 @!p1 $0xFFFFFFF0  }
0x7a: {  	[bflag:$0x0] =	sbarrier.arrive $0xFFFF  }
0x7b: {  	s16 =	simm.s32 $0x0;
	s26 =	rddreg [dreg:$0xf]  }
0x7c: {  	[tilespmem:s16], [sflag:$0x1] =	stream.linear.gather [hbm4b:s26+s16], $0x100, $0x38;
	v63 =	vld [tilespmem:$0x0]  }
0x7d: {  	s28 =	rddreg [dreg:$0x1b]  }
0x7e: {  	[tilespmem:s4], [sflag:$0x2] =	stream.linear.gather [hbm4b:s28+s16], $0x100, $0x38;
	v63 =	vld [tilespmem:$0x0]  }
0x7f: {  	s13 =	rddreg [dreg:$0x11]  }
0x80: {  	[tilespmem:s7], [sflag:$0x3] =	stream.linear.gather [hbm4b:s13+s16], $0x100, $0x38;
	v63 =	vld [tilespmem:$0x0]  }
0x81: {  	_ =	swait.ge [sflag:s8], $0x100  }
0x82: {  	[sflag:s8] =	ssyncset.done $0x0  }
0x83: {  	[sflag:s8] =	ssyncadd.s32 $0xFFFFFF00  }
0x84: {  	[tilespmem:s30], [sflag:$0x4] =	stream.indirect.gather [hbm4b:s1+s9], $0x80, s16, s9, $0xb8;
	v63 =	vld [tilespmem:$0x0]  }
0x85: {  	_ =	swait.ge [sflag:s10], $0x100  }
0x86: {  	[sflag:s10] =	ssyncset.done $0x0  }
0x87: {  	[sflag:s10] =	ssyncadd.s32 $0xFFFFFF00  }
0x88: {  	[tilespmem:s12], [sflag:$0x5] =	stream.indirect.gather [hbm4b:s1+s9], $0x80, s4, s9, $0xb8;
	v63 =	vld [tilespmem:$0x0]  }
0x89: {  	_ =	swait.ge [sflag:s17], $0x100  }
0x8a: {  	[sflag:s17] =	ssyncset.done $0x0  }
0x8b: {  	[sflag:s17] =	ssyncadd.s32 $0xFFFFFF00  }
0x8c: {  	[tilespmem:s18], [sflag:$0x6] =	stream.indirect.gather [hbm4b:s1+s9], $0x80, s7, s9, $0xb8;
	v63 =	vld [tilespmem:$0x0]  }
0x8d: {  	_ =	swait.ge [sflag:s19], $0x4000  }
0x8e: {  	[sflag:s19] =	ssyncset.done $0x0  }
0x8f: {  	[sflag:s19] =	ssyncadd.s32 $0xFFFFC000  }
0x90: {  	[spmem:s2] =	stream.indirect.scatter.add.f32 [tilespmem:s30], [sflag:$0x7], $0x80, s9, s9, $0xb8;
	v63 =	vld [tilespmem:$0x0]  }
0x91: {  	_ = 	snop  }
0x92: {  	[spmem:s3] =	stream.indirect.scatter.add.f32 [tilespmem:s14], [sflag:$0x7], $0x1, s9, s9, $0xb8;
	v63 =	vld [tilespmem:$0x0]  }
0x93: {  	_ =	swait.ge [sflag:s20], $0x4000  }
0x94: {  	[sflag:s20] =	ssyncset.done $0x0  }
0x95: {  	[sflag:s20] =	ssyncadd.s32 $0xFFFFC000  }
0x96: {  	[spmem:s2] =	stream.indirect.scatter.add.f32 [tilespmem:s12], [sflag:$0x8], $0x80, s21, s9, $0xb8;
	v63 =	vld [tilespmem:$0x0]  }
0x97: {  	_ = 	snop  }
0x98: {  	[spmem:s3] =	stream.indirect.scatter.add.f32 [tilespmem:s14], [sflag:$0x8], $0x1, s21, s9, $0xb8;
	v63 =	vld [tilespmem:$0x0]  }
0x99: {  	_ =	swait.ge [sflag:s22], $0x4000  }
0x9a: {  	[sflag:s22] =	ssyncset.done $0x0  }
0x9b: {  	[sflag:s22] =	ssyncadd.s32 $0xFFFFC000  }
0x9c: {  	[spmem:s2] =	stream.indirect.scatter.add.f32 [tilespmem:s18], [sflag:$0x9], $0x80, s23, s9, $0xb8;
	v63 =	vld [tilespmem:$0x0]  }
0x9d: {  	_ = 	snop  }
0x9e: {  	[spmem:s3] =	stream.indirect.scatter.add.f32 [tilespmem:s14], [sflag:$0x9], $0x1, s23, s9, $0xb8;
	v63 =	vld [tilespmem:$0x0]  }
0x9f: {  	_ =	swait.ge [sflag:s24], $0x4000  }
0xa0: {  	[sflag:s24] =	ssyncset.done $0x0  }
0xa1: {  	[sflag:s24] =	ssyncadd.s32 $0xFFFFC000  }
0xa2: {  	_ =	swait.ge [sflag:s24], $0x80  }
0xa3: {  	[sflag:s24] =	ssyncset.done $0x0  }
0xa4: {  	s16 =	sadd.s32 $0x0, s25;
	[sflag:s24] =	ssyncadd.s32 $0xFFFFFF80  }
0xa5: {  	[tilespmem:s5], [sflag:$0x1] =	stream.linear.gather [hbm4b:s16+s5], $0x100, $0x38;
	v63 =	vld [tilespmem:$0x0]  }
0xa6: {  	_ =	swait.ge [sflag:s29], $0x4000  }
0xa7: {  	[sflag:s29] =	ssyncset.done $0x0  }
0xa8: {  	[sflag:s29] =	ssyncadd.s32 $0xFFFFC000  }
0xa9: {  	_ =	swait.ge [sflag:s29], $0x80  }
0xaa: {  	s26 =	sadd.s32 $0x0, s15;
	[sflag:s29] =	ssyncset.done $0x0  }
0xab: {  	s28 =	sadd.s32 $0x80, s26;
	[sflag:s29] =	ssyncadd.s32 $0xFFFFFF80  }
0xac: {  	[tilespmem:s4], [sflag:$0x2] =	stream.linear.gather [hbm4b:s28+s5], $0x100, $0x38;
	v63 =	vld [tilespmem:$0x0]  }
0xad: {  	_ =	swait.ge [sflag:s11], $0x4000  }
0xae: {  	[sflag:s11] =	ssyncset.done $0x0  }
0xaf: {  	[sflag:s11] =	ssyncadd.s32 $0xFFFFC000  }
0xb0: {  	_ =	swait.ge [sflag:s11], $0x80  }
0xb1: {  	[sflag:s11] =	ssyncset.done $0x0  }
0xb2: {  	s6 =	sadd.s32 $0xA0, s26;
	[sflag:s11] =	ssyncadd.s32 $0xFFFFFF80  }
0xb3: {  	[tilespmem:s7], [sflag:$0x3] =	stream.linear.gather [hbm4b:s6+s5], $0x100, $0x38;
	v63 =	vld [tilespmem:$0x0]  }
0xb4: {  	_ =	swait.ge [sflag:s8], $0x100  }
0xb5: {  	[sflag:s8] =	ssyncset.done $0x0  }
0xb6: {  	[sflag:s8] =	ssyncadd.s32 $0xFFFFFF00  }
0xb7: {  	[tilespmem:s30], [sflag:$0x4] =	stream.indirect.gather [hbm4b:s1+s9], $0x80, s5, s9, $0xb8;
	v63 =	vld [tilespmem:$0x0]  }
0xb8: {  	_ =	swait.ge [sflag:s10], $0x100  }
0xb9: {  	[sflag:s10] =	ssyncset.done $0x0  }
0xba: {  	[sflag:s10] =	ssyncadd.s32 $0xFFFFFF00  }
0xbb: {  	[tilespmem:s12], [sflag:$0x5] =	stream.indirect.gather [hbm4b:s1+s9], $0x80, s4, s9, $0xb8;
	v63 =	vld [tilespmem:$0x0]  }
0xbc: {  	_ =	swait.ge [sflag:s17], $0x100  }
0xbd: {  	[sflag:s17] =	ssyncset.done $0x0  }
0xbe: {  	[sflag:s17] =	ssyncadd.s32 $0xFFFFFF00  }
0xbf: {  	[tilespmem:s18], [sflag:$0x6] =	stream.indirect.gather [hbm4b:s1+s9], $0x80, s7, s9, $0xb8;
	v63 =	vld [tilespmem:$0x0]  }
0xc0: {  	_ =	swait.ge [sflag:s19], $0x4000  }
0xc1: {  	[sflag:s19] =	ssyncset.done $0x0  }
0xc2: {  	[sflag:s19] =	ssyncadd.s32 $0xFFFFC000  }
0xc3: {  	[spmem:s2] =	stream.indirect.scatter.add.f32 [tilespmem:s30], [sflag:$0x7], $0x80, s9, s9, $0xb8;
	v63 =	vld [tilespmem:$0x0]  }
0xc4: {  	_ = 	snop  }
0xc5: {  	[spmem:s3] =	stream.indirect.scatter.add.f32 [tilespmem:s14], [sflag:$0x7], $0x1, s9, s9, $0xb8;
	v63 =	vld [tilespmem:$0x0]  }
0xc6: {  	_ =	swait.ge [sflag:s20], $0x4000  }
0xc7: {  	[sflag:s20] =	ssyncset.done $0x0  }
0xc8: {  	[sflag:s20] =	ssyncadd.s32 $0xFFFFC000  }
0xc9: {  	[spmem:s2] =	stream.indirect.scatter.add.f32 [tilespmem:s12], [sflag:$0x8], $0x80, s21, s9, $0xb8;
	v63 =	vld [tilespmem:$0x0]  }
0xca: {  	_ = 	snop  }
0xcb: {  	[spmem:s3] =	stream.indirect.scatter.add.f32 [tilespmem:s14], [sflag:$0x8], $0x1, s21, s9, $0xb8;
	v63 =	vld [tilespmem:$0x0]  }
0xcc: {  	_ =	swait.ge [sflag:s22], $0x4000  }
0xcd: {  	[sflag:s22] =	ssyncset.done $0x0  }
0xce: {  	s6 =	simm.s32 $0x60;
	[sflag:s22] =	ssyncadd.s32 $0xFFFFC000  }
0xcf: {  	[spmem:s2] =	stream.indirect.scatter.add.f32 [tilespmem:s18], [sflag:$0x9], $0x80, s23, s9, $0xb8;
	v63 =	vld [tilespmem:$0x0]  }
.LBB2_4:
0xd0: {  	[spmem:s3] =	stream.indirect.scatter.add.f32 [tilespmem:s14], [sflag:$0x9], $0x1, s23, s9, $0xb8;
	v63 =	vld [tilespmem:$0x0]  }
0xd1: {  	s16 =	smov.u32 s6  }
0xd2: {  	p2 =	sne.s32 s6, $0x900;
	s6 =	sadd.s32 $0x60, s6;
	_ =	swait.ge [sflag:s24], $0x4000  }
0xd3: {  	[sflag:s24] =	ssyncset.done $0x0  }
0xd4: {  	[sflag:s24] =	ssyncadd.s32 $0xFFFFC000  }
0xd5: {  	_ =	swait.ge [sflag:s24], $0x80  }
0xd6: {  	[sflag:s24] =	ssyncset.done $0x0  }
0xd7: {  	s26 =	sadd.s32 s16, s25;
	[sflag:s24] =	ssyncadd.s32 $0xFFFFFF80  }
0xd8: {  	[tilespmem:s5], [sflag:$0x1] =	stream.linear.gather [hbm4b:s26+s5], $0x100, $0x38;
	v63 =	vld [tilespmem:$0x0]  }
0xd9: {  	_ =	swait.ge [sflag:s29], $0x4000  }
0xda: {  	[sflag:s29] =	ssyncset.done $0x0  }
0xdb: {  	[sflag:s29] =	ssyncadd.s32 $0xFFFFC000  }
0xdc: {  	_ =	swait.ge [sflag:s29], $0x80  }
0xdd: {  	s16 =	sadd.s32 s16, s15;
	[sflag:s29] =	ssyncset.done $0x0  }
0xde: {  	s26 =	sadd.s32 $0x80, s16;
	[sflag:s29] =	ssyncadd.s32 $0xFFFFFF80  }
0xdf: {  	[tilespmem:s4], [sflag:$0x2] =	stream.linear.gather [hbm4b:s26+s5], $0x100, $0x38;
	v63 =	vld [tilespmem:$0x0]  }
0xe0: {  	_ =	swait.ge [sflag:s11], $0x4000  }
0xe1: {  	[sflag:s11] =	ssyncset.done $0x0  }
0xe2: {  	[sflag:s11] =	ssyncadd.s32 $0xFFFFC000  }
0xe3: {  	_ =	swait.ge [sflag:s11], $0x80  }
0xe4: {  	[sflag:s11] =	ssyncset.done $0x0  }
0xe5: {  	s16 =	sadd.s32 $0xA0, s16;
	[sflag:s11] =	ssyncadd.s32 $0xFFFFFF80  }
0xe6: {  	[tilespmem:s7], [sflag:$0x3] =	stream.linear.gather [hbm4b:s16+s5], $0x100, $0x38;
	v63 =	vld [tilespmem:$0x0]  }
0xe7: {  	_ =	swait.ge [sflag:s8], $0x100  }
0xe8: {  	[sflag:s8] =	ssyncset.done $0x0  }
0xe9: {  	[sflag:s8] =	ssyncadd.s32 $0xFFFFFF00  }
0xea: {  	[tilespmem:s30], [sflag:$0x4] =	stream.indirect.gather [hbm4b:s1+s9], $0x80, s5, s9, $0xb8;
	v63 =	vld [tilespmem:$0x0]  }
0xeb: {  	_ =	swait.ge [sflag:s10], $0x100  }
0xec: {  	[sflag:s10] =	ssyncset.done $0x0  }
0xed: {  	[sflag:s10] =	ssyncadd.s32 $0xFFFFFF00  }
0xee: {  	[tilespmem:s12], [sflag:$0x5] =	stream.indirect.gather [hbm4b:s1+s9], $0x80, s4, s9, $0xb8;
	v63 =	vld [tilespmem:$0x0]  }
0xef: {  	_ =	swait.ge [sflag:s17], $0x100  }
0xf0: {  	[sflag:s17] =	ssyncset.done $0x0  }
0xf1: {  	[sflag:s17] =	ssyncadd.s32 $0xFFFFFF00  }
0xf2: {  	[tilespmem:s18], [sflag:$0x6] =	stream.indirect.gather [hbm4b:s1+s9], $0x80, s7, s9, $0xb8;
	v63 =	vld [tilespmem:$0x0]  }
0xf3: {  	_ =	swait.ge [sflag:s19], $0x4000  }
0xf4: {  	[sflag:s19] =	ssyncset.done $0x0  }
0xf5: {  	[sflag:s19] =	ssyncadd.s32 $0xFFFFC000  }
0xf6: {  	[spmem:s2] =	stream.indirect.scatter.add.f32 [tilespmem:s30], [sflag:$0x7], $0x80, s9, s9, $0xb8;
	v63 =	vld [tilespmem:$0x0]  }
0xf7: {  	_ = 	snop  }
0xf8: {  	[spmem:s3] =	stream.indirect.scatter.add.f32 [tilespmem:s14], [sflag:$0x7], $0x1, s9, s9, $0xb8;
	v63 =	vld [tilespmem:$0x0]  }
0xf9: {  	_ =	swait.ge [sflag:s20], $0x4000  }
0xfa: {  	[sflag:s20] =	ssyncset.done $0x0  }
0xfb: {  	[sflag:s20] =	ssyncadd.s32 $0xFFFFC000  }
0xfc: {  	[spmem:s2] =	stream.indirect.scatter.add.f32 [tilespmem:s12], [sflag:$0x8], $0x80, s21, s9, $0xb8;
	v63 =	vld [tilespmem:$0x0]  }
0xfd: {  	_ = 	snop  }
0xfe: {  	[spmem:s3] =	stream.indirect.scatter.add.f32 [tilespmem:s14], [sflag:$0x8], $0x1, s21, s9, $0xb8;
	v63 =	vld [tilespmem:$0x0]  }
.Ltmp1:
0xff: {  	_ = 	snop;
	(pc) =	sbr.rel @p2 .LBB2_4-.Ltmp1, $4  }
0x100: {  	_ =	swait.ge [sflag:s22], $0x4000  }
0x101: {  	[sflag:s22] =	ssyncset.done $0x0  }
0x102: {  	[sflag:s22] =	ssyncadd.s32 $0xFFFFC000  }
0x103: {  	[spmem:s2] =	stream.indirect.scatter.add.f32 [tilespmem:s18], [sflag:$0x9], $0x80, s23, s9, $0xb8;
	v63 =	vld [tilespmem:$0x0]  }
0x104: {  	[spmem:s3] =	stream.indirect.scatter.add.f32 [tilespmem:s14], [sflag:$0x9], $0x1, s23, s9, $0xb8;
	v63 =	vld [tilespmem:$0x0]  }
0x105: {  	_ =	swait.ge [sflag:s24], $0x4000  }
0x106: {  	[sflag:s24] =	ssyncset.done $0x0  }
0x107: {  	[sflag:s24] =	ssyncadd.s32 $0xFFFFC000  }
0x108: {  	_ =	swait.ge [sflag:s24], $0x80  }
0x109: {  	[sflag:s24] =	ssyncset.done $0x0  }
0x10a: {  	[sflag:s24] =	ssyncadd.s32 $0xFFFFFF80  }
0x10b: {  	_ =	swait.ge [sflag:s29], $0x4000  }
0x10c: {  	[sflag:s29] =	ssyncset.done $0x0  }
0x10d: {  	[sflag:s29] =	ssyncadd.s32 $0xFFFFC000  }
0x10e: {  	_ =	swait.ge [sflag:s29], $0x80  }
0x10f: {  	[sflag:s29] =	ssyncset.done $0x0  }
0x110: {  	[sflag:s29] =	ssyncadd.s32 $0xFFFFFF80  }
0x111: {  	_ =	swait.ge [sflag:s11], $0x4000  }
0x112: {  	[sflag:s11] =	ssyncset.done $0x0  }
0x113: {  	[sflag:s11] =	ssyncadd.s32 $0xFFFFC000  }
0x114: {  	_ =	swait.ge [sflag:s11], $0x80  }
0x115: {  	s6 =	simm.s32 @!p0 $0x0;
	[sflag:s11] =	ssyncset.done $0x0  }
0x116: {  	s16 =	simm.s32 @!p0 $0x1;
	s0 =	rddreg [dreg:$0x12];
	[sflag:s11] =	ssyncadd.s32 $0xFFFFFF80  }
0x117: {  	[tilespmem:s6], [sflag:$0x1] =	stream.linear.gather @!p0 [hbm4b:s0+s6], $0x100, $0x38;
	v63 =	vld [tilespmem:$0x0]  }
0x118: {  	_ =	swait.ge @!p0 [sflag:s16], $0x100  }
0x119: {  	[sflag:s16] =	ssyncset.done @!p0 $0x0  }
0x11a: {  	s26 =	simm.s32 @!p0 $0x300;
	[sflag:s16] =	ssyncadd.s32 @!p0 $0xFFFFFF00;
	s16 =	simm.s32 @!p0 $0x80  }
0x11b: {  	[tilespmem:s26], [sflag:$0x4] =	stream.indirect.gather @!p0 [hbm4b:s1+s16], $0x80, s6, s16, $0xb8;
	v63 =	vld [tilespmem:$0x0]  }
0x11c: {  	s6 =	simm.s32 @!p0 $0x4  }
0x11d: {  	_ =	swait.ge @!p0 [sflag:s6], $0x4000  }
0x11e: {  	[sflag:s6] =	ssyncset.done @!p0 $0x0  }
0x11f: {  	[sflag:s6] =	ssyncadd.s32 @!p0 $0xFFFFC000  }
0x120: {  	[spmem:s2] =	stream.indirect.scatter.add.f32 @!p0 [tilespmem:s26], [sflag:$0x7], $0x80, s16, s16, $0xb8;
	v63 =	vld [tilespmem:$0x0]  }
0x121: {  	s6 =	simm.s32 @!p0 $0x1FB80  }
0x122: {  	[spmem:s3] =	stream.indirect.scatter.add.f32 @!p0 [tilespmem:s6], [sflag:$0x7], $0x1, s16, s16, $0xb8;
	v63 =	vld [tilespmem:$0x0]  }
0x123: {  	s6 =	simm.s32 @!p0 $0x7  }
0x124: {  	_ =	swait.ge @!p0 [sflag:s6], $0x4000  }
0x125: {  	[sflag:s6] =	ssyncset.done @!p0 $0x0  }
0x126: {  	[sflag:s6] =	ssyncadd.s32 @!p0 $0xFFFFC000  }
0x127: {  	_ =	swait.ge @!p0 [sflag:s6], $0x80  }
0x128: {  	[sflag:s6] =	ssyncset.done @!p0 $0x0  }
0x129: {  	[sflag:s6] =	ssyncadd.s32 @!p0 $0xFFFFFF80  }
0x12a: {  	s13 =	stileid.u32;
	[bflag:$0x0] =	sbarrier.arrive $0xFFFF  }
0x12b: {  	s16 =	sshll.u32 s13, $0x6;
	s26 =	rddreg [dreg:$0x7]  }
0x12c: {  	s6 =	sor.u32 $0x1C0A, s16;
	s13 =	rddreg [dreg:$0xd];
	s0 =	sshrl.u32 s26, $0x3  }
0x12d: {  	[hbm:s13@s4], [sflag:s6] =	dma.strided [spmem:s0@s9], $0x2700, s29, $0x10   }
0x12e: {  	_ =	swait.ge [sflag:s31], $0x2700  }
0x12f: {  	s28 =	simm.s32 @!p1 $0x100;
	s0 =	rddreg [dreg:$0x19]  }
0x130: {  	s26 =	simm.s32 @!p1 $0x8;
	[sflag:s31] =	ssyncset.done $0x0;
	s13 =	rddreg [dreg:$0x13]  }
0x131: {  	[sflag:s31] =	ssyncadd.s32 $0xFFFFD900;
	s16 =	sshrl.u32 @!p1 s0, $0x3;
	s0 =	simm.s32 @!p1 $0x80  }
0x132: {  	[hbm:s13@s28], [sflag:s6] =	dma.strided @!p1 [spmem:s16@s0], $0x100, s26, $0x10   }
0x133: {  	s0 =	simm.s32 @!p1 $0xA  }
0x134: {  	_ =	swait.ge @!p1 [sflag:s0], $0x100  }
0x135: {  	[sflag:s0] =	ssyncset.done @!p1 $0x0  }
0x136: {  	s13 =	simm.s32 $0x1FC00;
	s26 =	rddreg [dreg:$0xc];
	[sflag:s0] =	ssyncadd.s32 @!p1 $0xFFFFFF00  }
0x137: {  	[tilespmem:s13], [sflag:$0xA] =	stream.linear.gather [spmem:s26], $0xD0, $0x38;
	v63 =	vld [tilespmem:$0x0]  }
0x138: {  	_ =	swait.ge [sflag:s31], $0xD0  }
0x139: {  	[sflag:s31] =	ssyncset.done $0x0  }
0x13a: {  	s16 =	rddreg [dreg:$0x15];
	[sflag:s31] =	ssyncadd.s32 $0xFFFFFF30  }
0x13b: {  	[hbm4b:s16+s5] =	stream.linear.scatter [tilespmem:s13], [sflag:$0xA], $0xD0, $0x38;
	v63 =	vld [tilespmem:$0x0]  }
0x13c: {  	_ =	swait.ge [sflag:s31], $0xD0  }
0x13d: {  	[sflag:s31] =	ssyncset.done $0x0  }
0x13e: {  	s28 =	rddreg [dreg:$0xe];
	[sflag:s31] =	ssyncadd.s32 $0xFFFFFF30  }
0x13f: {  	[tilespmem:s13], [sflag:$0xA] =	stream.linear.gather [spmem:s28], $0xD0, $0x38;
	v63 =	vld [tilespmem:$0x0]  }
0x140: {  	_ =	swait.ge [sflag:s31], $0xD0  }
0x141: {  	[sflag:s31] =	ssyncset.done $0x0  }
0x142: {  	s16 =	rddreg [dreg:$0x16];
	[sflag:s31] =	ssyncadd.s32 $0xFFFFFF30  }
0x143: {  	[hbm4b:s16+s5] =	stream.linear.scatter [tilespmem:s13], [sflag:$0xA], $0xD0, $0x38;
	v63 =	vld [tilespmem:$0x0]  }
0x144: {  	_ =	swait.ge [sflag:s31], $0xD0  }
0x145: {  	[sflag:s31] =	ssyncset.done $0x0  }
0x146: {  	s16 =	rddreg [dreg:$0x10];
	[sflag:s31] =	ssyncadd.s32 $0xFFFFFF30  }
0x147: {  	[tilespmem:s13], [sflag:$0xA] =	stream.linear.gather [spmem:s16], $0xD0, $0x38;
	v63 =	vld [tilespmem:$0x0]  }
0x148: {  	_ =	swait.ge [sflag:s31], $0xD0  }
0x149: {  	[sflag:s31] =	ssyncset.done $0x0  }
0x14a: {  	s16 =	rddreg [dreg:$0x17];
	[sflag:s31] =	ssyncadd.s32 $0xFFFFFF30  }
0x14b: {  	[hbm4b:s16+s5] =	stream.linear.scatter [tilespmem:s13], [sflag:$0xA], $0xD0, $0x38;
	v63 =	vld [tilespmem:$0x0]  }
0x14c: {  	_ =	swait.ge [sflag:s31], $0xD0  }
0x14d: {  	[sflag:s31] =	ssyncset.done $0x0  }
0x14e: {  	s6 =	simm.s32 @!p1 $0x1FD00;
	s13 =	rddreg [dreg:$0x1a];
	[sflag:s31] =	ssyncadd.s32 $0xFFFFFF30  }
0x14f: {  	[tilespmem:s6], [sflag:$0xA] =	stream.linear.gather @!p1 [spmem:s13], $0x10, $0x38;
	v63 =	vld [tilespmem:$0x0]  }
0x150: {  	_ =	swait.ge @!p1 [sflag:s0], $0x10  }
0x151: {  	[sflag:s0] =	ssyncset.done @!p1 $0x0  }
0x152: {  	s16 =	simm.s32 @!p1 $0x0;
	s13 =	rddreg [dreg:$0x18];
	[sflag:s0] =	ssyncadd.s32 @!p1 $0xFFFFFFF0  }
0x153: {  	[hbm4b:s13+s16] =	stream.linear.scatter @!p1 [tilespmem:s6], [sflag:$0xA], $0x10, $0x38;
	v63 =	vld [tilespmem:$0x0]  }
0x154: {  	_ =	swait.ge @!p1 [sflag:s0], $0x10  }
0x155: {  	s6 =	rddreg [dreg:$0x1c]  }
0x156: {  	s16 =	rddreg [dreg:$0x14];
	s13 =	sadd.s32 $0x1, s6  }
0x157: {  	p2 =	sne.s32 s13, s16  }
.Ltmp2:
0x158: {  	_ = 	snop;
	(pc) =	sbr.rel @p2 .LBB2_1-.Ltmp2, $3  }
0x159: {  	_ =	sdelay $0x1  }
0x15a: {  	[sflag:s0] =	ssyncset.done @!p1 $0x0  }
0x15b: {  	[sflag:s0] =	ssyncadd.s32 @!p1 $0xFFFFFFF0  }
0x15c: {  	_ =	sfence.sel $0x180000  }
0x15d: {  	[bflag:$0x0] =	sbarrier.arrive $0xFFFF  }
0x15e: {  	_ =	strace $0x90000047  }
0x15f: {  	s0 =	stileid.u32;
	[bflag:$0x2] =	sbarrier.arrive $0xFFFF  }
0x160: {  	p0 =	sne.s32 s0, $0x0;
	s0 =	rddreg [dreg:$0x6]  }
0x161: {  	s0 =	sadd.s32 @!p0 $0x100000, s0  }
0x162: {  	[sflag:s0] =	ssyncadd.tile.s32 @!p0 $0x1;
	_ =	shalt  }
.Lfunc_end2:
_tile_overlayer_lowered:
.L_overlay_start_2:
0x163: {  	(tag) =	ssettag $0x2  }
0x164: {  	s0 =	rddreg [dreg:$0x0];
	s2 =	stileid.u32  }
0x165: {  	s1 =	rddreg [dreg:$0x1];
	p0 =	sne.s32 s2, $0x0  }
0x166: {  	s3 =	rddreg [dreg:$0x2];
	[bflag:$0x3] =	sbarrier.arrive $0xFFFF;
	s2 =	simm.s32 @!p0 $0x1C0A  }
0x167: {  	[timem:s3], [sflag:s2] =	dma.local @!p0 [hbm:s0], s1  }
0x168: {  	s0 =	simm.s32 @!p0 $0xA  }
0x169: {  	_ =	swait.ge @!p0 [sflag:s0], s1  }
0x16a: {  	s1 =	ssub.s32 @!p0 $0x0, s1;
	[sflag:s0] =	ssyncset.done @!p0 $0x0  }
0x16b: {  	[sflag:s0] =	ssyncadd.s32 @!p0 s1  }
0x16c: {  	[bflag:$0x3] =	sbarrier.arrive $0xFFFF  }
0x16d: {  	_ =	shalt  }

// kernel: kernel.9.cloned.1.call-start
scs
__scs_entry_jumppad:
0x0: {  	(pc) =	sbr.rel $0x88, $3  }
0x1: {  	(tag) =	ssettag $0x0;
	lr =	simm.s32 $0x1  }
0x2: {  	[smem:$0x3F9D] =	sst lr;
	_ =	strace $0xD0000000  }
0x3: {  	_ = 	snop  }
0x4: {  	_ = 	snop  }
0x5: {  	_ = 	snop  }
0x6: {  	_ = 	snop  }
0x7: {  	_ = 	snop  }
__scs_overlays_trampoline_lowered:
0x8: {  	[smem:$0x3FAC] =	sst s0  }
0x9: {  	[smem:$0x3FAD] =	sst s1  }
0xa: {  	[smem:$0x3FAE] =	sst s2  }
0xb: {  	[smem:$0x3FAF] =	sst s3  }
0xc: {  	[smem:$0x3FB0] =	sst s4  }
0xd: {  	[smem:$0x3FB1] =	sst s5  }
0xe: {  	[smem:$0x3FB2] =	sst s6  }
0xf: {  	[smem:$0x3FB3] =	sst s7  }
0x10: {  	[smem:$0x3FB4] =	sst s8  }
0x11: {  	[smem:$0x3FB5] =	sst s9;
	s0 =	simm.s32 @!p0 $0x0  }
0x12: {  	s1 =	sld [smem:$0x3F9B];
	s0 =	simm.s32 @p0 $0x1  }
0x13: {  	[smem:$0x3FB6] =	sst s0;
	s0 =	simm.s32 @!p1 $0x0  }
0x14: {  	s2 =	sld [smem:$0x3F9A];
	s0 =	simm.s32 @p1 $0x1  }
0x15: {  	[smem:$0x3FB7] =	sst s0;
	s0 =	simm.s32 @!p2 $0x0  }
0x16: {  	s3 =	sld [smem:$0x3FDB];
	s0 =	simm.s32 @p2 $0x1  }
0x17: {  	s4 =	simm.s32 $0x1BF5;
	[smem:$0x3FB9] =	sst s0  }
0x18: {  	s0 =	sld [smem:$0x3F9C];
	_ =	swait.ge [sflag:s4], $0x0  }
0x19: {  	s7 =	sld [smem:$0x3F9D]  }
0x1a: {  	s8 =	sadd.s32 $0xFFFFE003, lr  }
0x1b: {  	s9 =	sadd.s32 $0xFFFFFEF7, lr;
	s5 =	simm.s32 $0xFFFFFFFF;
	p2 =	slt.u32 s8, $0xFFFFF086  }
0x1c: {  	p1 =	slt.u32 s9, $0xF7A;
	s5 =	simm.s32 @!p2 $0x0  }
0x1d: {  	s5 =	simm.s32 @p1 $0x1;
	p0 =	seq.s32 s7, s2  }
0x1e: {  	s7 =	smul.u32 @!p0 $0xF7A, s2;
	p2 =	seq.s32 @!p0 s5, $0x0  }
0x1f: {  	s9 =	smul.u32 $0xF7A, s1;
	s8 =	simm.s32 @!p0 $0x1BF5;
	p2 =	por !p2, p0  }
0x20: {  	[sflag:s8] =	ssyncset.s32 @!p0 $0xFFFFF086;
	s6 =	sadd.s32 @!p0 s3, s7;
	s7 =	simm.s32 @!p0 $0x108  }
0x21: {  	s3 =	sadd.s32 s3, s9;
	s6 =	sadd.s32 @!p0 $0x88, s6;
	s7 =	simm.s32 @p2 $0x1082  }
0x22: {  	[simem:s7], [sflag:s8] =	dma.local @!p0 [hbm:s6], $0xF7A  }
0x23: {  	s9 =	sor.u32 $0xD0000000, s2;
	s6 =	simm.s32 $0x108;
	_ =	swait.ge @!p0 [sflag:s8], $0x0  }
0x24: {  	s3 =	sadd.s32 $0x88, s3;
	s6 =	simm.s32 @!p1 $0x1082;
	[sflag:s4] =	ssyncset.s32 $0xFFFFF086  }
0x25: {  	[simem:s6], [sflag:s4] =	dma.local [hbm:s3], $0xF7A  }
0x26: {  	[smem:$0x3F9D] =	sst s1;
	(tag) =	ssettag s2;
	_ =	strace s9  }
0x27: {  	s1 =	sld [smem:$0x3FAD]  }
0x28: {  	s2 =	sld [smem:$0x3FAE]  }
0x29: {  	s4 =	sld [smem:$0x3FB0]  }
0x2a: {  	p0 =	seq.s32 s5, $0x0;
	s5 =	sld [smem:$0x3FB1]  }
0x2b: {  	s6 =	sld [smem:$0x3FB2]  }
0x2c: {  	s7 =	sld [smem:$0x3FB3]  }
0x2d: {  	s3 =	simm.s32 $0x108;
	s8 =	sld [smem:$0x3FB4]  }
0x2e: {  	s3 =	simm.s32 @!p0 $0x1082;
	s9 =	sld [smem:$0x3FB5]  }
0x2f: {  	lr =	sadd.s32 s0, s3;
	s0 =	sld [smem:$0x3FAC]  }
0x30: {  	s3 =	sld [smem:$0x3FAF]  }
0x31: {  	[smem:$0x3FB8] =	sst s10  }
0x32: {  	s10 =	sld [smem:$0x3FB6];
	_ =	sdelay $0x3  }
0x33: {  	p0 =	seq.s32 s10, $0x1;
	s10 =	sld [smem:$0x3FB8];
	_ =	sdelay $0x3  }
0x34: {  	[smem:$0x3FB8] =	sst s10  }
0x35: {  	s10 =	sld [smem:$0x3FB7];
	_ =	sdelay $0x3  }
0x36: {  	p1 =	seq.s32 s10, $0x1;
	s10 =	sld [smem:$0x3FB8];
	_ =	sdelay $0x3  }
0x37: {  	[smem:$0x3FB8] =	sst s10  }
0x38: {  	s10 =	sld [smem:$0x3FB9]  }
0x39: {  	_ = 	snop;
	(pc) =	sbr.ind lr, $3  }
0x3a: {  	_ = 	snop  }
0x3b: {  	_ = 	snop  }
0x3c: {  	p2 =	seq.s32 s10, $0x1;
	s10 =	sld [smem:$0x3FB8]  }
0x3d: {  	_ =	shalt  }
0x3e: {  	_ =	shalt  }
0x3f: {  	_ =	shalt  }
0x40: {  	_ =	shalt  }
0x41: {  	_ =	shalt  }
0x42: {  	_ =	shalt  }
0x43: {  	_ =	shalt  }
0x44: {  	_ =	shalt  }
0x45: {  	_ =	shalt  }
0x46: {  	_ =	shalt  }
0x47: {  	_ =	shalt  }
0x48: {  	_ =	shalt  }
0x49: {  	_ =	shalt  }
0x4a: {  	_ =	shalt  }
0x4b: {  	_ =	shalt  }
0x4c: {  	_ =	shalt  }
0x4d: {  	_ =	shalt  }
0x4e: {  	_ =	shalt  }
0x4f: {  	_ =	shalt  }
0x50: {  	_ =	shalt  }
0x51: {  	_ =	shalt  }
0x52: {  	_ =	shalt  }
0x53: {  	_ =	shalt  }
0x54: {  	_ =	shalt  }
0x55: {  	_ =	shalt  }
0x56: {  	_ =	shalt  }
0x57: {  	_ =	shalt  }
0x58: {  	_ =	shalt  }
0x59: {  	_ =	shalt  }
0x5a: {  	_ =	shalt  }
0x5b: {  	_ =	shalt  }
0x5c: {  	_ =	shalt  }
0x5d: {  	_ =	shalt  }
0x5e: {  	_ =	shalt  }
0x5f: {  	_ =	shalt  }
0x60: {  	_ =	shalt  }
0x61: {  	_ =	shalt  }
0x62: {  	_ =	shalt  }
0x63: {  	_ =	shalt  }
0x64: {  	_ =	shalt  }
0x65: {  	_ =	shalt  }
0x66: {  	_ =	shalt  }
0x67: {  	_ =	shalt  }
0x68: {  	_ =	shalt  }
0x69: {  	_ =	shalt  }
0x6a: {  	_ =	shalt  }
0x6b: {  	_ =	shalt  }
0x6c: {  	_ =	shalt  }
0x6d: {  	_ =	shalt  }
0x6e: {  	_ =	shalt  }
0x6f: {  	_ =	shalt  }
0x70: {  	_ =	shalt  }
0x71: {  	_ =	shalt  }
0x72: {  	_ =	shalt  }
0x73: {  	_ =	shalt  }
0x74: {  	_ =	shalt  }
0x75: {  	_ =	shalt  }
0x76: {  	_ =	shalt  }
0x77: {  	_ =	shalt  }
0x78: {  	_ =	shalt  }
0x79: {  	_ =	shalt  }
0x7a: {  	_ =	shalt  }
0x7b: {  	_ =	shalt  }
0x7c: {  	_ =	shalt  }
0x7d: {  	_ =	shalt  }
0x7e: {  	_ =	shalt  }
0x7f: {  	_ =	shalt  }
0x80: {  	_ =	shalt  }
0x81: {  	_ =	shalt  }
0x82: {  	_ =	shalt  }
0x83: {  	_ =	shalt  }
0x84: {  	_ =	shalt  }
0x85: {  	_ =	shalt  }
0x86: {  	_ =	shalt  }
0x87: {  	_ =	shalt  }
.Lfunc_end0:
.L_simem_size_0:
called_computation.1_lowered:
.L_overlay_start_0:
0x88: {  	s2 =	sld [smem:$0x3FD9]  }
0x89: {  	s3 =	sld [smem:$0x3FFE];
	_ =	sdelay $0x1  }
0x8a: {  	s1 =	srdreg.scid  }
0x8b: {  	s0 =	sand.u32 $0x1, s1  }
0x8c: {  	s17 =	sshll.u32 s0, $0xA;
	s2 =	sadd.s32 s3, s2  }
0x8d: {  	s2 =	sadd.s32 s2, s17  }
0x8e: {  	[smem:$0x3FC4] =	sst s2  }
0x8f: {  	_ = 	snop  }
0x90: {  	s2 =	sld [smem:$0x3FC8]  }
0x91: {  	s18 =	sld [smem:$0x3FD0];
	(tm) =	ssettm $0x1  }
0x92: {  	s4 =	sld [smem:$0x3FFB];
	_ =	sdelay $0x3  }
0x93: {  	_ =	strace s4  }
0x94: {  	s4 =	sld [smem:$0x3FFC];
	_ =	sdelay $0x3  }
0x95: {  	_ =	strace s4  }
0x96: {  	s4 =	sld [smem:$0x3FFD];
	_ =	sdelay $0x3  }
0x97: {  	_ =	strace s4  }
0x98: {  	_ =	strace $0x8FFFFFFF  }
0x99: {  	s19 =	sld [smem:$0x3FDB];
	_ =	sdelay $0x1  }
0x9a: {  	s5 =	simm.s32 $_scs_section_size  }
0x9b: {  	s6 =	simm.s32 $_size__tile_overlayer_lowered;
	s7 =	simm.s32 $_tile_overlayer_lowered  }
0x9c: {  	s22 =	simm.s32 $0x1BFF;
	s21 =	sshll.u32 s7, $0x1;
	s4 =	sadd.s32 s5, s19  }
0x9d: {  	s8 =	simm.s32 $0x0;
	s20 =	sshll.u32 s6, $0x1;
	s6 =	sadd.s32 s21, s4  }
0x9e: {  	[timem:s8], [sflag:s22] =	dma.local [hbm:s6], s20  }
0x9f: {  	_ =	swait.ge [sflag:s22], s20  }
0xa0: {  	s5 =	ssub.s32 $0x0, s20;
	[sflag:s22] =	ssyncset.done $0x0  }
0xa1: {  	[sflag:s22] =	ssyncadd.s32 s5;
	_ =	sdelay $0x1  }
0xa2: {  	s23 =	simm.s32 $0x1B8B  }
0xa3: {  	_ =	swait.ge [sflag:s23], $0x1  }
0xa4: {  	[sflag:s23] =	ssyncset.done $0x0  }
0xa5: {  	s25 =	simm.s32 $0x1B8E;
	s24 =	sld [smem:$0x3FFE];
	[sflag:s23] =	ssyncadd.s32 $0xFFFFFFFF  }
0xa6: {  	s26 =	simm.s32 $execute0_lowered;
	[smem:$0x3FD2] =	sst s25  }
0xa7: {  	s6 =	sshll.u32 s26, $0x1;
	_ =	strace $0x80000049;
	[dreg:$0x1] =	wrdreg $0xFFFFFFFF  }
0xa8: {  	s28 =	simm.s32 $_size_execute0_lowered;
	s4 =	sadd.s32 s4, s6;
	[dreg:$0x0] =	wrdreg $0x0  }
0xa9: {  	s6 =	sshll.u32 s28, $0x1;
	[dreg:$0x2] =	wrdreg s4  }
0xaa: {  	[dreg:$0x3] =	wrdreg s6  }
0xab: {  	[dreg:$0x4] =	wrdreg $0xC0  }
0xac: {  	_ =	task [dreg:s8], $0x5FFFF  }
0xad: {  	[dreg:$0x1] =	wrdreg $0xFFFFFFFF  }
0xae: {  	[dreg:$0x0] =	wrdreg $0x60  }
0xaf: {  	[dreg:$0x2] =	wrdreg s18  }
0xb0: {  	[dreg:$0x3] =	wrdreg s2  }
0xb1: {  	[dreg:$0x4] =	wrdreg s24  }
0xb2: {  	[dreg:$0x5] =	wrdreg $0xC3000  }
0xb3: {  	[dreg:$0x6] =	wrdreg $0x9  }
0xb4: {  	_ =	task.clear_ibuf [dreg:s8], $0x7FFFF;
	_ =	strace $0x90000049  }
0xb5: {  	s29 =	simm.s32 $0x9;
	_ =	strace $0x8000004B  }
0xb6: {  	_ =	swait.ge [sflag:s29], $0x1  }
0xb7: {  	[sflag:s29] =	ssyncadd.s32 $0xFFFFFFFF  }
0xb8: {  	_ =	strace $0x9000004B  }
0xb9: {  	_ =	sfence  }
0xba: {  	s30 =	sld [smem:$0x0];
	_ =	sdelay $0x2  }
0xbb: {  	s31 =	sshll.u32 s1, $0xD;
	s1 =	sshrl.u32 s1, $0x2  }
0xbc: {  	s3 =	sand.u32 $0x4000, s31;
	s1 =	sadd.s32 s1, s30  }
0xbd: {  	s0 =	sor.u32 s3, s0;
	s1 =	sshll.u32 s1, $0x11  }
0xbe: {  	s0 =	sor.u32 s1, s0  }
0xbf: {  	s0 =	sadd.s32 $0x8F2B, s0  }
0xc0: {  	[sflag:s0] =	ssyncadd.remote.s32 $0x1  }
0xc1: {  	_ =	sfence.sel $0xFFFF  }
0xc2: {  	[dreg:$0x0] =	wrdreg $0xFFFFFFFF;
	(pc) =	sbr.abs _section_cstart, $3  }
0xc3: {  	[dreg:$0x1] =	wrdreg $0xFFFFFFFF  }
0xc4: {  	_ =	task.clear_ibuf [dreg:s8], $0x2FFFF;
	_ =	strace $0x9FFFFFFF  }
0xc5: {  	(tm) =	ssettm $0x7FFFFFFF  }
tec
execute0_lowered:
.L_overlay_start_1:
0x0: {  	(tag) =	ssettag $0x1  }
0x1: {  	s1 =	rddreg [dreg:$0x0]  }
0x2: {  	s0 =	rddreg [dreg:$0x1]  }
0x3: {  	s3 =	rddreg [dreg:$0x2]  }
0x4: {  	s2 =	rddreg [dreg:$0x3];
	s4 =	simm.s32 $0x0  }
0x5: {  	s5 =	srdreg.scid;
	s15 =	stileid.u32;
	s28 =	simm.s32 $0x4300  }
0x6: {  	s29 =	simm.s32 $0x3;
	s30 =	simm.s32 $0x8300;
	s31 =	simm.s32 $0x4  }
0x7: {  	[smem:$0x7FF] =	sst s4;
	s6 =	sand.u32 $0x1, s5;
	s25 =	smul.u32 $0x4E000, s15  }
0x8: {  	s3 =	sadd.s32 $0x2200, s3;
	s14 =	sadd.s32 $0x138000, s2;
	s17 =	smul.u32 $0x27000, s15  }
0x9: {  	s24 =	smul.u32 $0x9C0, s15;
	p0 =	sne.s32 s15, $0xF;
	_ =	strace $0x8000004A  }
0xa: {  	s7 =	ssub.s32 $0x2, s6;
	s8 =	sshll.u32 s6, $0x4;
	s19 =	smul.u32 $0x4E0, s6  }
0xb: {  	[dreg:$0xf] =	wrdreg s14;
	s18 =	sshll.u32 s6, $0xA;
	s14 =	smul.u32 $0x4E, s15  }
0xc: {  	s22 =	sshll.u32 s6, $0x7;
	s6 =	smul.u32 $0x9C00, s6;
	s5 =	sshrl.u32 s25, $0x2  }
0xd: {  	s9 =	sshrl.u32 s7, $0x1;
	s8 =	sor.u32 s15, s8;
	s5 =	sadd.s32 s5, s2  }
0xe: {  	s7 =	ssub.s32 s7, s9;
	s26 =	smul.u32 $0x9C0, s8;
	s10 =	sadd.s32 $0x4000, s5  }
0xf: {  	s23 =	sadd.s32 s14, s19;
	s11 =	sadd.s32 $0x8000, s5;
	[dreg:$0x5] =	wrdreg s10  }
0x10: {  	s25 =	sadd.s32 s6, s0;
	s12 =	sadd.s32 $0xC000, s5;
	[dreg:$0x6] =	wrdreg s11  }
0x11: {  	p1 =	sgt.u32 s8, $0x3;
	s13 =	sadd.s32 $0x10000, s5;
	[dreg:$0x7] =	wrdreg s12  }
0x12: {  	s6 =	simm.s32 $0x6;
	s11 =	smul.u32 $0x4E00, s8;
	[dreg:$0x8] =	wrdreg s13  }
0x13: {  	s12 =	sadd.s32 s0, s26;
	s13 =	sshll.u32 s15, $0x5;
	s26 =	smax.u32 s7, $0x1  }
0x14: {  	s7 =	simm.s32 $0x280;
	s8 =	simm.s32 $0x7;
	[dreg:$0x9] =	wrdreg s12  }
0x15: {  	s12 =	sadd.s32 $0x20, s12;
	s13 =	sadd.s32 s13, s0;
	[dreg:$0x10] =	wrdreg s26  }
0x16: {  	s26 =	simm.s32 $0x2;
	s16 =	sshrl.u32 s11, $0x3;
	[dreg:$0xa] =	wrdreg s12  }
0x17: {  	s11 =	sor.u32 s18, s17;
	s20 =	sadd.s32 $0x13800, s13;
	s18 =	sadd.s32 s24, s25  }
0x18: {  	s24 =	simm.s32 $0x1;
	s25 =	simm.s32 $0x80;
	s12 =	simm.s32 $0x9  }
0x19: {  	s9 =	sadd.s32 s0, s16;
	s11 =	sshrl.u32 s11, $0x3;
	[dreg:$0xc] =	wrdreg s20  }
0x1a: {  	s20 =	simm.s32 $0x300;
	s9 =	sadd.s32 $0x40, s9;
	s21 =	sadd.s32 s3, s11  }
0x1b: {  	s3 =	sadd.s32 s22, s3;
	s11 =	sshll.u32 s23, $0x5;
	[dreg:$0xb] =	wrdreg s9  }
0x1c: {  	s22 =	simm.s32 $0x100;
	s23 =	simm.s32 $0x200;
	[dreg:$0xd] =	wrdreg s21  }
0x1d: {  	s3 =	sadd.s32 $0x4E000, s3;
	s0 =	sadd.s32 s11, s0;
	s21 =	simm.s32 $0xA  }
0x1e: {  	s9 =	simm.s32 $0x8;
	s11 =	simm.s32 $0x0;
	[dreg:$0xe] =	wrdreg s3  }
0x1f: {  	v0 =	vimm.f32 $0.0e+00;
	s19 =	sadd.s32 $0x60, s0;
	s0 =	simm.s32 $0x5;
	s3 =	simm.s32 $0x180  }
.LBB2_1:
0x20: {  	s13 =	simm.s32 $0x0;
	s14 =	simm.s32 $0x200  }
.LBB2_2:
0x21: {  	p2 =	sne.s32 s14, $0xFE00;
	[tilespmem:s13+$0x370] =	vst v0  }
0x22: {  	[tilespmem:s13+$0x300] =	vst v0  }
0x23: {  	[tilespmem:s13+$0x310] =	vst v0  }
.Ltmp0:
0x24: {  	[tilespmem:s13+$0x320] =	vst v0;
	(pc) =	sbr.rel @p2 .LBB2_2-.Ltmp0, $4  }
0x25: {  	[tilespmem:s13+$0x330] =	vst v0  }
0x26: {  	[tilespmem:s13+$0x340] =	vst v0  }
0x27: {  	[tilespmem:s13+$0x350] =	vst v0  }
0x28: {  	[tilespmem:s13+$0x360] =	vst v0;
	s13 =	sshra.s32 s14, $0x2;
	s14 =	sadd.s32 $0x200, s14  }
0x29: {  	[tilespmem:s13+$0x370] =	vst v0  }
0x2a: {  	[tilespmem:s13+$0x300] =	vst v0  }
0x2b: {  	[tilespmem:s13+$0x310] =	vst v0  }
0x2c: {  	[tilespmem:s13+$0x320] =	vst v0  }
0x2d: {  	[tilespmem:s13+$0x330] =	vst v0  }
0x2e: {  	[tilespmem:s13+$0x340] =	vst v0  }
0x2f: {  	[tilespmem:s13+$0x350] =	vst v0  }
0x30: {  	[tilespmem:s13+$0x360] =	vst v0  }
0x31: {  	[spmem:s5] =	stream.linear.scatter [tilespmem:s20], [sflag:$0xA], $0x4000, $0x38;
	[tilespmem:$0x1FB80] =	vst v63  }
0x32: {  	_ =	swait.ge [sflag:s21], $0x4000  }
0x33: {  	[sflag:s21] =	ssyncset.done $0x0  }
0x34: {  	s17 =	rddreg [dreg:$0x5];
	[sflag:s21] =	ssyncadd.s32 $0xFFFFC000  }
0x35: {  	[spmem:s17] =	stream.linear.scatter [tilespmem:s20], [sflag:$0xA], $0x4000, $0x38;
	[tilespmem:$0x1FB80] =	vst v63  }
0x36: {  	_ =	swait.ge [sflag:s21], $0x4000  }
0x37: {  	[sflag:s21] =	ssyncset.done $0x0  }
0x38: {  	s10 =	rddreg [dreg:$0x6];
	[sflag:s21] =	ssyncadd.s32 $0xFFFFC000  }
0x39: {  	[spmem:s10] =	stream.linear.scatter [tilespmem:s20], [sflag:$0xA], $0x4000, $0x38;
	[tilespmem:$0x1FB80] =	vst v63  }
0x3a: {  	_ =	swait.ge [sflag:s21], $0x4000  }
0x3b: {  	[sflag:s21] =	ssyncset.done $0x0  }
0x3c: {  	s14 =	rddreg [dreg:$0x7];
	[sflag:s21] =	ssyncadd.s32 $0xFFFFC000  }
0x3d: {  	[spmem:s14] =	stream.linear.scatter [tilespmem:s20], [sflag:$0xA], $0x4000, $0x38;
	[tilespmem:$0x1FB80] =	vst v63  }
0x3e: {  	_ =	swait.ge [sflag:s21], $0x4000  }
0x3f: {  	[sflag:s21] =	ssyncset.done $0x0  }
0x40: {  	s15 =	rddreg [dreg:$0x8];
	[sflag:s21] =	ssyncadd.s32 $0xFFFFC000  }
0x41: {  	[spmem:s15] =	stream.linear.scatter [tilespmem:s20], [sflag:$0xA], $0x3800, $0x38;
	[tilespmem:$0x1FB80] =	vst v63  }
0x42: {  	_ =	swait.ge [sflag:s21], $0x3800  }
0x43: {  	[sflag:s21] =	ssyncset.done $0x0  }
0x44: {  	s13 =	simm.s32 @!p0 $0x300;
	s10 =	rddreg [dreg:$0xf];
	[sflag:s21] =	ssyncadd.s32 $0xFFFFC800  }
0x45: {  	[spmem:s10] =	stream.linear.scatter @!p0 [tilespmem:s13], [sflag:$0xA], $0x800, $0x38;
	[tilespmem:$0x1FB80] =	vst v63  }
0x46: {  	s13 =	simm.s32 @!p0 $0xA  }
0x47: {  	_ =	swait.ge @!p0 [sflag:s13], $0x800  }
0x48: {  	[sflag:s13] =	ssyncset.done @!p0 $0x0  }
0x49: {  	[sflag:s13] =	ssyncadd.s32 @!p0 $0xFFFFF800  }
0x4a: {  	[bflag:$0x0] =	sbarrier.arrive $0xFFFF  }
0x4b: {  	s16 =	simm.s32 $0x0;
	s14 =	rddreg [dreg:$0x9]  }
0x4c: {  	[tilespmem:s16], [sflag:$0x1] =	stream.linear.gather [hbm4b:s14+s16], $0x100, $0x38;
	[tilespmem:$0x1FB80] =	vst v63  }
0x4d: {  	s17 =	rddreg [dreg:$0xa]  }
0x4e: {  	[tilespmem:s22], [sflag:$0x2] =	stream.linear.gather [hbm4b:s17+s16], $0x100, $0x38;
	[tilespmem:$0x1FB80] =	vst v63  }
0x4f: {  	s10 =	rddreg [dreg:$0xb]  }
0x50: {  	[tilespmem:s23], [sflag:$0x3] =	stream.linear.gather [hbm4b:s10+s16], $0x100, $0x38;
	[tilespmem:$0x1FB80] =	vst v63  }
0x51: {  	_ =	swait.ge [sflag:s24], $0x100  }
0x52: {  	[sflag:s24] =	ssyncset.done $0x0  }
0x53: {  	[sflag:s24] =	ssyncadd.s32 $0xFFFFFF00  }
0x54: {  	[tilespmem:s20], [sflag:$0x4] =	stream.indirect.gather [hbm4b:s1+s25], $0x80, s16, s25, $0xb8;
	[tilespmem:$0x1FB80] =	vst v63  }
0x55: {  	_ =	swait.ge [sflag:s26], $0x100  }
0x56: {  	[sflag:s26] =	ssyncset.done $0x0  }
0x57: {  	[sflag:s26] =	ssyncadd.s32 $0xFFFFFF00  }
0x58: {  	[tilespmem:s28], [sflag:$0x5] =	stream.indirect.gather [hbm4b:s1+s25], $0x80, s22, s25, $0xb8;
	[tilespmem:$0x1FB80] =	vst v63  }
0x59: {  	_ =	swait.ge [sflag:s29], $0x100  }
0x5a: {  	[sflag:s29] =	ssyncset.done $0x0  }
0x5b: {  	[sflag:s29] =	ssyncadd.s32 $0xFFFFFF00  }
0x5c: {  	[tilespmem:s30], [sflag:$0x6] =	stream.indirect.gather [hbm4b:s1+s25], $0x80, s23, s25, $0xb8;
	[tilespmem:$0x1FB80] =	vst v63  }
0x5d: {  	_ =	swait.ge [sflag:s31], $0x4000  }
0x5e: {  	[sflag:s31] =	ssyncset.done $0x0  }
0x5f: {  	[sflag:s31] =	ssyncadd.s32 $0xFFFFC000  }
0x60: {  	[spmem:s2] =	stream.indirect.scatter.add.f32 [tilespmem:s20], [sflag:$0x7], $0x80, s25, s25, $0xb8;
	[tilespmem:$0x1FB80] =	vst v63  }
0x61: {  	_ =	swait.ge [sflag:s0], $0x4000  }
0x62: {  	[sflag:s0] =	ssyncset.done $0x0  }
0x63: {  	[sflag:s0] =	ssyncadd.s32 $0xFFFFC000  }
0x64: {  	[spmem:s2] =	stream.indirect.scatter.add.f32 [tilespmem:s28], [sflag:$0x8], $0x80, s3, s25, $0xb8;
	[tilespmem:$0x1FB80] =	vst v63  }
0x65: {  	_ =	swait.ge [sflag:s6], $0x4000  }
0x66: {  	[sflag:s6] =	ssyncset.done $0x0  }
0x67: {  	[sflag:s6] =	ssyncadd.s32 $0xFFFFC000  }
0x68: {  	[spmem:s2] =	stream.indirect.scatter.add.f32 [tilespmem:s30], [sflag:$0x9], $0x80, s7, s25, $0xb8;
	[tilespmem:$0x1FB80] =	vst v63  }
0x69: {  	_ =	swait.ge [sflag:s8], $0x4000  }
0x6a: {  	[sflag:s8] =	ssyncset.done $0x0  }
0x6b: {  	s15 =	sadd.s32 $0x0, s19;
	[sflag:s8] =	ssyncadd.s32 $0xFFFFC000  }
0x6c: {  	[tilespmem:s4], [sflag:$0x1] =	stream.linear.gather [hbm4b:s15+s4], $0x100, $0x38;
	[tilespmem:$0x1FB80] =	vst v63  }
0x6d: {  	_ =	swait.ge [sflag:s9], $0x4000  }
0x6e: {  	s16 =	sadd.s32 $0x0, s18;
	[sflag:s9] =	ssyncset.done $0x0  }
0x6f: {  	s17 =	sadd.s32 $0x80, s16;
	[sflag:s9] =	ssyncadd.s32 $0xFFFFC000  }
0x70: {  	[tilespmem:s22], [sflag:$0x2] =	stream.linear.gather [hbm4b:s17+s4], $0x100, $0x38;
	[tilespmem:$0x1FB80] =	vst v63  }
0x71: {  	_ =	swait.ge [sflag:s12], $0x4000  }
0x72: {  	[sflag:s12] =	ssyncset.done $0x0  }
0x73: {  	s13 =	sadd.s32 $0xA0, s16;
	[sflag:s12] =	ssyncadd.s32 $0xFFFFC000  }
0x74: {  	[tilespmem:s23], [sflag:$0x3] =	stream.linear.gather [hbm4b:s13+s4], $0x100, $0x38;
	[tilespmem:$0x1FB80] =	vst v63  }
0x75: {  	_ =	swait.ge [sflag:s24], $0x100  }
0x76: {  	[sflag:s24] =	ssyncset.done $0x0  }
0x77: {  	[sflag:s24] =	ssyncadd.s32 $0xFFFFFF00  }
0x78: {  	[tilespmem:s20], [sflag:$0x4] =	stream.indirect.gather [hbm4b:s1+s25], $0x80, s4, s25, $0xb8;
	[tilespmem:$0x1FB80] =	vst v63  }
0x79: {  	_ =	swait.ge [sflag:s26], $0x100  }
0x7a: {  	[sflag:s26] =	ssyncset.done $0x0  }
0x7b: {  	[sflag:s26] =	ssyncadd.s32 $0xFFFFFF00  }
0x7c: {  	[tilespmem:s28], [sflag:$0x5] =	stream.indirect.gather [hbm4b:s1+s25], $0x80, s22, s25, $0xb8;
	[tilespmem:$0x1FB80] =	vst v63  }
0x7d: {  	_ =	swait.ge [sflag:s29], $0x100  }
0x7e: {  	[sflag:s29] =	ssyncset.done $0x0  }
0x7f: {  	[sflag:s29] =	ssyncadd.s32 $0xFFFFFF00  }
0x80: {  	[tilespmem:s30], [sflag:$0x6] =	stream.indirect.gather [hbm4b:s1+s25], $0x80, s23, s25, $0xb8;
	[tilespmem:$0x1FB80] =	vst v63  }
0x81: {  	_ =	swait.ge [sflag:s31], $0x4000  }
0x82: {  	[sflag:s31] =	ssyncset.done $0x0  }
0x83: {  	[sflag:s31] =	ssyncadd.s32 $0xFFFFC000  }
0x84: {  	[spmem:s2] =	stream.indirect.scatter.add.f32 [tilespmem:s20], [sflag:$0x7], $0x80, s25, s25, $0xb8;
	[tilespmem:$0x1FB80] =	vst v63  }
0x85: {  	_ =	swait.ge [sflag:s0], $0x4000  }
0x86: {  	[sflag:s0] =	ssyncset.done $0x0  }
0x87: {  	[sflag:s0] =	ssyncadd.s32 $0xFFFFC000  }
0x88: {  	[spmem:s2] =	stream.indirect.scatter.add.f32 [tilespmem:s28], [sflag:$0x8], $0x80, s3, s25, $0xb8;
	[tilespmem:$0x1FB80] =	vst v63  }
0x89: {  	_ =	swait.ge [sflag:s6], $0x4000  }
0x8a: {  	[sflag:s6] =	ssyncset.done $0x0  }
0x8b: {  	s13 =	simm.s32 $0x60;
	[sflag:s6] =	ssyncadd.s32 $0xFFFFC000  }
.LBB2_4:
0x8c: {  	[spmem:s2] =	stream.indirect.scatter.add.f32 [tilespmem:s30], [sflag:$0x9], $0x80, s7, s25, $0xb8;
	[tilespmem:$0x1FB80] =	vst v63  }
0x8d: {  	s14 =	smov.u32 s13  }
0x8e: {  	p2 =	sne.s32 s13, $0x900;
	s13 =	sadd.s32 $0x60, s13;
	_ =	swait.ge [sflag:s8], $0x4000  }
0x8f: {  	[sflag:s8] =	ssyncset.done $0x0  }
0x90: {  	s15 =	sadd.s32 s14, s19;
	[sflag:s8] =	ssyncadd.s32 $0xFFFFC000  }
0x91: {  	[tilespmem:s4], [sflag:$0x1] =	stream.linear.gather [hbm4b:s15+s4], $0x100, $0x38;
	[tilespmem:$0x1FB80] =	vst v63  }
0x92: {  	_ =	swait.ge [sflag:s9], $0x4000  }
0x93: {  	s14 =	sadd.s32 s14, s18;
	[sflag:s9] =	ssyncset.done $0x0  }
0x94: {  	s15 =	sadd.s32 $0x80, s14;
	[sflag:s9] =	ssyncadd.s32 $0xFFFFC000  }
0x95: {  	[tilespmem:s22], [sflag:$0x2] =	stream.linear.gather [hbm4b:s15+s4], $0x100, $0x38;
	[tilespmem:$0x1FB80] =	vst v63  }
0x96: {  	_ =	swait.ge [sflag:s12], $0x4000  }
0x97: {  	[sflag:s12] =	ssyncset.done $0x0  }
0x98: {  	s14 =	sadd.s32 $0xA0, s14;
	[sflag:s12] =	ssyncadd.s32 $0xFFFFC000  }
0x99: {  	[tilespmem:s23], [sflag:$0x3] =	stream.linear.gather [hbm4b:s14+s4], $0x100, $0x38;
	[tilespmem:$0x1FB80] =	vst v63  }
0x9a: {  	_ =	swait.ge [sflag:s24], $0x100  }
0x9b: {  	[sflag:s24] =	ssyncset.done $0x0  }
0x9c: {  	[sflag:s24] =	ssyncadd.s32 $0xFFFFFF00  }
0x9d: {  	[tilespmem:s20], [sflag:$0x4] =	stream.indirect.gather [hbm4b:s1+s25], $0x80, s4, s25, $0xb8;
	[tilespmem:$0x1FB80] =	vst v63  }
0x9e: {  	_ =	swait.ge [sflag:s26], $0x100  }
0x9f: {  	[sflag:s26] =	ssyncset.done $0x0  }
0xa0: {  	[sflag:s26] =	ssyncadd.s32 $0xFFFFFF00  }
0xa1: {  	[tilespmem:s28], [sflag:$0x5] =	stream.indirect.gather [hbm4b:s1+s25], $0x80, s22, s25, $0xb8;
	[tilespmem:$0x1FB80] =	vst v63  }
0xa2: {  	_ =	swait.ge [sflag:s29], $0x100  }
0xa3: {  	[sflag:s29] =	ssyncset.done $0x0  }
0xa4: {  	[sflag:s29] =	ssyncadd.s32 $0xFFFFFF00  }
0xa5: {  	[tilespmem:s30], [sflag:$0x6] =	stream.indirect.gather [hbm4b:s1+s25], $0x80, s23, s25, $0xb8;
	[tilespmem:$0x1FB80] =	vst v63  }
0xa6: {  	_ =	swait.ge [sflag:s31], $0x4000  }
0xa7: {  	[sflag:s31] =	ssyncset.done $0x0  }
0xa8: {  	[sflag:s31] =	ssyncadd.s32 $0xFFFFC000  }
0xa9: {  	[spmem:s2] =	stream.indirect.scatter.add.f32 [tilespmem:s20], [sflag:$0x7], $0x80, s25, s25, $0xb8;
	[tilespmem:$0x1FB80] =	vst v63  }
0xaa: {  	_ =	swait.ge [sflag:s0], $0x4000  }
0xab: {  	[sflag:s0] =	ssyncset.done $0x0  }
.Ltmp1:
0xac: {  	[sflag:s0] =	ssyncadd.s32 $0xFFFFC000;
	(pc) =	sbr.rel @p2 .LBB2_4-.Ltmp1, $4  }
0xad: {  	[spmem:s2] =	stream.indirect.scatter.add.f32 [tilespmem:s28], [sflag:$0x8], $0x80, s3, s25, $0xb8;
	[tilespmem:$0x1FB80] =	vst v63  }
0xae: {  	_ =	swait.ge [sflag:s6], $0x4000  }
0xaf: {  	[sflag:s6] =	ssyncset.done $0x0  }
0xb0: {  	[sflag:s6] =	ssyncadd.s32 $0xFFFFC000  }
0xb1: {  	[spmem:s2] =	stream.indirect.scatter.add.f32 [tilespmem:s30], [sflag:$0x9], $0x80, s7, s25, $0xb8;
	[tilespmem:$0x1FB80] =	vst v63  }
0xb2: {  	_ =	swait.ge [sflag:s8], $0x4000  }
0xb3: {  	[sflag:s8] =	ssyncset.done $0x0  }
0xb4: {  	[sflag:s8] =	ssyncadd.s32 $0xFFFFC000  }
0xb5: {  	_ =	swait.ge [sflag:s9], $0x4000  }
0xb6: {  	[sflag:s9] =	ssyncset.done $0x0  }
0xb7: {  	[sflag:s9] =	ssyncadd.s32 $0xFFFFC000  }
0xb8: {  	_ =	swait.ge [sflag:s12], $0x4000  }
0xb9: {  	[sflag:s12] =	ssyncset.done $0x0  }
0xba: {  	s13 =	simm.s32 @!p1 $0x0;
	s14 =	rddreg [dreg:$0xc];
	[sflag:s12] =	ssyncadd.s32 $0xFFFFC000  }
0xbb: {  	[tilespmem:s13], [sflag:$0x1] =	stream.linear.gather @!p1 [hbm4b:s14+s13], $0x100, $0x38;
	[tilespmem:$0x1FB80] =	vst v63  }
0xbc: {  	s14 =	simm.s32 @!p1 $0x1  }
0xbd: {  	_ =	swait.ge @!p1 [sflag:s14], $0x100  }
0xbe: {  	[sflag:s14] =	ssyncset.done @!p1 $0x0  }
0xbf: {  	s15 =	simm.s32 @!p1 $0x300;
	[sflag:s14] =	ssyncadd.s32 @!p1 $0xFFFFFF00;
	s14 =	simm.s32 @!p1 $0x80  }
0xc0: {  	[tilespmem:s15], [sflag:$0x4] =	stream.indirect.gather @!p1 [hbm4b:s1+s14], $0x80, s13, s14, $0xb8;
	[tilespmem:$0x1FB80] =	vst v63  }
0xc1: {  	s13 =	simm.s32 @!p1 $0x4  }
0xc2: {  	_ =	swait.ge @!p1 [sflag:s13], $0x4000  }
0xc3: {  	[sflag:s13] =	ssyncset.done @!p1 $0x0  }
0xc4: {  	[sflag:s13] =	ssyncadd.s32 @!p1 $0xFFFFC000;
	s13 =	simm.s32 @!p1 $0x7  }
0xc5: {  	[spmem:s2] =	stream.indirect.scatter.add.f32 @!p1 [tilespmem:s15], [sflag:$0x7], $0x80, s14, s14, $0xb8;
	[tilespmem:$0x1FB80] =	vst v63  }
0xc6: {  	_ =	swait.ge @!p1 [sflag:s13], $0x4000  }
0xc7: {  	[sflag:s13] =	ssyncset.done @!p1 $0x0  }
0xc8: {  	s14 =	stileid.u32;
	[sflag:s13] =	ssyncadd.s32 @!p1 $0xFFFFC000  }
0xc9: {  	s13 =	sshll.u32 s14, $0x6;
	[bflag:$0x0] =	sbarrier.arrive $0xFFFF  }
0xca: {  	s15 =	sshrl.u32 s5, $0x3;
	s13 =	sor.u32 $0x1C0A, s13;
	s16 =	rddreg [dreg:$0xd]  }
0xcb: {  	[hbm:s16@s22], [sflag:s13] =	dma.strided [spmem:s15@s25], $0x2700, s9, $0x10   }
0xcc: {  	s17 =	simm.s32 @!p0 $0x80;
	s15 =	simm.s32 @!p0 $0x8;
	_ =	swait.ge [sflag:s21], $0x2700  }
0xcd: {  	s16 =	simm.s32 @!p0 $0x100;
	[sflag:s21] =	ssyncset.done $0x0;
	s10 =	rddreg [dreg:$0xf]  }
0xce: {  	[sflag:s21] =	ssyncadd.s32 $0xFFFFD900;
	s14 =	sshrl.u32 @!p0 s10, $0x3;
	s10 =	rddreg [dreg:$0xe]  }
0xcf: {  	[hbm:s10@s16], [sflag:s13] =	dma.strided @!p0 [spmem:s14@s17], $0x100, s15, $0x10   }
0xd0: {  	s13 =	simm.s32 @!p0 $0xA  }
0xd1: {  	_ =	swait.ge @!p0 [sflag:s13], $0x100  }
0xd2: {  	s11 =	sadd.s32 $0x1, s11;
	s17 =	rddreg [dreg:$0x10]  }
0xd3: {  	p2 =	sne.s32 s11, s17  }
.Ltmp2:
0xd4: {  	_ = 	snop;
	(pc) =	sbr.rel @p2 .LBB2_1-.Ltmp2, $3  }
0xd5: {  	_ =	sdelay $0x1  }
0xd6: {  	[sflag:s13] =	ssyncset.done @!p0 $0x0  }
0xd7: {  	[sflag:s13] =	ssyncadd.s32 @!p0 $0xFFFFFF00  }
0xd8: {  	_ =	sfence.sel $0x180000  }
0xd9: {  	[bflag:$0x0] =	sbarrier.arrive $0xFFFF  }
0xda: {  	_ =	strace $0x9000004A  }
0xdb: {  	s0 =	stileid.u32;
	[bflag:$0x2] =	sbarrier.arrive $0xFFFF  }
0xdc: {  	p0 =	sne.s32 s0, $0x0;
	s0 =	rddreg [dreg:$0x4]  }
0xdd: {  	s0 =	sadd.s32 @!p0 $0x100000, s0  }
0xde: {  	[sflag:s0] =	ssyncadd.tile.s32 @!p0 $0x1;
	_ =	shalt  }
.Lfunc_end2:
_tile_overlayer_lowered:
.L_overlay_start_2:
0xdf: {  	(tag) =	ssettag $0x2  }
0xe0: {  	s0 =	rddreg [dreg:$0x0];
	s2 =	stileid.u32  }
0xe1: {  	s1 =	rddreg [dreg:$0x1];
	p0 =	sne.s32 s2, $0x0  }
0xe2: {  	s3 =	rddreg [dreg:$0x2];
	[bflag:$0x3] =	sbarrier.arrive $0xFFFF;
	s2 =	simm.s32 @!p0 $0x1C0A  }
0xe3: {  	[timem:s3], [sflag:s2] =	dma.local @!p0 [hbm:s0], s1  }
0xe4: {  	s0 =	simm.s32 @!p0 $0xA  }
0xe5: {  	_ =	swait.ge @!p0 [sflag:s0], s1  }
0xe6: {  	s1 =	ssub.s32 @!p0 $0x0, s1;
	[sflag:s0] =	ssyncset.done @!p0 $0x0  }
0xe7: {  	[sflag:s0] =	ssyncadd.s32 @!p0 s1  }
0xe8: {  	[bflag:$0x3] =	sbarrier.arrive $0xFFFF  }
0xe9: {  	_ =	shalt  }

</sc_bundles>
